<compile_context>
chip_gen: v7x
topology: tpu7x:2x2x1
jax: 0.10.2.dev20260603
libtpu: 0.0.44.dev20260713+nightly
codegen_flags: <defaults>
</compile_context>

<pallas_src>
import functools

import jax
import jax.numpy as jnp
from jax import lax
from jax.experimental import pallas as pl
from jax.experimental.pallas import tpu as pltpu
from jax.experimental.pallas import tpu_sc as plsc

N_NODES = 50000
N_EDGES = 800000
D_IN = 65
HID = 64
HID2 = 2 * HID

NC, NS, LANES = 2, 16, 16
NW = NC * NS
IDX_W = 128
CHUNK = 128
E_PAD = 802816
K_SPLIT = 2
E_K = E_PAD // K_SPLIT
EW = E_K // NW
N_CH = EW // CHUNK

NHALF = N_NODES // 2
CHUNK_SC = 256
N_IDX_SC = CHUNK_SC // IDX_W
N_CH_SC = (E_K // NS) // CHUNK_SC
TRASH = 25088
ACC_ROWS = TRASH + 8
NZCOPY = TRASH // CHUNK_SC
STRIPE_O = 1563
LAST_O = NHALF - (NS - 1) * STRIPE_O

MLP_BR = 2048

_mesh = plsc.VectorSubcoreMesh(core_axis_name="c", subcore_axis_name="s")
_sc_params = pltpu.CompilerParams(use_tc_tiling_on_sc=False)


def _proj_body(x_ref, w_ref, o_ref):
    y = jnp.dot(x_ref[...], w_ref[...], preferred_element_type=jnp.float32)
    o_ref[...] = jnp.concatenate([y, -y], axis=-1)


def _proj(x, W1):
    return pl.pallas_call(
        _proj_body,
        grid=(25,),
        in_specs=[pl.BlockSpec((2000, D_IN), lambda i: (i, 0)),
                  pl.BlockSpec((D_IN, HID), lambda i: (0, 0))],
        out_specs=pl.BlockSpec((2000, HID2), lambda i: (i, 0)),
        out_shape=jax.ShapeDtypeStruct((N_NODES, HID2), jnp.float32),
    )(x, W1)


@functools.partial(
    pl.kernel,
    mesh=_mesh,
    out_type=[jax.ShapeDtypeStruct((E_K, HID2), jnp.float32),
              jax.ShapeDtypeStruct((E_K, HID2), jnp.float32)],
    scratch_types=[pltpu.VMEM((N_CH, IDX_W), jnp.int32),
                   pltpu.VMEM((N_CH, IDX_W), jnp.int32),
                   pltpu.VMEM((CHUNK, HID2), jnp.float32),
                   pltpu.VMEM((CHUNK, HID2), jnp.float32),
                   pltpu.VMEM((CHUNK, HID2), jnp.float32),
                   pltpu.VMEM((CHUNK, HID2), jnp.float32),
                   pltpu.SemaphoreType.DMA,
                   pltpu.SemaphoreType.DMA,
                   pltpu.SemaphoreType.DMA],
    compiler_params=_sc_params,
)
def _gather_kernel(y_hbm, src_hbm, dst_hbm, gs_hbm, gd_hbm,
                   isv, idv, rs0, rd0, rs1, rd1, sem_g, sem_w0, sem_w1):
    wid = lax.axis_index("s") * NC + lax.axis_index("c")
    cp_s = pltpu.async_copy(src_hbm.at[pl.ds(wid * N_CH, N_CH)], isv, sem_g)
    cp_d = pltpu.async_copy(dst_hbm.at[pl.ds(wid * N_CH, N_CH)], idv, sem_g)
    cp_s.wait()
    cp_d.wait()
    base_e = wid * EW

    @pl.loop(0, N_CH // 2)
    def _(p):
        for x, (rs, rd, sem_w) in enumerate(((rs0, rd0, sem_w0),
                                             (rs1, rd1, sem_w1))):
            ch = 2 * p + x

            @pl.when(p > 0)
            def _():
                pltpu.make_async_copy(
                    rs, gs_hbm.at[pl.ds(0, CHUNK)], sem_w).wait()
                pltpu.make_async_copy(
                    rd, gd_hbm.at[pl.ds(0, CHUNK)], sem_w).wait()

            cg1 = pltpu.async_copy(y_hbm.at[isv.at[ch]], rs, sem_g)
            cg2 = pltpu.async_copy(y_hbm.at[idv.at[ch]], rd, sem_g)
            cg1.wait()
            cg2.wait()
            e0 = base_e + ch * CHUNK
            pltpu.async_copy(rs, gs_hbm.at[pl.ds(e0, CHUNK)], sem_w)
            pltpu.async_copy(rd, gd_hbm.at[pl.ds(e0, CHUNK)], sem_w)

    for rs, rd, sem_w in ((rs0, rd0, sem_w0), (rs1, rd1, sem_w1)):
        pltpu.make_async_copy(rs, gs_hbm.at[pl.ds(0, CHUNK)], sem_w).wait()
        pltpu.make_async_copy(rd, gd_hbm.at[pl.ds(0, CHUNK)], sem_w).wait()


def _mlp_body(base, b1_ref, w2_ref, b2_ref, w3_ref, b3_ref,
              gs_ref, gd_ref, m_ref):
    i = pl.program_id(0)
    d = gs_ref[...] - gd_ref[...]
    h = jnp.maximum(d + b1_ref[...], 0.0)
    h = jnp.dot(h.astype(jnp.bfloat16), w2_ref[...],
                preferred_element_type=jnp.float32)
    h = jnp.maximum(h + b2_ref[...], 0.0)
    m = jnp.dot(h.astype(jnp.bfloat16), w3_ref[...],
                preferred_element_type=jnp.float32)
    m = m + b3_ref[...]
    row = base + i * MLP_BR + lax.broadcasted_iota(jnp.int32, m.shape, 0)
    m_ref[...] = jnp.where(row < N_EDGES, m, 0.0)


def _mlp(base, b1d, W2z, b2, W3, b3, gs, gd):
    grid = E_K // MLP_BR
    return pl.pallas_call(
        functools.partial(_mlp_body, base),
        grid=(grid,),
        in_specs=[pl.BlockSpec((1, HID2), lambda i: (0, 0)),
                  pl.BlockSpec((HID2, HID), lambda i: (0, 0)),
                  pl.BlockSpec((1, HID), lambda i: (0, 0)),
                  pl.BlockSpec((HID, HID), lambda i: (0, 0)),
                  pl.BlockSpec((1, HID), lambda i: (0, 0)),
                  pl.BlockSpec((MLP_BR, HID2), lambda i: (i, 0)),
                  pl.BlockSpec((MLP_BR, HID2), lambda i: (i, 0))],
        out_specs=pl.BlockSpec((MLP_BR, HID), lambda i: (i, 0)),
        out_shape=jax.ShapeDtypeStruct((E_K, HID), jnp.float32),
    )(b1d, W2z, b2, W3, b3, gs, gd)


@functools.partial(
    pl.kernel,
    mesh=_mesh,
    out_type=jax.ShapeDtypeStruct((N_NODES, HID), jnp.float32),
    scratch_types=[pltpu.VMEM((N_IDX_SC, IDX_W), jnp.int32),
                   pltpu.VMEM((CHUNK_SC, HID), jnp.float32),
                   pltpu.VMEM_SHARED((ACC_ROWS, HID), jnp.float32),
                   pltpu.SemaphoreType.DMA],
    compiler_params=_sc_params,
)
def _scatter_kernel(m0_hbm, m1_hbm, dst_hbm, out_hbm, idxv, rows, acc, sem):
    cid = lax.axis_index("c")
    sid = lax.axis_index("s")

    @pl.loop(0, CHUNK_SC)
    def _(r):
        for q in range(HID // LANES):
            rows[r, pl.ds(q * LANES, LANES)] = jnp.zeros((LANES,),
                                                         jnp.float32)

    for k in range(7):
        zi = sid * 7 + k

        @pl.when(zi < NZCOPY)
        def _():
            pltpu.sync_copy(rows, acc.at[pl.ds(zi * CHUNK_SC, CHUNK_SC)])
    plsc.subcore_barrier()

    node0 = cid * NHALF

    for k, m_hbm in enumerate((m0_hbm, m1_hbm)):

        @pl.loop(0, N_CH_SC)
        def _(c):
            ch = sid * N_CH_SC + c
            row0 = k * (E_K // IDX_W) + ch * N_IDX_SC
            e0 = ch * CHUNK_SC
            cp_i = pltpu.async_copy(dst_hbm.at[pl.ds(row0, N_IDX_SC)],
                                    idxv, sem)
            cp_m = pltpu.async_copy(m_hbm.at[pl.ds(e0, CHUNK_SC)], rows, sem)
            cp_i.wait()
            cp_m.wait()
            for j in range(N_IDX_SC):
                for q in range(IDX_W // LANES):
                    v = idxv[j, pl.ds(q * LANES, LANES)]
                    loc = v - node0
                    ok = (loc >= 0) & (loc < NHALF)
                    idxv[j, pl.ds(q * LANES, LANES)] = jnp.where(
                        ok, loc, TRASH + (v & 7))
            for j in range(N_IDX_SC):
                pltpu.sync_copy(rows.at[pl.ds(j * IDX_W, IDX_W)],
                                acc.at[idxv.at[j]], add=True)

    plsc.subcore_barrier()

    out0 = cid * NHALF

    @pl.when(sid < NS - 1)
    def _():
        pltpu.sync_copy(acc.at[pl.ds(sid * STRIPE_O, STRIPE_O)],
                        out_hbm.at[pl.ds(out0 + sid * STRIPE_O, STRIPE_O)])

    @pl.when(sid == NS - 1)
    def _():
        pltpu.sync_copy(acc.at[pl.ds((NS - 1) * STRIPE_O, LAST_O)],
                        out_hbm.at[pl.ds(out0 + (NS - 1) * STRIPE_O, LAST_O)])


def kernel(x, edge_index, W1, b1, W2, b2, W3, b3):
    src = edge_index[0]
    dst = edge_index[1]
    pad = E_PAD - N_EDGES
    src2d = jnp.concatenate(
        [src, jnp.zeros((pad,), jnp.int32)]).reshape(E_PAD // IDX_W, IDX_W)
    dst2d = jnp.concatenate(
        [dst, jnp.zeros((pad,), jnp.int32)]).reshape(E_PAD // IDX_W, IDX_W)

    W2z = jnp.concatenate([W2.astype(jnp.bfloat16),
                           jnp.zeros((HID, HID), jnp.bfloat16)], axis=0)
    b1d = jnp.concatenate([b1, jnp.zeros((HID,), jnp.float32)]).reshape(
        1, HID2)

    y2 = _proj(x, W1)
    rows_k = E_K // IDX_W
    ms = []
    for k in range(K_SPLIT):
        s_k = lax.slice_in_dim(src2d, k * rows_k, (k + 1) * rows_k, axis=0)
        d_k = lax.slice_in_dim(dst2d, k * rows_k, (k + 1) * rows_k, axis=0)
        gs, gd = _gather_kernel(y2, s_k, d_k)
        ms.append(_mlp(k * E_K, b1d, W2z, b2.reshape(1, HID),
                       W3.astype(jnp.bfloat16), b3.reshape(1, HID), gs, gd))
    return _scatter_kernel(ms[0], ms[1], dst2d)

# --- scband reference (transcript-rebuilt; emitter-appended) ---
"""Pipeline reference for scband-model-40656160424195 (READ-ONLY COPY).

The authoritative reference and input builder live on the scoring server;
editing this copy changes nothing except your own understanding.
"""

import jax, jax.numpy as jnp
import numpy as np

N = 50000
E = 800000
D_IN = 65  # 1 + msg_features
H = 64


def _linear_init(key, fan_in, fan_out):
    k1, k2 = jax.random.split(key)
    bound = 1.0 / np.sqrt(fan_in)
    W = jax.random.uniform(k1, (fan_in, fan_out), minval=-bound, maxval=bound, dtype=jnp.float32)
    b = jax.random.uniform(k2, (fan_out,), minval=-bound, maxval=bound, dtype=jnp.float32)
    return W, b


def setup_inputs(seed: int = 0) -> dict:
    key = jax.random.key(seed)
    ks = jax.random.split(key, 5)
    x = jax.random.normal(ks[0], (N, D_IN), dtype=jnp.float32)
    edge_index = jax.random.randint(ks[1], (2, E), 0, N, dtype=jnp.int32)
    W1, b1 = _linear_init(ks[2], D_IN, H)
    W2, b2 = _linear_init(ks[3], H, H)
    W3, b3 = _linear_init(ks[4], H, H)
    return {"x": x, "edge_index": edge_index, "W1": W1, "b1": b1, "W2": W2, "b2": b2, "W3": W3, "b3": b3}


def reference(x, edge_index, W1, b1, W2, b2, W3, b3):
    # ModGNNConv with nn = Sequential(Linear(1+msg,64), ReLU, Linear(64,64), ReLU, Linear(64,64)), aggr='add'
    # PyG convention: edge_index[0] = source (j), edge_index[1] = target (i); flow source_to_target.
    src = edge_index[0]
    dst = edge_index[1]
    x_j = jnp.take(x, src, axis=0)          # gather per-edge source features
    x_i = jnp.take(x, dst, axis=0)          # gather per-edge target features
    d = x_j - x_i                            # message input
    h = jax.nn.relu(d @ W1 + b1)
    h = jax.nn.relu(h @ W2 + b2)
    m = h @ W3 + b3                          # per-edge messages [E, 64]
    out = jax.ops.segment_sum(m, dst, num_segments=N)  # aggr='add' scatter-add to target nodes
    return out

if __name__ == "__main__":
    import jax
    _d = setup_inputs()
    print(jax.jit(kernel)(*tuple(_d.values())))

</pallas_src>

<mosaic_0001>
#map = affine_map<(d0, d1) -> (0, 0)>
module attributes {stable_mosaic.version = 14 : i64} {
  func.func @_gather_kernel(%arg0: i32, %arg1: i32, %arg2: memref<50000x128xf32, #tpu.memory_space<hbm>>, %arg3: memref<3136x128xi32, #tpu.memory_space<hbm>>, %arg4: memref<3136x128xi32, #tpu.memory_space<hbm>>, %arg5: memref<401408x128xf32, #tpu.memory_space<hbm>>, %arg6: memref<401408x128xf32, #tpu.memory_space<hbm>>, %arg7: memref<98x128xi32, #tpu.memory_space<vmem>>, %arg8: memref<98x128xi32, #tpu.memory_space<vmem>>, %arg9: memref<128x128xf32, #tpu.memory_space<vmem>>, %arg10: memref<128x128xf32, #tpu.memory_space<vmem>>, %arg11: memref<128x128xf32, #tpu.memory_space<vmem>>, %arg12: memref<128x128xf32, #tpu.memory_space<vmem>>, %arg13: memref<!tpu.dma_semaphore, #tpu.memory_space<semaphore_mem>>, %arg14: memref<!tpu.dma_semaphore, #tpu.memory_space<semaphore_mem>>, %arg15: memref<!tpu.dma_semaphore, #tpu.memory_space<semaphore_mem>>) attributes {dimension_semantics = [#tpu.dimension_semantics<core_parallel>, #tpu.dimension_semantics<subcore_parallel>], iteration_bounds = array<i64: 2, 16>, scalar_prefetch = 0 : i64, scratch_operands = 9 : i64, tpu.core_type = #tpu.core_type<sc_vector_subcore>, window_params = [{transform_indices = #map}, {transform_indices = #map}, {transform_indices = #map}, {transform_indices = #map}, {transform_indices = #map}]} {
    %mul3A = arith.constant 2 : i32
    %mul3A_0 = arith.muli %arg1, %mul3A : i32
    %add3A = arith.addi %mul3A_0, %arg0 : i32
    %mul3A_1 = arith.constant 98 : i32
    %mul3A_2 = arith.muli %add3A, %mul3A_1 : i32
    %dma_start3A = arith.constant 0 : i32
    %dma_start3A_3 = tpu.memref_slice %arg3[%mul3A_2, %dma_start3A] : memref<3136x128xi32, #tpu.memory_space<hbm>> -> memref<98x128xi32, #tpu.memory_space<hbm>>
    %dma_start3A_4 = arith.constant 0 : i32
    %dma_start3A_5 = tpu.memref_slice %arg3[%mul3A_2, %dma_start3A_4] : memref<3136x128xi32, #tpu.memory_space<hbm>> -> memref<98x128xi32, #tpu.memory_space<hbm>>
    tpu.enqueue_dma source(%dma_start3A_5 : memref<98x128xi32, #tpu.memory_space<hbm>>) target(%arg7 : memref<98x128xi32, #tpu.memory_space<vmem>>) target_semaphore(%arg13 : memref<!tpu.dma_semaphore, #tpu.memory_space<semaphore_mem>>)
    %mul3A_6 = arith.constant 98 : i32
    %mul3A_7 = arith.muli %add3A, %mul3A_6 : i32
    %dma_start3A_8 = arith.constant 0 : i32
    %dma_start3A_9 = tpu.memref_slice %arg4[%mul3A_7, %dma_start3A_8] : memref<3136x128xi32, #tpu.memory_space<hbm>> -> memref<98x128xi32, #tpu.memory_space<hbm>>
    %dma_start3A_10 = arith.constant 0 : i32
    %dma_start3A_11 = tpu.memref_slice %arg4[%mul3A_7, %dma_start3A_10] : memref<3136x128xi32, #tpu.memory_space<hbm>> -> memref<98x128xi32, #tpu.memory_space<hbm>>
    tpu.enqueue_dma source(%dma_start3A_11 : memref<98x128xi32, #tpu.memory_space<hbm>>) target(%arg8 : memref<98x128xi32, #tpu.memory_space<vmem>>) target_semaphore(%arg13 : memref<!tpu.dma_semaphore, #tpu.memory_space<semaphore_mem>>)
    %dma_wait3A = arith.constant 0 : i32
    %dma_wait3A_12 = tpu.memref_slice %arg3[%mul3A_2, %dma_wait3A] : memref<3136x128xi32, #tpu.memory_space<hbm>> -> memref<98x128xi32, #tpu.memory_space<hbm>>
    %dma_wait3A_13 = arith.constant 0 : i32
    %dma_wait3A_14 = tpu.memref_slice %arg3[%mul3A_2, %dma_wait3A_13] : memref<3136x128xi32, #tpu.memory_space<hbm>> -> memref<98x128xi32, #tpu.memory_space<hbm>>
    tpu.wait_dma2 semaphore(%arg13 : memref<!tpu.dma_semaphore, #tpu.memory_space<semaphore_mem>>) src(%dma_wait3A_14 : memref<98x128xi32, #tpu.memory_space<hbm>>) dst(%arg7 : memref<98x128xi32, #tpu.memory_space<vmem>>)
    %dma_wait3A_15 = arith.constant 0 : i32
    %dma_wait3A_16 = tpu.memref_slice %arg4[%mul3A_7, %dma_wait3A_15] : memref<3136x128xi32, #tpu.memory_space<hbm>> -> memref<98x128xi32, #tpu.memory_space<hbm>>
    %dma_wait3A_17 = arith.constant 0 : i32
    %dma_wait3A_18 = tpu.memref_slice %arg4[%mul3A_7, %dma_wait3A_17] : memref<3136x128xi32, #tpu.memory_space<hbm>> -> memref<98x128xi32, #tpu.memory_space<hbm>>
    tpu.wait_dma2 semaphore(%arg13 : memref<!tpu.dma_semaphore, #tpu.memory_space<semaphore_mem>>) src(%dma_wait3A_18 : memref<98x128xi32, #tpu.memory_space<hbm>>) dst(%arg8 : memref<98x128xi32, #tpu.memory_space<vmem>>)
    %mul3A_19 = arith.constant 12544 : i32
    %mul3A_20 = arith.muli %add3A, %mul3A_19 : i32
    %scan3A = arith.constant 0 : i32
    %scan3A_21 = arith.constant 49 : i32
    %scan3A_22 = arith.addi %scan3A, %scan3A_21 : i32
    %scan3A_23 = arith.constant 1 : i32
    scf.for %scan3A_49 = %scan3A to %scan3A_22 step %scan3A_23  : i32 {
      %mul3A_50 = arith.constant 1 : i32
      %mul3A_51 = arith.muli %scan3A_49, %mul3A_50 : i32
      %add3A_52 = arith.constant 0 : i32
      %add3A_53 = arith.addi %add3A_52, %mul3A_51 : i32
      %mul3A_54 = arith.constant 2 : i32
      %mul3A_55 = arith.muli %mul3A_54, %add3A_53 : i32
      %add3A_56 = arith.constant 0 : i32
      %add3A_57 = arith.addi %mul3A_55, %add3A_56 : i32
      %gt3A = arith.constant 0 : i32
      %gt3A_58 = arith.cmpi sgt, %add3A_53, %gt3A : i32
      %convert_element_type3A = arith.extui %gt3A_58 : i1 to i32
      %cond3A = arith.constant 0 : i32
      %cond3A_59 = arith.cmpi ne, %convert_element_type3A, %cond3A : i32
      scf.if %cond3A_59 {
        %dma_wait3A_139 = arith.constant 0 : i32
        %dma_wait3A_140 = arith.constant 0 : i32
        %dma_wait3A_141 = tpu.memref_slice %arg5[%dma_wait3A_139, %dma_wait3A_140] : memref<401408x128xf32, #tpu.memory_space<hbm>> -> memref<128x128xf32, #tpu.memory_space<hbm>>
        %dma_wait3A_142 = arith.constant 0 : i32
        %dma_wait3A_143 = arith.constant 0 : i32
        %dma_wait3A_144 = tpu.memref_slice %arg5[%dma_wait3A_142, %dma_wait3A_143] : memref<401408x128xf32, #tpu.memory_space<hbm>> -> memref<128x128xf32, #tpu.memory_space<hbm>>
        tpu.wait_dma2 semaphore(%arg14 : memref<!tpu.dma_semaphore, #tpu.memory_space<semaphore_mem>>) src(%arg9 : memref<128x128xf32, #tpu.memory_space<vmem>>) dst(%dma_wait3A_144 : memref<128x128xf32, #tpu.memory_space<hbm>>)
        %dma_wait3A_145 = arith.constant 0 : i32
        %dma_wait3A_146 = arith.constant 0 : i32
        %dma_wait3A_147 = tpu.memref_slice %arg6[%dma_wait3A_145, %dma_wait3A_146] : memref<401408x128xf32, #tpu.memory_space<hbm>> -> memref<128x128xf32, #tpu.memory_space<hbm>>
        %dma_wait3A_148 = arith.constant 0 : i32
        %dma_wait3A_149 = arith.constant 0 : i32
        %dma_wait3A_150 = tpu.memref_slice %arg6[%dma_wait3A_148, %dma_wait3A_149] : memref<401408x128xf32, #tpu.memory_space<hbm>> -> memref<128x128xf32, #tpu.memory_space<hbm>>
        tpu.wait_dma2 semaphore(%arg14 : memref<!tpu.dma_semaphore, #tpu.memory_space<semaphore_mem>>) src(%arg10 : memref<128x128xf32, #tpu.memory_space<vmem>>) dst(%dma_wait3A_150 : memref<128x128xf32, #tpu.memory_space<hbm>>)
      } else {
      }
      %dma_start3A_60 = arith.constant 0 : i32
      %dma_start3A_61 = tpu.memref_slice %arg7[%add3A_57, %dma_start3A_60] : memref<98x128xi32, #tpu.memory_space<vmem>> -> memref<1x128xi32, #tpu.memory_space<vmem>>
      %dma_start3A_62 = tpu.memref_squeeze %dma_start3A_61 : memref<1x128xi32, #tpu.memory_space<vmem>> -> memref<128xi32, #tpu.memory_space<vmem>>
      %dma_start3A_63 = arith.constant 0 : i32
      %dma_start3A_64 = arith.constant 0 : i32
      %dma_start3A_65 = tpu.memref_slice %arg2[%dma_start3A_63, %dma_start3A_64] : memref<50000x128xf32, #tpu.memory_space<hbm>> -> memref<50000x128xf32, #tpu.memory_space<hbm>>
      tpu.enqueue_indirect_dma source(%dma_start3A_65 : memref<50000x128xf32, #tpu.memory_space<hbm>>) target(%arg9 : memref<128x128xf32, #tpu.memory_space<vmem>>) offsets(%dma_start3A_62 : memref<128xi32, #tpu.memory_space<vmem>>) semaphore(%arg13 : memref<!tpu.dma_semaphore, #tpu.memory_space<semaphore_mem>>)
      %dma_start3A_66 = arith.constant 0 : i32
      %dma_start3A_67 = tpu.memref_slice %arg8[%add3A_57, %dma_start3A_66] : memref<98x128xi32, #tpu.memory_space<vmem>> -> memref<1x128xi32, #tpu.memory_space<vmem>>
      %dma_start3A_68 = tpu.memref_squeeze %dma_start3A_67 : memref<1x128xi32, #tpu.memory_space<vmem>> -> memref<128xi32, #tpu.memory_space<vmem>>
      %dma_start3A_69 = arith.constant 0 : i32
      %dma_start3A_70 = arith.constant 0 : i32
      %dma_start3A_71 = tpu.memref_slice %arg2[%dma_start3A_69, %dma_start3A_70] : memref<50000x128xf32, #tpu.memory_space<hbm>> -> memref<50000x128xf32, #tpu.memory_space<hbm>>
      tpu.enqueue_indirect_dma source(%dma_start3A_71 : memref<50000x128xf32, #tpu.memory_space<hbm>>) target(%arg10 : memref<128x128xf32, #tpu.memory_space<vmem>>) offsets(%dma_start3A_68 : memref<128xi32, #tpu.memory_space<vmem>>) semaphore(%arg13 : memref<!tpu.dma_semaphore, #tpu.memory_space<semaphore_mem>>)
      %dma_wait3A_72 = arith.constant 0 : i32
      %dma_wait3A_73 = tpu.memref_slice %arg7[%add3A_57, %dma_wait3A_72] : memref<98x128xi32, #tpu.memory_space<vmem>> -> memref<1x128xi32, #tpu.memory_space<vmem>>
      %dma_wait3A_74 = tpu.memref_squeeze %dma_wait3A_73 : memref<1x128xi32, #tpu.memory_space<vmem>> -> memref<128xi32, #tpu.memory_space<vmem>>
      %dma_wait3A_75 = arith.constant 0 : i32
      %dma_wait3A_76 = arith.constant 0 : i32
      %dma_wait3A_77 = tpu.memref_slice %arg2[%dma_wait3A_75, %dma_wait3A_76] : memref<50000x128xf32, #tpu.memory_space<hbm>> -> memref<50000x128xf32, #tpu.memory_space<hbm>>
      tpu.wait_indirect_dma semaphore(%arg13 : memref<!tpu.dma_semaphore, #tpu.memory_space<semaphore_mem>>) src(%dma_wait3A_77 : memref<50000x128xf32, #tpu.memory_space<hbm>>) dst(%arg9 : memref<128x128xf32, #tpu.memory_space<vmem>>)
      %dma_wait3A_78 = arith.constant 0 : i32
      %dma_wait3A_79 = tpu.memref_slice %arg8[%add3A_57, %dma_wait3A_78] : memref<98x128xi32, #tpu.memory_space<vmem>> -> memref<1x128xi32, #tpu.memory_space<vmem>>
      %dma_wait3A_80 = tpu.memref_squeeze %dma_wait3A_79 : memref<1x128xi32, #tpu.memory_space<vmem>> -> memref<128xi32, #tpu.memory_space<vmem>>
      %dma_wait3A_81 = arith.constant 0 : i32
      %dma_wait3A_82 = arith.constant 0 : i32
      %dma_wait3A_83 = tpu.memref_slice %arg2[%dma_wait3A_81, %dma_wait3A_82] : memref<50000x128xf32, #tpu.memory_space<hbm>> -> memref<50000x128xf32, #tpu.memory_space<hbm>>
      tpu.wait_indirect_dma semaphore(%arg13 : memref<!tpu.dma_semaphore, #tpu.memory_space<semaphore_mem>>) src(%dma_wait3A_83 : memref<50000x128xf32, #tpu.memory_space<hbm>>) dst(%arg10 : memref<128x128xf32, #tpu.memory_space<vmem>>)
      %mul3A_84 = arith.constant 128 : i32
      %mul3A_85 = arith.muli %add3A_57, %mul3A_84 : i32
      %add3A_86 = arith.addi %mul3A_20, %mul3A_85 : i32
      %dma_start3A_87 = arith.constant 0 : i32
      %dma_start3A_88 = tpu.memref_slice %arg5[%add3A_86, %dma_start3A_87] : memref<401408x128xf32, #tpu.memory_space<hbm>> -> memref<128x128xf32, #tpu.memory_space<hbm>>
      %dma_start3A_89 = arith.constant 0 : i32
      %dma_start3A_90 = tpu.memref_slice %arg5[%add3A_86, %dma_start3A_89] : memref<401408x128xf32, #tpu.memory_space<hbm>> -> memref<128x128xf32, #tpu.memory_space<hbm>>
      tpu.enqueue_dma source(%arg9 : memref<128x128xf32, #tpu.memory_space<vmem>>) target(%dma_start3A_90 : memref<128x128xf32, #tpu.memory_space<hbm>>) target_semaphore(%arg14 : memref<!tpu.dma_semaphore, #tpu.memory_space<semaphore_mem>>)
      %dma_start3A_91 = arith.constant 0 : i32
      %dma_start3A_92 = tpu.memref_slice %arg6[%add3A_86, %dma_start3A_91] : memref<401408x128xf32, #tpu.memory_space<hbm>> -> memref<128x128xf32, #tpu.memory_space<hbm>>
      %dma_start3A_93 = arith.constant 0 : i32
      %dma_start3A_94 = tpu.memref_slice %arg6[%add3A_86, %dma_start3A_93] : memref<401408x128xf32, #tpu.memory_space<hbm>> -> memref<128x128xf32, #tpu.memory_space<hbm>>
      tpu.enqueue_dma source(%arg10 : memref<128x128xf32, #tpu.memory_space<vmem>>) target(%dma_start3A_94 : memref<128x128xf32, #tpu.memory_space<hbm>>) target_semaphore(%arg14 : memref<!tpu.dma_semaphore, #tpu.memory_space<semaphore_mem>>)
      %mul3A_95 = arith.constant 2 : i32
      %mul3A_96 = arith.muli %mul3A_95, %add3A_53 : i32
      %add3A_97 = arith.constant 1 : i32
      %add3A_98 = arith.addi %mul3A_96, %add3A_97 : i32
      %gt3A_99 = arith.constant 0 : i32
      %gt3A_100 = arith.cmpi sgt, %add3A_53, %gt3A_99 : i32
      %convert_element_type3A_101 = arith.extui %gt3A_100 : i1 to i32
      %cond3A_102 = arith.constant 0 : i32
      %cond3A_103 = arith.cmpi ne, %convert_element_type3A_101, %cond3A_102 : i32
      scf.if %cond3A_103 {
        %dma_wait3A_139 = arith.constant 0 : i32
        %dma_wait3A_140 = arith.constant 0 : i32
        %dma_wait3A_141 = tpu.memref_slice %arg5[%dma_wait3A_139, %dma_wait3A_140] : memref<401408x128xf32, #tpu.memory_space<hbm>> -> memref<128x128xf32, #tpu.memory_space<hbm>>
        %dma_wait3A_142 = arith.constant 0 : i32
        %dma_wait3A_143 = arith.constant 0 : i32
        %dma_wait3A_144 = tpu.memref_slice %arg5[%dma_wait3A_142, %dma_wait3A_143] : memref<401408x128xf32, #tpu.memory_space<hbm>> -> memref<128x128xf32, #tpu.memory_space<hbm>>
        tpu.wait_dma2 semaphore(%arg15 : memref<!tpu.dma_semaphore, #tpu.memory_space<semaphore_mem>>) src(%arg11 : memref<128x128xf32, #tpu.memory_space<vmem>>) dst(%dma_wait3A_144 : memref<128x128xf32, #tpu.memory_space<hbm>>)
        %dma_wait3A_145 = arith.constant 0 : i32
        %dma_wait3A_146 = arith.constant 0 : i32
        %dma_wait3A_147 = tpu.memref_slice %arg6[%dma_wait3A_145, %dma_wait3A_146] : memref<401408x128xf32, #tpu.memory_space<hbm>> -> memref<128x128xf32, #tpu.memory_space<hbm>>
        %dma_wait3A_148 = arith.constant 0 : i32
        %dma_wait3A_149 = arith.constant 0 : i32
        %dma_wait3A_150 = tpu.memref_slice %arg6[%dma_wait3A_148, %dma_wait3A_149] : memref<401408x128xf32, #tpu.memory_space<hbm>> -> memref<128x128xf32, #tpu.memory_space<hbm>>
        tpu.wait_dma2 semaphore(%arg15 : memref<!tpu.dma_semaphore, #tpu.memory_space<semaphore_mem>>) src(%arg12 : memref<128x128xf32, #tpu.memory_space<vmem>>) dst(%dma_wait3A_150 : memref<128x128xf32, #tpu.memory_space<hbm>>)
      } else {
      }
      %dma_start3A_104 = arith.constant 0 : i32
      %dma_start3A_105 = tpu.memref_slice %arg7[%add3A_98, %dma_start3A_104] : memref<98x128xi32, #tpu.memory_space<vmem>> -> memref<1x128xi32, #tpu.memory_space<vmem>>
      %dma_start3A_106 = tpu.memref_squeeze %dma_start3A_105 : memref<1x128xi32, #tpu.memory_space<vmem>> -> memref<128xi32, #tpu.memory_space<vmem>>
      %dma_start3A_107 = arith.constant 0 : i32
      %dma_start3A_108 = arith.constant 0 : i32
      %dma_start3A_109 = tpu.memref_slice %arg2[%dma_start3A_107, %dma_start3A_108] : memref<50000x128xf32, #tpu.memory_space<hbm>> -> memref<50000x128xf32, #tpu.memory_space<hbm>>
      tpu.enqueue_indirect_dma source(%dma_start3A_109 : memref<50000x128xf32, #tpu.memory_space<hbm>>) target(%arg11 : memref<128x128xf32, #tpu.memory_space<vmem>>) offsets(%dma_start3A_106 : memref<128xi32, #tpu.memory_space<vmem>>) semaphore(%arg13 : memref<!tpu.dma_semaphore, #tpu.memory_space<semaphore_mem>>)
      %dma_start3A_110 = arith.constant 0 : i32
      %dma_start3A_111 = tpu.memref_slice %arg8[%add3A_98, %dma_start3A_110] : memref<98x128xi32, #tpu.memory_space<vmem>> -> memref<1x128xi32, #tpu.memory_space<vmem>>
      %dma_start3A_112 = tpu.memref_squeeze %dma_start3A_111 : memref<1x128xi32, #tpu.memory_space<vmem>> -> memref<128xi32, #tpu.memory_space<vmem>>
      %dma_start3A_113 = arith.constant 0 : i32
      %dma_start3A_114 = arith.constant 0 : i32
      %dma_start3A_115 = tpu.memref_slice %arg2[%dma_start3A_113, %dma_start3A_114] : memref<50000x128xf32, #tpu.memory_space<hbm>> -> memref<50000x128xf32, #tpu.memory_space<hbm>>
      tpu.enqueue_indirect_dma source(%dma_start3A_115 : memref<50000x128xf32, #tpu.memory_space<hbm>>) target(%arg12 : memref<128x128xf32, #tpu.memory_space<vmem>>) offsets(%dma_start3A_112 : memref<128xi32, #tpu.memory_space<vmem>>) semaphore(%arg13 : memref<!tpu.dma_semaphore, #tpu.memory_space<semaphore_mem>>)
      %dma_wait3A_116 = arith.constant 0 : i32
      %dma_wait3A_117 = tpu.memref_slice %arg7[%add3A_98, %dma_wait3A_116] : memref<98x128xi32, #tpu.memory_space<vmem>> -> memref<1x128xi32, #tpu.memory_space<vmem>>
      %dma_wait3A_118 = tpu.memref_squeeze %dma_wait3A_117 : memref<1x128xi32, #tpu.memory_space<vmem>> -> memref<128xi32, #tpu.memory_space<vmem>>
      %dma_wait3A_119 = arith.constant 0 : i32
      %dma_wait3A_120 = arith.constant 0 : i32
      %dma_wait3A_121 = tpu.memref_slice %arg2[%dma_wait3A_119, %dma_wait3A_120] : memref<50000x128xf32, #tpu.memory_space<hbm>> -> memref<50000x128xf32, #tpu.memory_space<hbm>>
      tpu.wait_indirect_dma semaphore(%arg13 : memref<!tpu.dma_semaphore, #tpu.memory_space<semaphore_mem>>) src(%dma_wait3A_121 : memref<50000x128xf32, #tpu.memory_space<hbm>>) dst(%arg11 : memref<128x128xf32, #tpu.memory_space<vmem>>)
      %dma_wait3A_122 = arith.constant 0 : i32
      %dma_wait3A_123 = tpu.memref_slice %arg8[%add3A_98, %dma_wait3A_122] : memref<98x128xi32, #tpu.memory_space<vmem>> -> memref<1x128xi32, #tpu.memory_space<vmem>>
      %dma_wait3A_124 = tpu.memref_squeeze %dma_wait3A_123 : memref<1x128xi32, #tpu.memory_space<vmem>> -> memref<128xi32, #tpu.memory_space<vmem>>
      %dma_wait3A_125 = arith.constant 0 : i32
      %dma_wait3A_126 = arith.constant 0 : i32
      %dma_wait3A_127 = tpu.memref_slice %arg2[%dma_wait3A_125, %dma_wait3A_126] : memref<50000x128xf32, #tpu.memory_space<hbm>> -> memref<50000x128xf32, #tpu.memory_space<hbm>>
      tpu.wait_indirect_dma semaphore(%arg13 : memref<!tpu.dma_semaphore, #tpu.memory_space<semaphore_mem>>) src(%dma_wait3A_127 : memref<50000x128xf32, #tpu.memory_space<hbm>>) dst(%arg12 : memref<128x128xf32, #tpu.memory_space<vmem>>)
      %mul3A_128 = arith.constant 128 : i32
      %mul3A_129 = arith.muli %add3A_98, %mul3A_128 : i32
      %add3A_130 = arith.addi %mul3A_20, %mul3A_129 : i32
      %dma_start3A_131 = arith.constant 0 : i32
      %dma_start3A_132 = tpu.memref_slice %arg5[%add3A_130, %dma_start3A_131] : memref<401408x128xf32, #tpu.memory_space<hbm>> -> memref<128x128xf32, #tpu.memory_space<hbm>>
      %dma_start3A_133 = arith.constant 0 : i32
      %dma_start3A_134 = tpu.memref_slice %arg5[%add3A_130, %dma_start3A_133] : memref<401408x128xf32, #tpu.memory_space<hbm>> -> memref<128x128xf32, #tpu.memory_space<hbm>>
      tpu.enqueue_dma source(%arg11 : memref<128x128xf32, #tpu.memory_space<vmem>>) target(%dma_start3A_134 : memref<128x128xf32, #tpu.memory_space<hbm>>) target_semaphore(%arg15 : memref<!tpu.dma_semaphore, #tpu.memory_space<semaphore_mem>>)
      %dma_start3A_135 = arith.constant 0 : i32
      %dma_start3A_136 = tpu.memref_slice %arg6[%add3A_130, %dma_start3A_135] : memref<401408x128xf32, #tpu.memory_space<hbm>> -> memref<128x128xf32, #tpu.memory_space<hbm>>
      %dma_start3A_137 = arith.constant 0 : i32
      %dma_start3A_138 = tpu.memref_slice %arg6[%add3A_130, %dma_start3A_137] : memref<401408x128xf32, #tpu.memory_space<hbm>> -> memref<128x128xf32, #tpu.memory_space<hbm>>
      tpu.enqueue_dma source(%arg12 : memref<128x128xf32, #tpu.memory_space<vmem>>) target(%dma_start3A_138 : memref<128x128xf32, #tpu.memory_space<hbm>>) target_semaphore(%arg15 : memref<!tpu.dma_semaphore, #tpu.memory_space<semaphore_mem>>)
    }
    %scan3A_24 = arith.constant 49 : i32
    %dma_wait3A_25 = arith.constant 0 : i32
    %dma_wait3A_26 = arith.constant 0 : i32
    %dma_wait3A_27 = tpu.memref_slice %arg5[%dma_wait3A_25, %dma_wait3A_26] : memref<401408x128xf32, #tpu.memory_space<hbm>> -> memref<128x128xf32, #tpu.memory_space<hbm>>
    %dma_wait3A_28 = arith.constant 0 : i32
    %dma_wait3A_29 = arith.constant 0 : i32
    %dma_wait3A_30 = tpu.memref_slice %arg5[%dma_wait3A_28, %dma_wait3A_29] : memref<401408x128xf32, #tpu.memory_space<hbm>> -> memref<128x128xf32, #tpu.memory_space<hbm>>
    tpu.wait_dma2 semaphore(%arg14 : memref<!tpu.dma_semaphore, #tpu.memory_space<semaphore_mem>>) src(%arg9 : memref<128x128xf32, #tpu.memory_space<vmem>>) dst(%dma_wait3A_30 : memref<128x128xf32, #tpu.memory_space<hbm>>)
    %dma_wait3A_31 = arith.constant 0 : i32
    %dma_wait3A_32 = arith.constant 0 : i32
    %dma_wait3A_33 = tpu.memref_slice %arg6[%dma_wait3A_31, %dma_wait3A_32] : memref<401408x128xf32, #tpu.memory_space<hbm>> -> memref<128x128xf32, #tpu.memory_space<hbm>>
    %dma_wait3A_34 = arith.constant 0 : i32
    %dma_wait3A_35 = arith.constant 0 : i32
    %dma_wait3A_36 = tpu.memref_slice %arg6[%dma_wait3A_34, %dma_wait3A_35] : memref<401408x128xf32, #tpu.memory_space<hbm>> -> memref<128x128xf32, #tpu.memory_space<hbm>>
    tpu.wait_dma2 semaphore(%arg14 : memref<!tpu.dma_semaphore, #tpu.memory_space<semaphore_mem>>) src(%arg10 : memref<128x128xf32, #tpu.memory_space<vmem>>) dst(%dma_wait3A_36 : memref<128x128xf32, #tpu.memory_space<hbm>>)
    %dma_wait3A_37 = arith.constant 0 : i32
    %dma_wait3A_38 = arith.constant 0 : i32
    %dma_wait3A_39 = tpu.memref_slice %arg5[%dma_wait3A_37, %dma_wait3A_38] : memref<401408x128xf32, #tpu.memory_space<hbm>> -> memref<128x128xf32, #tpu.memory_space<hbm>>
    %dma_wait3A_40 = arith.constant 0 : i32
    %dma_wait3A_41 = arith.constant 0 : i32
    %dma_wait3A_42 = tpu.memref_slice %arg5[%dma_wait3A_40, %dma_wait3A_41] : memref<401408x128xf32, #tpu.memory_space<hbm>> -> memref<128x128xf32, #tpu.memory_space<hbm>>
    tpu.wait_dma2 semaphore(%arg15 : memref<!tpu.dma_semaphore, #tpu.memory_space<semaphore_mem>>) src(%arg11 : memref<128x128xf32, #tpu.memory_space<vmem>>) dst(%dma_wait3A_42 : memref<128x128xf32, #tpu.memory_space<hbm>>)
    %dma_wait3A_43 = arith.constant 0 : i32
    %dma_wait3A_44 = arith.constant 0 : i32
    %dma_wait3A_45 = tpu.memref_slice %arg6[%dma_wait3A_43, %dma_wait3A_44] : memref<401408x128xf32, #tpu.memory_space<hbm>> -> memref<128x128xf32, #tpu.memory_space<hbm>>
    %dma_wait3A_46 = arith.constant 0 : i32
    %dma_wait3A_47 = arith.constant 0 : i32
    %dma_wait3A_48 = tpu.memref_slice %arg6[%dma_wait3A_46, %dma_wait3A_47] : memref<401408x128xf32, #tpu.memory_space<hbm>> -> memref<128x128xf32, #tpu.memory_space<hbm>>
    tpu.wait_dma2 semaphore(%arg15 : memref<!tpu.dma_semaphore, #tpu.memory_space<semaphore_mem>>) src(%arg12 : memref<128x128xf32, #tpu.memory_space<vmem>>) dst(%dma_wait3A_48 : memref<128x128xf32, #tpu.memory_space<hbm>>)
    return
  }
}

#map = affine_map<(d0, d1) -> (0, 0)>
module attributes {stable_mosaic.version = 14 : i64} {
  func.func @_gather_kernel(%arg0: i32, %arg1: i32, %arg2: memref<50000x128xf32, #tpu.memory_space<hbm>>, %arg3: memref<3136x128xi32, #tpu.memory_space<hbm>>, %arg4: memref<3136x128xi32, #tpu.memory_space<hbm>>, %arg5: memref<401408x128xf32, #tpu.memory_space<hbm>>, %arg6: memref<401408x128xf32, #tpu.memory_space<hbm>>, %arg7: memref<98x128xi32, #tpu.memory_space<vmem>>, %arg8: memref<98x128xi32, #tpu.memory_space<vmem>>, %arg9: memref<128x128xf32, #tpu.memory_space<vmem>>, %arg10: memref<128x128xf32, #tpu.memory_space<vmem>>, %arg11: memref<128x128xf32, #tpu.memory_space<vmem>>, %arg12: memref<128x128xf32, #tpu.memory_space<vmem>>, %arg13: memref<!tpu.dma_semaphore, #tpu.memory_space<semaphore_mem>>, %arg14: memref<!tpu.dma_semaphore, #tpu.memory_space<semaphore_mem>>, %arg15: memref<!tpu.dma_semaphore, #tpu.memory_space<semaphore_mem>>) attributes {dimension_semantics = [#tpu.dimension_semantics<core_parallel>, #tpu.dimension_semantics<subcore_parallel>], iteration_bounds = array<i64: 2, 16>, scalar_prefetch = 0 : i64, scratch_operands = 9 : i64, tpu.core_type = #tpu.core_type<sc_vector_subcore>, window_params = [{transform_indices = #map}, {transform_indices = #map}, {transform_indices = #map}, {transform_indices = #map}, {transform_indices = #map}]} {
    %mul3A = arith.constant 2 : i32
    %mul3A_0 = arith.muli %arg1, %mul3A : i32
    %add3A = arith.addi %mul3A_0, %arg0 : i32
    %mul3A_1 = arith.constant 98 : i32
    %mul3A_2 = arith.muli %add3A, %mul3A_1 : i32
    %dma_start3A = arith.constant 0 : i32
    %dma_start3A_3 = tpu.memref_slice %arg3[%mul3A_2, %dma_start3A] : memref<3136x128xi32, #tpu.memory_space<hbm>> -> memref<98x128xi32, #tpu.memory_space<hbm>>
    %dma_start3A_4 = arith.constant 0 : i32
    %dma_start3A_5 = tpu.memref_slice %arg3[%mul3A_2, %dma_start3A_4] : memref<3136x128xi32, #tpu.memory_space<hbm>> -> memref<98x128xi32, #tpu.memory_space<hbm>>
    tpu.enqueue_dma source(%dma_start3A_5 : memref<98x128xi32, #tpu.memory_space<hbm>>) target(%arg7 : memref<98x128xi32, #tpu.memory_space<vmem>>) target_semaphore(%arg13 : memref<!tpu.dma_semaphore, #tpu.memory_space<semaphore_mem>>)
    %mul3A_6 = arith.constant 98 : i32
    %mul3A_7 = arith.muli %add3A, %mul3A_6 : i32
    %dma_start3A_8 = arith.constant 0 : i32
    %dma_start3A_9 = tpu.memref_slice %arg4[%mul3A_7, %dma_start3A_8] : memref<3136x128xi32, #tpu.memory_space<hbm>> -> memref<98x128xi32, #tpu.memory_space<hbm>>
    %dma_start3A_10 = arith.constant 0 : i32
    %dma_start3A_11 = tpu.memref_slice %arg4[%mul3A_7, %dma_start3A_10] : memref<3136x128xi32, #tpu.memory_space<hbm>> -> memref<98x128xi32, #tpu.memory_space<hbm>>
    tpu.enqueue_dma source(%dma_start3A_11 : memref<98x128xi32, #tpu.memory_space<hbm>>) target(%arg8 : memref<98x128xi32, #tpu.memory_space<vmem>>) target_semaphore(%arg13 : memref<!tpu.dma_semaphore, #tpu.memory_space<semaphore_mem>>)
    %dma_wait3A = arith.constant 0 : i32
    %dma_wait3A_12 = tpu.memref_slice %arg3[%mul3A_2, %dma_wait3A] : memref<3136x128xi32, #tpu.memory_space<hbm>> -> memref<98x128xi32, #tpu.memory_space<hbm>>
    %dma_wait3A_13 = arith.constant 0 : i32
    %dma_wait3A_14 = tpu.memref_slice %arg3[%mul3A_2, %dma_wait3A_13] : memref<3136x128xi32, #tpu.memory_space<hbm>> -> memref<98x128xi32, #tpu.memory_space<hbm>>
    tpu.wait_dma2 semaphore(%arg13 : memref<!tpu.dma_semaphore, #tpu.memory_space<semaphore_mem>>) src(%dma_wait3A_14 : memref<98x128xi32, #tpu.memory_space<hbm>>) dst(%arg7 : memref<98x128xi32, #tpu.memory_space<vmem>>)
    %dma_wait3A_15 = arith.constant 0 : i32
    %dma_wait3A_16 = tpu.memref_slice %arg4[%mul3A_7, %dma_wait3A_15] : memref<3136x128xi32, #tpu.memory_space<hbm>> -> memref<98x128xi32, #tpu.memory_space<hbm>>
    %dma_wait3A_17 = arith.constant 0 : i32
    %dma_wait3A_18 = tpu.memref_slice %arg4[%mul3A_7, %dma_wait3A_17] : memref<3136x128xi32, #tpu.memory_space<hbm>> -> memref<98x128xi32, #tpu.memory_space<hbm>>
    tpu.wait_dma2 semaphore(%arg13 : memref<!tpu.dma_semaphore, #tpu.memory_space<semaphore_mem>>) src(%dma_wait3A_18 : memref<98x128xi32, #tpu.memory_space<hbm>>) dst(%arg8 : memref<98x128xi32, #tpu.memory_space<vmem>>)
    %mul3A_19 = arith.constant 12544 : i32
    %mul3A_20 = arith.muli %add3A, %mul3A_19 : i32
    %scan3A = arith.constant 0 : i32
    %scan3A_21 = arith.constant 49 : i32
    %scan3A_22 = arith.addi %scan3A, %scan3A_21 : i32
    %scan3A_23 = arith.constant 1 : i32
    scf.for %scan3A_49 = %scan3A to %scan3A_22 step %scan3A_23  : i32 {
      %mul3A_50 = arith.constant 1 : i32
      %mul3A_51 = arith.muli %scan3A_49, %mul3A_50 : i32
      %add3A_52 = arith.constant 0 : i32
      %add3A_53 = arith.addi %add3A_52, %mul3A_51 : i32
      %mul3A_54 = arith.constant 2 : i32
      %mul3A_55 = arith.muli %mul3A_54, %add3A_53 : i32
      %add3A_56 = arith.constant 0 : i32
      %add3A_57 = arith.addi %mul3A_55, %add3A_56 : i32
      %gt3A = arith.constant 0 : i32
      %gt3A_58 = arith.cmpi sgt, %add3A_53, %gt3A : i32
      %convert_element_type3A = arith.extui %gt3A_58 : i1 to i32
      %cond3A = arith.constant 0 : i32
      %cond3A_59 = arith.cmpi ne, %convert_element_type3A, %cond3A : i32
      scf.if %cond3A_59 {
        %dma_wait3A_139 = arith.constant 0 : i32
        %dma_wait3A_140 = arith.constant 0 : i32
        %dma_wait3A_141 = tpu.memref_slice %arg5[%dma_wait3A_139, %dma_wait3A_140] : memref<401408x128xf32, #tpu.memory_space<hbm>> -> memref<128x128xf32, #tpu.memory_space<hbm>>
        %dma_wait3A_142 = arith.constant 0 : i32
        %dma_wait3A_143 = arith.constant 0 : i32
        %dma_wait3A_144 = tpu.memref_slice %arg5[%dma_wait3A_142, %dma_wait3A_143] : memref<401408x128xf32, #tpu.memory_space<hbm>> -> memref<128x128xf32, #tpu.memory_space<hbm>>
        tpu.wait_dma2 semaphore(%arg14 : memref<!tpu.dma_semaphore, #tpu.memory_space<semaphore_mem>>) src(%arg9 : memref<128x128xf32, #tpu.memory_space<vmem>>) dst(%dma_wait3A_144 : memref<128x128xf32, #tpu.memory_space<hbm>>)
        %dma_wait3A_145 = arith.constant 0 : i32
        %dma_wait3A_146 = arith.constant 0 : i32
        %dma_wait3A_147 = tpu.memref_slice %arg6[%dma_wait3A_145, %dma_wait3A_146] : memref<401408x128xf32, #tpu.memory_space<hbm>> -> memref<128x128xf32, #tpu.memory_space<hbm>>
        %dma_wait3A_148 = arith.constant 0 : i32
        %dma_wait3A_149 = arith.constant 0 : i32
        %dma_wait3A_150 = tpu.memref_slice %arg6[%dma_wait3A_148, %dma_wait3A_149] : memref<401408x128xf32, #tpu.memory_space<hbm>> -> memref<128x128xf32, #tpu.memory_space<hbm>>
        tpu.wait_dma2 semaphore(%arg14 : memref<!tpu.dma_semaphore, #tpu.memory_space<semaphore_mem>>) src(%arg10 : memref<128x128xf32, #tpu.memory_space<vmem>>) dst(%dma_wait3A_150 : memref<128x128xf32, #tpu.memory_space<hbm>>)
      } else {
      }
      %dma_start3A_60 = arith.constant 0 : i32
      %dma_start3A_61 = tpu.memref_slice %arg7[%add3A_57, %dma_start3A_60] : memref<98x128xi32, #tpu.memory_space<vmem>> -> memref<1x128xi32, #tpu.memory_space<vmem>>
      %dma_start3A_62 = tpu.memref_squeeze %dma_start3A_61 : memref<1x128xi32, #tpu.memory_space<vmem>> -> memref<128xi32, #tpu.memory_space<vmem>>
      %dma_start3A_63 = arith.constant 0 : i32
      %dma_start3A_64 = arith.constant 0 : i32
      %dma_start3A_65 = tpu.memref_slice %arg2[%dma_start3A_63, %dma_start3A_64] : memref<50000x128xf32, #tpu.memory_space<hbm>> -> memref<50000x128xf32, #tpu.memory_space<hbm>>
      tpu.enqueue_indirect_dma source(%dma_start3A_65 : memref<50000x128xf32, #tpu.memory_space<hbm>>) target(%arg9 : memref<128x128xf32, #tpu.memory_space<vmem>>) offsets(%dma_start3A_62 : memref<128xi32, #tpu.memory_space<vmem>>) semaphore(%arg13 : memref<!tpu.dma_semaphore, #tpu.memory_space<semaphore_mem>>)
      %dma_start3A_66 = arith.constant 0 : i32
      %dma_start3A_67 = tpu.memref_slice %arg8[%add3A_57, %dma_start3A_66] : memref<98x128xi32, #tpu.memory_space<vmem>> -> memref<1x128xi32, #tpu.memory_space<vmem>>
      %dma_start3A_68 = tpu.memref_squeeze %dma_start3A_67 : memref<1x128xi32, #tpu.memory_space<vmem>> -> memref<128xi32, #tpu.memory_space<vmem>>
      %dma_start3A_69 = arith.constant 0 : i32
      %dma_start3A_70 = arith.constant 0 : i32
      %dma_start3A_71 = tpu.memref_slice %arg2[%dma_start3A_69, %dma_start3A_70] : memref<50000x128xf32, #tpu.memory_space<hbm>> -> memref<50000x128xf32, #tpu.memory_space<hbm>>
      tpu.enqueue_indirect_dma source(%dma_start3A_71 : memref<50000x128xf32, #tpu.memory_space<hbm>>) target(%arg10 : memref<128x128xf32, #tpu.memory_space<vmem>>) offsets(%dma_start3A_68 : memref<128xi32, #tpu.memory_space<vmem>>) semaphore(%arg13 : memref<!tpu.dma_semaphore, #tpu.memory_space<semaphore_mem>>)
      %dma_wait3A_72 = arith.constant 0 : i32
      %dma_wait3A_73 = tpu.memref_slice %arg7[%add3A_57, %dma_wait3A_72] : memref<98x128xi32, #tpu.memory_space<vmem>> -> memref<1x128xi32, #tpu.memory_space<vmem>>
      %dma_wait3A_74 = tpu.memref_squeeze %dma_wait3A_73 : memref<1x128xi32, #tpu.memory_space<vmem>> -> memref<128xi32, #tpu.memory_space<vmem>>
      %dma_wait3A_75 = arith.constant 0 : i32
      %dma_wait3A_76 = arith.constant 0 : i32
      %dma_wait3A_77 = tpu.memref_slice %arg2[%dma_wait3A_75, %dma_wait3A_76] : memref<50000x128xf32, #tpu.memory_space<hbm>> -> memref<50000x128xf32, #tpu.memory_space<hbm>>
      tpu.wait_indirect_dma semaphore(%arg13 : memref<!tpu.dma_semaphore, #tpu.memory_space<semaphore_mem>>) src(%dma_wait3A_77 : memref<50000x128xf32, #tpu.memory_space<hbm>>) dst(%arg9 : memref<128x128xf32, #tpu.memory_space<vmem>>)
      %dma_wait3A_78 = arith.constant 0 : i32
      %dma_wait3A_79 = tpu.memref_slice %arg8[%add3A_57, %dma_wait3A_78] : memref<98x128xi32, #tpu.memory_space<vmem>> -> memref<1x128xi32, #tpu.memory_space<vmem>>
      %dma_wait3A_80 = tpu.memref_squeeze %dma_wait3A_79 : memref<1x128xi32, #tpu.memory_space<vmem>> -> memref<128xi32, #tpu.memory_space<vmem>>
      %dma_wait3A_81 = arith.constant 0 : i32
      %dma_wait3A_82 = arith.constant 0 : i32
      %dma_wait3A_83 = tpu.memref_slice %arg2[%dma_wait3A_81, %dma_wait3A_82] : memref<50000x128xf32, #tpu.memory_space<hbm>> -> memref<50000x128xf32, #tpu.memory_space<hbm>>
      tpu.wait_indirect_dma semaphore(%arg13 : memref<!tpu.dma_semaphore, #tpu.memory_space<semaphore_mem>>) src(%dma_wait3A_83 : memref<50000x128xf32, #tpu.memory_space<hbm>>) dst(%arg10 : memref<128x128xf32, #tpu.memory_space<vmem>>)
      %mul3A_84 = arith.constant 128 : i32
      %mul3A_85 = arith.muli %add3A_57, %mul3A_84 : i32
      %add3A_86 = arith.addi %mul3A_20, %mul3A_85 : i32
      %dma_start3A_87 = arith.constant 0 : i32
      %dma_start3A_88 = tpu.memref_slice %arg5[%add3A_86, %dma_start3A_87] : memref<401408x128xf32, #tpu.memory_space<hbm>> -> memref<128x128xf32, #tpu.memory_space<hbm>>
      %dma_start3A_89 = arith.constant 0 : i32
      %dma_start3A_90 = tpu.memref_slice %arg5[%add3A_86, %dma_start3A_89] : memref<401408x128xf32, #tpu.memory_space<hbm>> -> memref<128x128xf32, #tpu.memory_space<hbm>>
      tpu.enqueue_dma source(%arg9 : memref<128x128xf32, #tpu.memory_space<vmem>>) target(%dma_start3A_90 : memref<128x128xf32, #tpu.memory_space<hbm>>) target_semaphore(%arg14 : memref<!tpu.dma_semaphore, #tpu.memory_space<semaphore_mem>>)
      %dma_start3A_91 = arith.constant 0 : i32
      %dma_start3A_92 = tpu.memref_slice %arg6[%add3A_86, %dma_start3A_91] : memref<401408x128xf32, #tpu.memory_space<hbm>> -> memref<128x128xf32, #tpu.memory_space<hbm>>
      %dma_start3A_93 = arith.constant 0 : i32
      %dma_start3A_94 = tpu.memref_slice %arg6[%add3A_86, %dma_start3A_93] : memref<401408x128xf32, #tpu.memory_space<hbm>> -> memref<128x128xf32, #tpu.memory_space<hbm>>
      tpu.enqueue_dma source(%arg10 : memref<128x128xf32, #tpu.memory_space<vmem>>) target(%dma_start3A_94 : memref<128x128xf32, #tpu.memory_space<hbm>>) target_semaphore(%arg14 : memref<!tpu.dma_semaphore, #tpu.memory_space<semaphore_mem>>)
      %mul3A_95 = arith.constant 2 : i32
      %mul3A_96 = arith.muli %mul3A_95, %add3A_53 : i32
      %add3A_97 = arith.constant 1 : i32
      %add3A_98 = arith.addi %mul3A_96, %add3A_97 : i32
      %gt3A_99 = arith.constant 0 : i32
      %gt3A_100 = arith.cmpi sgt, %add3A_53, %gt3A_99 : i32
      %convert_element_type3A_101 = arith.extui %gt3A_100 : i1 to i32
      %cond3A_102 = arith.constant 0 : i32
      %cond3A_103 = arith.cmpi ne, %convert_element_type3A_101, %cond3A_102 : i32
      scf.if %cond3A_103 {
        %dma_wait3A_139 = arith.constant 0 : i32
        %dma_wait3A_140 = arith.constant 0 : i32
        %dma_wait3A_141 = tpu.memref_slice %arg5[%dma_wait3A_139, %dma_wait3A_140] : memref<401408x128xf32, #tpu.memory_space<hbm>> -> memref<128x128xf32, #tpu.memory_space<hbm>>
        %dma_wait3A_142 = arith.constant 0 : i32
        %dma_wait3A_143 = arith.constant 0 : i32
        %dma_wait3A_144 = tpu.memref_slice %arg5[%dma_wait3A_142, %dma_wait3A_143] : memref<401408x128xf32, #tpu.memory_space<hbm>> -> memref<128x128xf32, #tpu.memory_space<hbm>>
        tpu.wait_dma2 semaphore(%arg15 : memref<!tpu.dma_semaphore, #tpu.memory_space<semaphore_mem>>) src(%arg11 : memref<128x128xf32, #tpu.memory_space<vmem>>) dst(%dma_wait3A_144 : memref<128x128xf32, #tpu.memory_space<hbm>>)
        %dma_wait3A_145 = arith.constant 0 : i32
        %dma_wait3A_146 = arith.constant 0 : i32
        %dma_wait3A_147 = tpu.memref_slice %arg6[%dma_wait3A_145, %dma_wait3A_146] : memref<401408x128xf32, #tpu.memory_space<hbm>> -> memref<128x128xf32, #tpu.memory_space<hbm>>
        %dma_wait3A_148 = arith.constant 0 : i32
        %dma_wait3A_149 = arith.constant 0 : i32
        %dma_wait3A_150 = tpu.memref_slice %arg6[%dma_wait3A_148, %dma_wait3A_149] : memref<401408x128xf32, #tpu.memory_space<hbm>> -> memref<128x128xf32, #tpu.memory_space<hbm>>
        tpu.wait_dma2 semaphore(%arg15 : memref<!tpu.dma_semaphore, #tpu.memory_space<semaphore_mem>>) src(%arg12 : memref<128x128xf32, #tpu.memory_space<vmem>>) dst(%dma_wait3A_150 : memref<128x128xf32, #tpu.memory_space<hbm>>)
      } else {
      }
      %dma_start3A_104 = arith.constant 0 : i32
      %dma_start3A_105 = tpu.memref_slice %arg7[%add3A_98, %dma_start3A_104] : memref<98x128xi32, #tpu.memory_space<vmem>> -> memref<1x128xi32, #tpu.memory_space<vmem>>
      %dma_start3A_106 = tpu.memref_squeeze %dma_start3A_105 : memref<1x128xi32, #tpu.memory_space<vmem>> -> memref<128xi32, #tpu.memory_space<vmem>>
      %dma_start3A_107 = arith.constant 0 : i32
      %dma_start3A_108 = arith.constant 0 : i32
      %dma_start3A_109 = tpu.memref_slice %arg2[%dma_start3A_107, %dma_start3A_108] : memref<50000x128xf32, #tpu.memory_space<hbm>> -> memref<50000x128xf32, #tpu.memory_space<hbm>>
      tpu.enqueue_indirect_dma source(%dma_start3A_109 : memref<50000x128xf32, #tpu.memory_space<hbm>>) target(%arg11 : memref<128x128xf32, #tpu.memory_space<vmem>>) offsets(%dma_start3A_106 : memref<128xi32, #tpu.memory_space<vmem>>) semaphore(%arg13 : memref<!tpu.dma_semaphore, #tpu.memory_space<semaphore_mem>>)
      %dma_start3A_110 = arith.constant 0 : i32
      %dma_start3A_111 = tpu.memref_slice %arg8[%add3A_98, %dma_start3A_110] : memref<98x128xi32, #tpu.memory_space<vmem>> -> memref<1x128xi32, #tpu.memory_space<vmem>>
      %dma_start3A_112 = tpu.memref_squeeze %dma_start3A_111 : memref<1x128xi32, #tpu.memory_space<vmem>> -> memref<128xi32, #tpu.memory_space<vmem>>
      %dma_start3A_113 = arith.constant 0 : i32
      %dma_start3A_114 = arith.constant 0 : i32
      %dma_start3A_115 = tpu.memref_slice %arg2[%dma_start3A_113, %dma_start3A_114] : memref<50000x128xf32, #tpu.memory_space<hbm>> -> memref<50000x128xf32, #tpu.memory_space<hbm>>
      tpu.enqueue_indirect_dma source(%dma_start3A_115 : memref<50000x128xf32, #tpu.memory_space<hbm>>) target(%arg12 : memref<128x128xf32, #tpu.memory_space<vmem>>) offsets(%dma_start3A_112 : memref<128xi32, #tpu.memory_space<vmem>>) semaphore(%arg13 : memref<!tpu.dma_semaphore, #tpu.memory_space<semaphore_mem>>)
      %dma_wait3A_116 = arith.constant 0 : i32
      %dma_wait3A_117 = tpu.memref_slice %arg7[%add3A_98, %dma_wait3A_116] : memref<98x128xi32, #tpu.memory_space<vmem>> -> memref<1x128xi32, #tpu.memory_space<vmem>>
      %dma_wait3A_118 = tpu.memref_squeeze %dma_wait3A_117 : memref<1x128xi32, #tpu.memory_space<vmem>> -> memref<128xi32, #tpu.memory_space<vmem>>
      %dma_wait3A_119 = arith.constant 0 : i32
      %dma_wait3A_120 = arith.constant 0 : i32
      %dma_wait3A_121 = tpu.memref_slice %arg2[%dma_wait3A_119, %dma_wait3A_120] : memref<50000x128xf32, #tpu.memory_space<hbm>> -> memref<50000x128xf32, #tpu.memory_space<hbm>>
      tpu.wait_indirect_dma semaphore(%arg13 : memref<!tpu.dma_semaphore, #tpu.memory_space<semaphore_mem>>) src(%dma_wait3A_121 : memref<50000x128xf32, #tpu.memory_space<hbm>>) dst(%arg11 : memref<128x128xf32, #tpu.memory_space<vmem>>)
      %dma_wait3A_122 = arith.constant 0 : i32
      %dma_wait3A_123 = tpu.memref_slice %arg8[%add3A_98, %dma_wait3A_122] : memref<98x128xi32, #tpu.memory_space<vmem>> -> memref<1x128xi32, #tpu.memory_space<vmem>>
      %dma_wait3A_124 = tpu.memref_squeeze %dma_wait3A_123 : memref<1x128xi32, #tpu.memory_space<vmem>> -> memref<128xi32, #tpu.memory_space<vmem>>
      %dma_wait3A_125 = arith.constant 0 : i32
      %dma_wait3A_126 = arith.constant 0 : i32
      %dma_wait3A_127 = tpu.memref_slice %arg2[%dma_wait3A_125, %dma_wait3A_126] : memref<50000x128xf32, #tpu.memory_space<hbm>> -> memref<50000x128xf32, #tpu.memory_space<hbm>>
      tpu.wait_indirect_dma semaphore(%arg13 : memref<!tpu.dma_semaphore, #tpu.memory_space<semaphore_mem>>) src(%dma_wait3A_127 : memref<50000x128xf32, #tpu.memory_space<hbm>>) dst(%arg12 : memref<128x128xf32, #tpu.memory_space<vmem>>)
      %mul3A_128 = arith.constant 128 : i32
      %mul3A_129 = arith.muli %add3A_98, %mul3A_128 : i32
      %add3A_130 = arith.addi %mul3A_20, %mul3A_129 : i32
      %dma_start3A_131 = arith.constant 0 : i32
      %dma_start3A_132 = tpu.memref_slice %arg5[%add3A_130, %dma_start3A_131] : memref<401408x128xf32, #tpu.memory_space<hbm>> -> memref<128x128xf32, #tpu.memory_space<hbm>>
      %dma_start3A_133 = arith.constant 0 : i32
      %dma_start3A_134 = tpu.memref_slice %arg5[%add3A_130, %dma_start3A_133] : memref<401408x128xf32, #tpu.memory_space<hbm>> -> memref<128x128xf32, #tpu.memory_space<hbm>>
      tpu.enqueue_dma source(%arg11 : memref<128x128xf32, #tpu.memory_space<vmem>>) target(%dma_start3A_134 : memref<128x128xf32, #tpu.memory_space<hbm>>) target_semaphore(%arg15 : memref<!tpu.dma_semaphore, #tpu.memory_space<semaphore_mem>>)
      %dma_start3A_135 = arith.constant 0 : i32
      %dma_start3A_136 = tpu.memref_slice %arg6[%add3A_130, %dma_start3A_135] : memref<401408x128xf32, #tpu.memory_space<hbm>> -> memref<128x128xf32, #tpu.memory_space<hbm>>
      %dma_start3A_137 = arith.constant 0 : i32
      %dma_start3A_138 = tpu.memref_slice %arg6[%add3A_130, %dma_start3A_137] : memref<401408x128xf32, #tpu.memory_space<hbm>> -> memref<128x128xf32, #tpu.memory_space<hbm>>
      tpu.enqueue_dma source(%arg12 : memref<128x128xf32, #tpu.memory_space<vmem>>) target(%dma_start3A_138 : memref<128x128xf32, #tpu.memory_space<hbm>>) target_semaphore(%arg15 : memref<!tpu.dma_semaphore, #tpu.memory_space<semaphore_mem>>)
    }
    %scan3A_24 = arith.constant 49 : i32
    %dma_wait3A_25 = arith.constant 0 : i32
    %dma_wait3A_26 = arith.constant 0 : i32
    %dma_wait3A_27 = tpu.memref_slice %arg5[%dma_wait3A_25, %dma_wait3A_26] : memref<401408x128xf32, #tpu.memory_space<hbm>> -> memref<128x128xf32, #tpu.memory_space<hbm>>
    %dma_wait3A_28 = arith.constant 0 : i32
    %dma_wait3A_29 = arith.constant 0 : i32
    %dma_wait3A_30 = tpu.memref_slice %arg5[%dma_wait3A_28, %dma_wait3A_29] : memref<401408x128xf32, #tpu.memory_space<hbm>> -> memref<128x128xf32, #tpu.memory_space<hbm>>
    tpu.wait_dma2 semaphore(%arg14 : memref<!tpu.dma_semaphore, #tpu.memory_space<semaphore_mem>>) src(%arg9 : memref<128x128xf32, #tpu.memory_space<vmem>>) dst(%dma_wait3A_30 : memref<128x128xf32, #tpu.memory_space<hbm>>)
    %dma_wait3A_31 = arith.constant 0 : i32
    %dma_wait3A_32 = arith.constant 0 : i32
    %dma_wait3A_33 = tpu.memref_slice %arg6[%dma_wait3A_31, %dma_wait3A_32] : memref<401408x128xf32, #tpu.memory_space<hbm>> -> memref<128x128xf32, #tpu.memory_space<hbm>>
    %dma_wait3A_34 = arith.constant 0 : i32
    %dma_wait3A_35 = arith.constant 0 : i32
    %dma_wait3A_36 = tpu.memref_slice %arg6[%dma_wait3A_34, %dma_wait3A_35] : memref<401408x128xf32, #tpu.memory_space<hbm>> -> memref<128x128xf32, #tpu.memory_space<hbm>>
    tpu.wait_dma2 semaphore(%arg14 : memref<!tpu.dma_semaphore, #tpu.memory_space<semaphore_mem>>) src(%arg10 : memref<128x128xf32, #tpu.memory_space<vmem>>) dst(%dma_wait3A_36 : memref<128x128xf32, #tpu.memory_space<hbm>>)
    %dma_wait3A_37 = arith.constant 0 : i32
    %dma_wait3A_38 = arith.constant 0 : i32
    %dma_wait3A_39 = tpu.memref_slice %arg5[%dma_wait3A_37, %dma_wait3A_38] : memref<401408x128xf32, #tpu.memory_space<hbm>> -> memref<128x128xf32, #tpu.memory_space<hbm>>
    %dma_wait3A_40 = arith.constant 0 : i32
    %dma_wait3A_41 = arith.constant 0 : i32
    %dma_wait3A_42 = tpu.memref_slice %arg5[%dma_wait3A_40, %dma_wait3A_41] : memref<401408x128xf32, #tpu.memory_space<hbm>> -> memref<128x128xf32, #tpu.memory_space<hbm>>
    tpu.wait_dma2 semaphore(%arg15 : memref<!tpu.dma_semaphore, #tpu.memory_space<semaphore_mem>>) src(%arg11 : memref<128x128xf32, #tpu.memory_space<vmem>>) dst(%dma_wait3A_42 : memref<128x128xf32, #tpu.memory_space<hbm>>)
    %dma_wait3A_43 = arith.constant 0 : i32
    %dma_wait3A_44 = arith.constant 0 : i32
    %dma_wait3A_45 = tpu.memref_slice %arg6[%dma_wait3A_43, %dma_wait3A_44] : memref<401408x128xf32, #tpu.memory_space<hbm>> -> memref<128x128xf32, #tpu.memory_space<hbm>>
    %dma_wait3A_46 = arith.constant 0 : i32
    %dma_wait3A_47 = arith.constant 0 : i32
    %dma_wait3A_48 = tpu.memref_slice %arg6[%dma_wait3A_46, %dma_wait3A_47] : memref<401408x128xf32, #tpu.memory_space<hbm>> -> memref<128x128xf32, #tpu.memory_space<hbm>>
    tpu.wait_dma2 semaphore(%arg15 : memref<!tpu.dma_semaphore, #tpu.memory_space<semaphore_mem>>) src(%arg12 : memref<128x128xf32, #tpu.memory_space<vmem>>) dst(%dma_wait3A_48 : memref<128x128xf32, #tpu.memory_space<hbm>>)
    return
  }
}

#map = affine_map<(d0, d1) -> (0, 0)>
module attributes {stable_mosaic.version = 14 : i64} {
  func.func @_scatter_kernel(%arg0: i32, %arg1: i32, %arg2: memref<401408x64xf32, #tpu.memory_space<hbm>>, %arg3: memref<401408x64xf32, #tpu.memory_space<hbm>>, %arg4: memref<6272x128xi32, #tpu.memory_space<hbm>>, %arg5: memref<50000x64xf32, #tpu.memory_space<hbm>>, %arg6: memref<2x128xi32, #tpu.memory_space<vmem>>, %arg7: memref<256x64xf32, #tpu.memory_space<vmem>>, %arg8: memref<25096x64xf32, #tpu.memory_space<vmem_shared>>, %arg9: memref<!tpu.dma_semaphore, #tpu.memory_space<semaphore_mem>>) attributes {dimension_semantics = [#tpu.dimension_semantics<core_parallel>, #tpu.dimension_semantics<subcore_parallel>], iteration_bounds = array<i64: 2, 16>, scalar_prefetch = 0 : i64, scratch_operands = 4 : i64, tpu.core_type = #tpu.core_type<sc_vector_subcore>, window_params = [{transform_indices = #map}, {transform_indices = #map}, {transform_indices = #map}, {transform_indices = #map}]} {
    %scan3A = arith.constant 0 : i32
    %scan3A_0 = arith.constant 256 : i32
    %scan3A_1 = arith.addi %scan3A, %scan3A_0 : i32
    %scan3A_2 = arith.constant 1 : i32
    scf.for %scan3A_86 = %scan3A to %scan3A_1 step %scan3A_2  : i32 {
      %mul3A_87 = arith.constant 1 : i32
      %mul3A_88 = arith.muli %scan3A_86, %mul3A_87 : i32
      %add3A_89 = arith.constant 0 : i32
      %add3A_90 = arith.addi %add3A_89, %mul3A_88 : i32
      %broadcast_in_dim3A = arith.constant 0.000000e+00 : f32
      %broadcast_in_dim3A_91 = vector.broadcast %broadcast_in_dim3A : f32 to vector<16xf32>
      %swap3A = arith.index_cast %add3A_90 : i32 to index
      %swap3A_92 = arith.constant 0 : index
      %swap3A_93 = tpu.vector_load %arg7[%swap3A, %swap3A_92] {strides = array<i32>} : memref<256x64xf32, #tpu.memory_space<vmem>>, vector<1x16xf32>,
      %swap3A_94 = vector.shape_cast %swap3A_93 : vector<1x16xf32> to vector<16xf32>
      %swap3A_95 = vector.shape_cast %broadcast_in_dim3A_91 : vector<16xf32> to vector<1x16xf32>
      tpu.vector_store %arg7[%swap3A, %swap3A_92], %swap3A_95 {strides = array<i32>} : memref<256x64xf32, #tpu.memory_space<vmem>>, vector<1x16xf32>,
      %broadcast_in_dim3A_96 = arith.constant 0.000000e+00 : f32
      %broadcast_in_dim3A_97 = vector.broadcast %broadcast_in_dim3A_96 : f32 to vector<16xf32>
      %swap3A_98 = arith.index_cast %add3A_90 : i32 to index
      %swap3A_99 = arith.constant 16 : index
      %swap3A_100 = tpu.vector_load %arg7[%swap3A_98, %swap3A_99] {strides = array<i32>} : memref<256x64xf32, #tpu.memory_space<vmem>>, vector<1x16xf32>,
      %swap3A_101 = vector.shape_cast %swap3A_100 : vector<1x16xf32> to vector<16xf32>
      %swap3A_102 = vector.shape_cast %broadcast_in_dim3A_97 : vector<16xf32> to vector<1x16xf32>
      tpu.vector_store %arg7[%swap3A_98, %swap3A_99], %swap3A_102 {strides = array<i32>} : memref<256x64xf32, #tpu.memory_space<vmem>>, vector<1x16xf32>,
      %broadcast_in_dim3A_103 = arith.constant 0.000000e+00 : f32
      %broadcast_in_dim3A_104 = vector.broadcast %broadcast_in_dim3A_103 : f32 to vector<16xf32>
      %swap3A_105 = arith.index_cast %add3A_90 : i32 to index
      %swap3A_106 = arith.constant 32 : index
      %swap3A_107 = tpu.vector_load %arg7[%swap3A_105, %swap3A_106] {strides = array<i32>} : memref<256x64xf32, #tpu.memory_space<vmem>>, vector<1x16xf32>,
      %swap3A_108 = vector.shape_cast %swap3A_107 : vector<1x16xf32> to vector<16xf32>
      %swap3A_109 = vector.shape_cast %broadcast_in_dim3A_104 : vector<16xf32> to vector<1x16xf32>
      tpu.vector_store %arg7[%swap3A_105, %swap3A_106], %swap3A_109 {strides = array<i32>} : memref<256x64xf32, #tpu.memory_space<vmem>>, vector<1x16xf32>,
      %broadcast_in_dim3A_110 = arith.constant 0.000000e+00 : f32
      %broadcast_in_dim3A_111 = vector.broadcast %broadcast_in_dim3A_110 : f32 to vector<16xf32>
      %swap3A_112 = arith.index_cast %add3A_90 : i32 to index
      %swap3A_113 = arith.constant 48 : index
      %swap3A_114 = tpu.vector_load %arg7[%swap3A_112, %swap3A_113] {strides = array<i32>} : memref<256x64xf32, #tpu.memory_space<vmem>>, vector<1x16xf32>,
      %swap3A_115 = vector.shape_cast %swap3A_114 : vector<1x16xf32> to vector<16xf32>
      %swap3A_116 = vector.shape_cast %broadcast_in_dim3A_111 : vector<16xf32> to vector<1x16xf32>
      tpu.vector_store %arg7[%swap3A_112, %swap3A_113], %swap3A_116 {strides = array<i32>} : memref<256x64xf32, #tpu.memory_space<vmem>>, vector<1x16xf32>,
    }
    %scan3A_3 = arith.constant 256 : i32
    %mul3A = arith.constant 7 : i32
    %mul3A_4 = arith.muli %arg1, %mul3A : i32
    %add3A = arith.constant 0 : i32
    %add3A_5 = arith.addi %mul3A_4, %add3A : i32
    %lt3A = arith.constant 98 : i32
    %lt3A_6 = arith.cmpi slt, %add3A_5, %lt3A : i32
    %convert_element_type3A = arith.extui %lt3A_6 : i1 to i32
    %cond3A = arith.constant 0 : i32
    %cond3A_7 = arith.cmpi ne, %convert_element_type3A, %cond3A : i32
    scf.if %cond3A_7 {
      %mul3A_86 = arith.constant 256 : i32
      %mul3A_87 = arith.muli %add3A_5, %mul3A_86 : i32
      "tpu.region"() ({
        %run_scoped3A = tpu.sem_alloc : memref<!tpu.dma_semaphore, #tpu.memory_space<semaphore_mem>>
        %dma_start3A = arith.constant 0 : i32
        %dma_start3A_88 = tpu.memref_slice %arg8[%mul3A_87, %dma_start3A] : memref<25096x64xf32, #tpu.memory_space<vmem_shared>> -> memref<256x64xf32, #tpu.memory_space<vmem_shared>>
        %dma_start3A_89 = arith.constant 0 : i32
        %dma_start3A_90 = tpu.memref_slice %arg8[%mul3A_87, %dma_start3A_89] : memref<25096x64xf32, #tpu.memory_space<vmem_shared>> -> memref<256x64xf32, #tpu.memory_space<vmem_shared>>
        tpu.enqueue_dma source(%arg7 : memref<256x64xf32, #tpu.memory_space<vmem>>) target(%dma_start3A_90 : memref<256x64xf32, #tpu.memory_space<vmem_shared>>) target_semaphore(%run_scoped3A : memref<!tpu.dma_semaphore, #tpu.memory_space<semaphore_mem>>)
        %dma_wait3A = arith.constant 0 : i32
        %dma_wait3A_91 = tpu.memref_slice %arg8[%mul3A_87, %dma_wait3A] : memref<25096x64xf32, #tpu.memory_space<vmem_shared>> -> memref<256x64xf32, #tpu.memory_space<vmem_shared>>
        %dma_wait3A_92 = arith.constant 0 : i32
        %dma_wait3A_93 = tpu.memref_slice %arg8[%mul3A_87, %dma_wait3A_92] : memref<25096x64xf32, #tpu.memory_space<vmem_shared>> -> memref<256x64xf32, #tpu.memory_space<vmem_shared>>
        tpu.wait_dma2 semaphore(%run_scoped3A : memref<!tpu.dma_semaphore, #tpu.memory_space<semaphore_mem>>) src(%arg7 : memref<256x64xf32, #tpu.memory_space<vmem>>) dst(%dma_wait3A_93 : memref<256x64xf32, #tpu.memory_space<vmem_shared>>)
        tpu.yield
      }) : () -> ()
    } else {
    }
    %mul3A_8 = arith.constant 7 : i32
    %mul3A_9 = arith.muli %arg1, %mul3A_8 : i32
    %add3A_10 = arith.constant 1 : i32
    %add3A_11 = arith.addi %mul3A_9, %add3A_10 : i32
    %lt3A_12 = arith.constant 98 : i32
    %lt3A_13 = arith.cmpi slt, %add3A_11, %lt3A_12 : i32
    %convert_element_type3A_14 = arith.extui %lt3A_13 : i1 to i32
    %cond3A_15 = arith.constant 0 : i32
    %cond3A_16 = arith.cmpi ne, %convert_element_type3A_14, %cond3A_15 : i32
    scf.if %cond3A_16 {
      %mul3A_86 = arith.constant 256 : i32
      %mul3A_87 = arith.muli %add3A_11, %mul3A_86 : i32
      "tpu.region"() ({
        %run_scoped3A = tpu.sem_alloc : memref<!tpu.dma_semaphore, #tpu.memory_space<semaphore_mem>>
        %dma_start3A = arith.constant 0 : i32
        %dma_start3A_88 = tpu.memref_slice %arg8[%mul3A_87, %dma_start3A] : memref<25096x64xf32, #tpu.memory_space<vmem_shared>> -> memref<256x64xf32, #tpu.memory_space<vmem_shared>>
        %dma_start3A_89 = arith.constant 0 : i32
        %dma_start3A_90 = tpu.memref_slice %arg8[%mul3A_87, %dma_start3A_89] : memref<25096x64xf32, #tpu.memory_space<vmem_shared>> -> memref<256x64xf32, #tpu.memory_space<vmem_shared>>
        tpu.enqueue_dma source(%arg7 : memref<256x64xf32, #tpu.memory_space<vmem>>) target(%dma_start3A_90 : memref<256x64xf32, #tpu.memory_space<vmem_shared>>) target_semaphore(%run_scoped3A : memref<!tpu.dma_semaphore, #tpu.memory_space<semaphore_mem>>)
        %dma_wait3A = arith.constant 0 : i32
        %dma_wait3A_91 = tpu.memref_slice %arg8[%mul3A_87, %dma_wait3A] : memref<25096x64xf32, #tpu.memory_space<vmem_shared>> -> memref<256x64xf32, #tpu.memory_space<vmem_shared>>
        %dma_wait3A_92 = arith.constant 0 : i32
        %dma_wait3A_93 = tpu.memref_slice %arg8[%mul3A_87, %dma_wait3A_92] : memref<25096x64xf32, #tpu.memory_space<vmem_shared>> -> memref<256x64xf32, #tpu.memory_space<vmem_shared>>
        tpu.wait_dma2 semaphore(%run_scoped3A : memref<!tpu.dma_semaphore, #tpu.memory_space<semaphore_mem>>) src(%arg7 : memref<256x64xf32, #tpu.memory_space<vmem>>) dst(%dma_wait3A_93 : memref<256x64xf32, #tpu.memory_space<vmem_shared>>)
        tpu.yield
      }) : () -> ()
    } else {
    }
    %mul3A_17 = arith.constant 7 : i32
    %mul3A_18 = arith.muli %arg1, %mul3A_17 : i32
    %add3A_19 = arith.constant 2 : i32
    %add3A_20 = arith.addi %mul3A_18, %add3A_19 : i32
    %lt3A_21 = arith.constant 98 : i32
    %lt3A_22 = arith.cmpi slt, %add3A_20, %lt3A_21 : i32
    %convert_element_type3A_23 = arith.extui %lt3A_22 : i1 to i32
    %cond3A_24 = arith.constant 0 : i32
    %cond3A_25 = arith.cmpi ne, %convert_element_type3A_23, %cond3A_24 : i32
    scf.if %cond3A_25 {
      %mul3A_86 = arith.constant 256 : i32
      %mul3A_87 = arith.muli %add3A_20, %mul3A_86 : i32
      "tpu.region"() ({
        %run_scoped3A = tpu.sem_alloc : memref<!tpu.dma_semaphore, #tpu.memory_space<semaphore_mem>>
        %dma_start3A = arith.constant 0 : i32
        %dma_start3A_88 = tpu.memref_slice %arg8[%mul3A_87, %dma_start3A] : memref<25096x64xf32, #tpu.memory_space<vmem_shared>> -> memref<256x64xf32, #tpu.memory_space<vmem_shared>>
        %dma_start3A_89 = arith.constant 0 : i32
        %dma_start3A_90 = tpu.memref_slice %arg8[%mul3A_87, %dma_start3A_89] : memref<25096x64xf32, #tpu.memory_space<vmem_shared>> -> memref<256x64xf32, #tpu.memory_space<vmem_shared>>
        tpu.enqueue_dma source(%arg7 : memref<256x64xf32, #tpu.memory_space<vmem>>) target(%dma_start3A_90 : memref<256x64xf32, #tpu.memory_space<vmem_shared>>) target_semaphore(%run_scoped3A : memref<!tpu.dma_semaphore, #tpu.memory_space<semaphore_mem>>)
        %dma_wait3A = arith.constant 0 : i32
        %dma_wait3A_91 = tpu.memref_slice %arg8[%mul3A_87, %dma_wait3A] : memref<25096x64xf32, #tpu.memory_space<vmem_shared>> -> memref<256x64xf32, #tpu.memory_space<vmem_shared>>
        %dma_wait3A_92 = arith.constant 0 : i32
        %dma_wait3A_93 = tpu.memref_slice %arg8[%mul3A_87, %dma_wait3A_92] : memref<25096x64xf32, #tpu.memory_space<vmem_shared>> -> memref<256x64xf32, #tpu.memory_space<vmem_shared>>
        tpu.wait_dma2 semaphore(%run_scoped3A : memref<!tpu.dma_semaphore, #tpu.memory_space<semaphore_mem>>) src(%arg7 : memref<256x64xf32, #tpu.memory_space<vmem>>) dst(%dma_wait3A_93 : memref<256x64xf32, #tpu.memory_space<vmem_shared>>)
        tpu.yield
      }) : () -> ()
    } else {
    }
    %mul3A_26 = arith.constant 7 : i32
    %mul3A_27 = arith.muli %arg1, %mul3A_26 : i32
    %add3A_28 = arith.constant 3 : i32
    %add3A_29 = arith.addi %mul3A_27, %add3A_28 : i32
    %lt3A_30 = arith.constant 98 : i32
    %lt3A_31 = arith.cmpi slt, %add3A_29, %lt3A_30 : i32
    %convert_element_type3A_32 = arith.extui %lt3A_31 : i1 to i32
    %cond3A_33 = arith.constant 0 : i32
    %cond3A_34 = arith.cmpi ne, %convert_element_type3A_32, %cond3A_33 : i32
    scf.if %cond3A_34 {
      %mul3A_86 = arith.constant 256 : i32
      %mul3A_87 = arith.muli %add3A_29, %mul3A_86 : i32
      "tpu.region"() ({
        %run_scoped3A = tpu.sem_alloc : memref<!tpu.dma_semaphore, #tpu.memory_space<semaphore_mem>>
        %dma_start3A = arith.constant 0 : i32
        %dma_start3A_88 = tpu.memref_slice %arg8[%mul3A_87, %dma_start3A] : memref<25096x64xf32, #tpu.memory_space<vmem_shared>> -> memref<256x64xf32, #tpu.memory_space<vmem_shared>>
        %dma_start3A_89 = arith.constant 0 : i32
        %dma_start3A_90 = tpu.memref_slice %arg8[%mul3A_87, %dma_start3A_89] : memref<25096x64xf32, #tpu.memory_space<vmem_shared>> -> memref<256x64xf32, #tpu.memory_space<vmem_shared>>
        tpu.enqueue_dma source(%arg7 : memref<256x64xf32, #tpu.memory_space<vmem>>) target(%dma_start3A_90 : memref<256x64xf32, #tpu.memory_space<vmem_shared>>) target_semaphore(%run_scoped3A : memref<!tpu.dma_semaphore, #tpu.memory_space<semaphore_mem>>)
        %dma_wait3A = arith.constant 0 : i32
        %dma_wait3A_91 = tpu.memref_slice %arg8[%mul3A_87, %dma_wait3A] : memref<25096x64xf32, #tpu.memory_space<vmem_shared>> -> memref<256x64xf32, #tpu.memory_space<vmem_shared>>
        %dma_wait3A_92 = arith.constant 0 : i32
        %dma_wait3A_93 = tpu.memref_slice %arg8[%mul3A_87, %dma_wait3A_92] : memref<25096x64xf32, #tpu.memory_space<vmem_shared>> -> memref<256x64xf32, #tpu.memory_space<vmem_shared>>
        tpu.wait_dma2 semaphore(%run_scoped3A : memref<!tpu.dma_semaphore, #tpu.memory_space<semaphore_mem>>) src(%arg7 : memref<256x64xf32, #tpu.memory_space<vmem>>) dst(%dma_wait3A_93 : memref<256x64xf32, #tpu.memory_space<vmem_shared>>)
        tpu.yield
      }) : () -> ()
    } else {
    }
    %mul3A_35 = arith.constant 7 : i32
    %mul3A_36 = arith.muli %arg1, %mul3A_35 : i32
    %add3A_37 = arith.constant 4 : i32
    %add3A_38 = arith.addi %mul3A_36, %add3A_37 : i32
    %lt3A_39 = arith.constant 98 : i32
    %lt3A_40 = arith.cmpi slt, %add3A_38, %lt3A_39 : i32
    %convert_element_type3A_41 = arith.extui %lt3A_40 : i1 to i32
    %cond3A_42 = arith.constant 0 : i32
    %cond3A_43 = arith.cmpi ne, %convert_element_type3A_41, %cond3A_42 : i32
    scf.if %cond3A_43 {
      %mul3A_86 = arith.constant 256 : i32
      %mul3A_87 = arith.muli %add3A_38, %mul3A_86 : i32
      "tpu.region"() ({
        %run_scoped3A = tpu.sem_alloc : memref<!tpu.dma_semaphore, #tpu.memory_space<semaphore_mem>>
        %dma_start3A = arith.constant 0 : i32
        %dma_start3A_88 = tpu.memref_slice %arg8[%mul3A_87, %dma_start3A] : memref<25096x64xf32, #tpu.memory_space<vmem_shared>> -> memref<256x64xf32, #tpu.memory_space<vmem_shared>>
        %dma_start3A_89 = arith.constant 0 : i32
        %dma_start3A_90 = tpu.memref_slice %arg8[%mul3A_87, %dma_start3A_89] : memref<25096x64xf32, #tpu.memory_space<vmem_shared>> -> memref<256x64xf32, #tpu.memory_space<vmem_shared>>
        tpu.enqueue_dma source(%arg7 : memref<256x64xf32, #tpu.memory_space<vmem>>) target(%dma_start3A_90 : memref<256x64xf32, #tpu.memory_space<vmem_shared>>) target_semaphore(%run_scoped3A : memref<!tpu.dma_semaphore, #tpu.memory_space<semaphore_mem>>)
        %dma_wait3A = arith.constant 0 : i32
        %dma_wait3A_91 = tpu.memref_slice %arg8[%mul3A_87, %dma_wait3A] : memref<25096x64xf32, #tpu.memory_space<vmem_shared>> -> memref<256x64xf32, #tpu.memory_space<vmem_shared>>
        %dma_wait3A_92 = arith.constant 0 : i32
        %dma_wait3A_93 = tpu.memref_slice %arg8[%mul3A_87, %dma_wait3A_92] : memref<25096x64xf32, #tpu.memory_space<vmem_shared>> -> memref<256x64xf32, #tpu.memory_space<vmem_shared>>
        tpu.wait_dma2 semaphore(%run_scoped3A : memref<!tpu.dma_semaphore, #tpu.memory_space<semaphore_mem>>) src(%arg7 : memref<256x64xf32, #tpu.memory_space<vmem>>) dst(%dma_wait3A_93 : memref<256x64xf32, #tpu.memory_space<vmem_shared>>)
        tpu.yield
      }) : () -> ()
    } else {
    }
    %mul3A_44 = arith.constant 7 : i32
    %mul3A_45 = arith.muli %arg1, %mul3A_44 : i32
    %add3A_46 = arith.constant 5 : i32
    %add3A_47 = arith.addi %mul3A_45, %add3A_46 : i32
    %lt3A_48 = arith.constant 98 : i32
    %lt3A_49 = arith.cmpi slt, %add3A_47, %lt3A_48 : i32
    %convert_element_type3A_50 = arith.extui %lt3A_49 : i1 to i32
    %cond3A_51 = arith.constant 0 : i32
    %cond3A_52 = arith.cmpi ne, %convert_element_type3A_50, %cond3A_51 : i32
    scf.if %cond3A_52 {
      %mul3A_86 = arith.constant 256 : i32
      %mul3A_87 = arith.muli %add3A_47, %mul3A_86 : i32
      "tpu.region"() ({
        %run_scoped3A = tpu.sem_alloc : memref<!tpu.dma_semaphore, #tpu.memory_space<semaphore_mem>>
        %dma_start3A = arith.constant 0 : i32
        %dma_start3A_88 = tpu.memref_slice %arg8[%mul3A_87, %dma_start3A] : memref<25096x64xf32, #tpu.memory_space<vmem_shared>> -> memref<256x64xf32, #tpu.memory_space<vmem_shared>>
        %dma_start3A_89 = arith.constant 0 : i32
        %dma_start3A_90 = tpu.memref_slice %arg8[%mul3A_87, %dma_start3A_89] : memref<25096x64xf32, #tpu.memory_space<vmem_shared>> -> memref<256x64xf32, #tpu.memory_space<vmem_shared>>
        tpu.enqueue_dma source(%arg7 : memref<256x64xf32, #tpu.memory_space<vmem>>) target(%dma_start3A_90 : memref<256x64xf32, #tpu.memory_space<vmem_shared>>) target_semaphore(%run_scoped3A : memref<!tpu.dma_semaphore, #tpu.memory_space<semaphore_mem>>)
        %dma_wait3A = arith.constant 0 : i32
        %dma_wait3A_91 = tpu.memref_slice %arg8[%mul3A_87, %dma_wait3A] : memref<25096x64xf32, #tpu.memory_space<vmem_shared>> -> memref<256x64xf32, #tpu.memory_space<vmem_shared>>
        %dma_wait3A_92 = arith.constant 0 : i32
        %dma_wait3A_93 = tpu.memref_slice %arg8[%mul3A_87, %dma_wait3A_92] : memref<25096x64xf32, #tpu.memory_space<vmem_shared>> -> memref<256x64xf32, #tpu.memory_space<vmem_shared>>
        tpu.wait_dma2 semaphore(%run_scoped3A : memref<!tpu.dma_semaphore, #tpu.memory_space<semaphore_mem>>) src(%arg7 : memref<256x64xf32, #tpu.memory_space<vmem>>) dst(%dma_wait3A_93 : memref<256x64xf32, #tpu.memory_space<vmem_shared>>)
        tpu.yield
      }) : () -> ()
    } else {
    }
    %mul3A_53 = arith.constant 7 : i32
    %mul3A_54 = arith.muli %arg1, %mul3A_53 : i32
    %add3A_55 = arith.constant 6 : i32
    %add3A_56 = arith.addi %mul3A_54, %add3A_55 : i32
    %lt3A_57 = arith.constant 98 : i32
    %lt3A_58 = arith.cmpi slt, %add3A_56, %lt3A_57 : i32
    %convert_element_type3A_59 = arith.extui %lt3A_58 : i1 to i32
    %cond3A_60 = arith.constant 0 : i32
    %cond3A_61 = arith.cmpi ne, %convert_element_type3A_59, %cond3A_60 : i32
    scf.if %cond3A_61 {
      %mul3A_86 = arith.constant 256 : i32
      %mul3A_87 = arith.muli %add3A_56, %mul3A_86 : i32
      "tpu.region"() ({
        %run_scoped3A = tpu.sem_alloc : memref<!tpu.dma_semaphore, #tpu.memory_space<semaphore_mem>>
        %dma_start3A = arith.constant 0 : i32
        %dma_start3A_88 = tpu.memref_slice %arg8[%mul3A_87, %dma_start3A] : memref<25096x64xf32, #tpu.memory_space<vmem_shared>> -> memref<256x64xf32, #tpu.memory_space<vmem_shared>>
        %dma_start3A_89 = arith.constant 0 : i32
        %dma_start3A_90 = tpu.memref_slice %arg8[%mul3A_87, %dma_start3A_89] : memref<25096x64xf32, #tpu.memory_space<vmem_shared>> -> memref<256x64xf32, #tpu.memory_space<vmem_shared>>
        tpu.enqueue_dma source(%arg7 : memref<256x64xf32, #tpu.memory_space<vmem>>) target(%dma_start3A_90 : memref<256x64xf32, #tpu.memory_space<vmem_shared>>) target_semaphore(%run_scoped3A : memref<!tpu.dma_semaphore, #tpu.memory_space<semaphore_mem>>)
        %dma_wait3A = arith.constant 0 : i32
        %dma_wait3A_91 = tpu.memref_slice %arg8[%mul3A_87, %dma_wait3A] : memref<25096x64xf32, #tpu.memory_space<vmem_shared>> -> memref<256x64xf32, #tpu.memory_space<vmem_shared>>
        %dma_wait3A_92 = arith.constant 0 : i32
        %dma_wait3A_93 = tpu.memref_slice %arg8[%mul3A_87, %dma_wait3A_92] : memref<25096x64xf32, #tpu.memory_space<vmem_shared>> -> memref<256x64xf32, #tpu.memory_space<vmem_shared>>
        tpu.wait_dma2 semaphore(%run_scoped3A : memref<!tpu.dma_semaphore, #tpu.memory_space<semaphore_mem>>) src(%arg7 : memref<256x64xf32, #tpu.memory_space<vmem>>) dst(%dma_wait3A_93 : memref<256x64xf32, #tpu.memory_space<vmem_shared>>)
        tpu.yield
      }) : () -> ()
    } else {
    }
    %barrier3A = arith.constant 0 : index
    tpu.barrier barrier_id(%barrier3A)
    %mul3A_62 = arith.constant 25000 : i32
    %mul3A_63 = arith.muli %arg0, %mul3A_62 : i32
    %scan3A_64 = arith.constant 0 : i32
    %scan3A_65 = arith.constant 98 : i32
    %scan3A_66 = arith.addi %scan3A_64, %scan3A_65 : i32
    %scan3A_67 = arith.constant 1 : i32
    scf.for %scan3A_86 = %scan3A_64 to %scan3A_66 step %scan3A_67  : i32 {
      %mul3A_87 = arith.constant 1 : i32
      %mul3A_88 = arith.muli %scan3A_86, %mul3A_87 : i32
      %add3A_89 = arith.constant 0 : i32
      %add3A_90 = arith.addi %add3A_89, %mul3A_88 : i32
      %mul3A_91 = arith.constant 98 : i32
      %mul3A_92 = arith.muli %arg1, %mul3A_91 : i32
      %add3A_93 = arith.addi %mul3A_92, %add3A_90 : i32
      %mul3A_94 = arith.constant 2 : i32
      %mul3A_95 = arith.muli %add3A_93, %mul3A_94 : i32
      %add3A_96 = arith.constant 0 : i32
      %add3A_97 = arith.addi %add3A_96, %mul3A_95 : i32
      %mul3A_98 = arith.constant 256 : i32
      %mul3A_99 = arith.muli %add3A_93, %mul3A_98 : i32
      %dma_start3A = arith.constant 0 : i32
      %dma_start3A_100 = tpu.memref_slice %arg4[%add3A_97, %dma_start3A] : memref<6272x128xi32, #tpu.memory_space<hbm>> -> memref<2x128xi32, #tpu.memory_space<hbm>>
      %dma_start3A_101 = arith.constant 0 : i32
      %dma_start3A_102 = tpu.memref_slice %arg4[%add3A_97, %dma_start3A_101] : memref<6272x128xi32, #tpu.memory_space<hbm>> -> memref<2x128xi32, #tpu.memory_space<hbm>>
      tpu.enqueue_dma source(%dma_start3A_102 : memref<2x128xi32, #tpu.memory_space<hbm>>) target(%arg6 : memref<2x128xi32, #tpu.memory_space<vmem>>) target_semaphore(%arg9 : memref<!tpu.dma_semaphore, #tpu.memory_space<semaphore_mem>>)
      %dma_start3A_103 = arith.constant 0 : i32
      %dma_start3A_104 = tpu.memref_slice %arg2[%mul3A_99, %dma_start3A_103] : memref<401408x64xf32, #tpu.memory_space<hbm>> -> memref<256x64xf32, #tpu.memory_space<hbm>>
      %dma_start3A_105 = arith.constant 0 : i32
      %dma_start3A_106 = tpu.memref_slice %arg2[%mul3A_99, %dma_start3A_105] : memref<401408x64xf32, #tpu.memory_space<hbm>> -> memref<256x64xf32, #tpu.memory_space<hbm>>
      tpu.enqueue_dma source(%dma_start3A_106 : memref<256x64xf32, #tpu.memory_space<hbm>>) target(%arg7 : memref<256x64xf32, #tpu.memory_space<vmem>>) target_semaphore(%arg9 : memref<!tpu.dma_semaphore, #tpu.memory_space<semaphore_mem>>)
      %dma_wait3A = arith.constant 0 : i32
      %dma_wait3A_107 = tpu.memref_slice %arg4[%add3A_97, %dma_wait3A] : memref<6272x128xi32, #tpu.memory_space<hbm>> -> memref<2x128xi32, #tpu.memory_space<hbm>>
      %dma_wait3A_108 = arith.constant 0 : i32
      %dma_wait3A_109 = tpu.memref_slice %arg4[%add3A_97, %dma_wait3A_108] : memref<6272x128xi32, #tpu.memory_space<hbm>> -> memref<2x128xi32, #tpu.memory_space<hbm>>
      tpu.wait_dma2 semaphore(%arg9 : memref<!tpu.dma_semaphore, #tpu.memory_space<semaphore_mem>>) src(%dma_wait3A_109 : memref<2x128xi32, #tpu.memory_space<hbm>>) dst(%arg6 : memref<2x128xi32, #tpu.memory_space<vmem>>)
      %dma_wait3A_110 = arith.constant 0 : i32
      %dma_wait3A_111 = tpu.memref_slice %arg2[%mul3A_99, %dma_wait3A_110] : memref<401408x64xf32, #tpu.memory_space<hbm>> -> memref<256x64xf32, #tpu.memory_space<hbm>>
      %dma_wait3A_112 = arith.constant 0 : i32
      %dma_wait3A_113 = tpu.memref_slice %arg2[%mul3A_99, %dma_wait3A_112] : memref<401408x64xf32, #tpu.memory_space<hbm>> -> memref<256x64xf32, #tpu.memory_space<hbm>>
      tpu.wait_dma2 semaphore(%arg9 : memref<!tpu.dma_semaphore, #tpu.memory_space<semaphore_mem>>) src(%dma_wait3A_113 : memref<256x64xf32, #tpu.memory_space<hbm>>) dst(%arg7 : memref<256x64xf32, #tpu.memory_space<vmem>>)
      %get3A = arith.constant 0 : i32
      %get3A_114 = arith.index_cast %get3A : i32 to index
      %get3A_115 = arith.constant 0 : index
      %get3A_116 = tpu.vector_load %arg6[%get3A_114, %get3A_115] {strides = array<i32>} : memref<2x128xi32, #tpu.memory_space<vmem>>, vector<1x16xi32>,
      %get3A_117 = vector.shape_cast %get3A_116 : vector<1x16xi32> to vector<16xi32>
      %sub3A = vector.broadcast %mul3A_63 : i32 to vector<16xi32>
      %sub3A_118 = arith.subi %get3A_117, %sub3A : vector<16xi32>
      %ge3A = arith.constant 0 : i32
      %ge3A_119 = vector.broadcast %ge3A : i32 to vector<16xi32>
      %ge3A_120 = arith.cmpi sge, %sub3A_118, %ge3A_119 : vector<16xi32>
      %lt3A_121 = arith.constant 25000 : i32
      %lt3A_122 = vector.broadcast %lt3A_121 : i32 to vector<16xi32>
      %lt3A_123 = arith.cmpi slt, %sub3A_118, %lt3A_122 : vector<16xi32>
      %and3A = arith.andi %ge3A_120, %lt3A_123 : vector<16xi1>
      %and3A_124 = arith.constant 7 : i32
      %and3A_125 = vector.broadcast %and3A_124 : i32 to vector<16xi32>
      %and3A_126 = arith.andi %get3A_117, %and3A_125 : vector<16xi32>
      %add3A_127 = arith.constant 25088 : i32
      %add3A_128 = vector.broadcast %add3A_127 : i32 to vector<16xi32>
      %add3A_129 = arith.addi %add3A_128, %and3A_126 : vector<16xi32>
      %select_n3A = arith.select %and3A, %sub3A_118, %add3A_129 : vector<16xi1>, vector<16xi32>
      %swap3A = arith.constant 0 : i32
      %swap3A_130 = arith.index_cast %swap3A : i32 to index
      %swap3A_131 = arith.constant 0 : index
      %swap3A_132 = tpu.vector_load %arg6[%swap3A_130, %swap3A_131] {strides = array<i32>} : memref<2x128xi32, #tpu.memory_space<vmem>>, vector<1x16xi32>,
      %swap3A_133 = vector.shape_cast %swap3A_132 : vector<1x16xi32> to vector<16xi32>
      %swap3A_134 = vector.shape_cast %select_n3A : vector<16xi32> to vector<1x16xi32>
      tpu.vector_store %arg6[%swap3A_130, %swap3A_131], %swap3A_134 {strides = array<i32>} : memref<2x128xi32, #tpu.memory_space<vmem>>, vector<1x16xi32>,
      %get3A_135 = arith.constant 0 : i32
      %get3A_136 = arith.index_cast %get3A_135 : i32 to index
      %get3A_137 = arith.constant 16 : index
      %get3A_138 = tpu.vector_load %arg6[%get3A_136, %get3A_137] {strides = array<i32>} : memref<2x128xi32, #tpu.memory_space<vmem>>, vector<1x16xi32>,
      %get3A_139 = vector.shape_cast %get3A_138 : vector<1x16xi32> to vector<16xi32>
      %sub3A_140 = vector.broadcast %mul3A_63 : i32 to vector<16xi32>
      %sub3A_141 = arith.subi %get3A_139, %sub3A_140 : vector<16xi32>
      %ge3A_142 = arith.constant 0 : i32
      %ge3A_143 = vector.broadcast %ge3A_142 : i32 to vector<16xi32>
      %ge3A_144 = arith.cmpi sge, %sub3A_141, %ge3A_143 : vector<16xi32>
      %lt3A_145 = arith.constant 25000 : i32
      %lt3A_146 = vector.broadcast %lt3A_145 : i32 to vector<16xi32>
      %lt3A_147 = arith.cmpi slt, %sub3A_141, %lt3A_146 : vector<16xi32>
      %and3A_148 = arith.andi %ge3A_144, %lt3A_147 : vector<16xi1>
      %and3A_149 = arith.constant 7 : i32
      %and3A_150 = vector.broadcast %and3A_149 : i32 to vector<16xi32>
      %and3A_151 = arith.andi %get3A_139, %and3A_150 : vector<16xi32>
      %add3A_152 = arith.constant 25088 : i32
      %add3A_153 = vector.broadcast %add3A_152 : i32 to vector<16xi32>
      %add3A_154 = arith.addi %add3A_153, %and3A_151 : vector<16xi32>
      %select_n3A_155 = arith.select %and3A_148, %sub3A_141, %add3A_154 : vector<16xi1>, vector<16xi32>
      %swap3A_156 = arith.constant 0 : i32
      %swap3A_157 = arith.index_cast %swap3A_156 : i32 to index
      %swap3A_158 = arith.constant 16 : index
      %swap3A_159 = tpu.vector_load %arg6[%swap3A_157, %swap3A_158] {strides = array<i32>} : memref<2x128xi32, #tpu.memory_space<vmem>>, vector<1x16xi32>,
      %swap3A_160 = vector.shape_cast %swap3A_159 : vector<1x16xi32> to vector<16xi32>
      %swap3A_161 = vector.shape_cast %select_n3A_155 : vector<16xi32> to vector<1x16xi32>
      tpu.vector_store %arg6[%swap3A_157, %swap3A_158], %swap3A_161 {strides = array<i32>} : memref<2x128xi32, #tpu.memory_space<vmem>>, vector<1x16xi32>,
      %get3A_162 = arith.constant 0 : i32
      %get3A_163 = arith.index_cast %get3A_162 : i32 to index
      %get3A_164 = arith.constant 32 : index
      %get3A_165 = tpu.vector_load %arg6[%get3A_163, %get3A_164] {strides = array<i32>} : memref<2x128xi32, #tpu.memory_space<vmem>>, vector<1x16xi32>,
      %get3A_166 = vector.shape_cast %get3A_165 : vector<1x16xi32> to vector<16xi32>
      %sub3A_167 = vector.broadcast %mul3A_63 : i32 to vector<16xi32>
      %sub3A_168 = arith.subi %get3A_166, %sub3A_167 : vector<16xi32>
      %ge3A_169 = arith.constant 0 : i32
      %ge3A_170 = vector.broadcast %ge3A_169 : i32 to vector<16xi32>
      %ge3A_171 = arith.cmpi sge, %sub3A_168, %ge3A_170 : vector<16xi32>
      %lt3A_172 = arith.constant 25000 : i32
      %lt3A_173 = vector.broadcast %lt3A_172 : i32 to vector<16xi32>
      %lt3A_174 = arith.cmpi slt, %sub3A_168, %lt3A_173 : vector<16xi32>
      %and3A_175 = arith.andi %ge3A_171, %lt3A_174 : vector<16xi1>
      %and3A_176 = arith.constant 7 : i32
      %and3A_177 = vector.broadcast %and3A_176 : i32 to vector<16xi32>
      %and3A_178 = arith.andi %get3A_166, %and3A_177 : vector<16xi32>
      %add3A_179 = arith.constant 25088 : i32
      %add3A_180 = vector.broadcast %add3A_179 : i32 to vector<16xi32>
      %add3A_181 = arith.addi %add3A_180, %and3A_178 : vector<16xi32>
      %select_n3A_182 = arith.select %and3A_175, %sub3A_168, %add3A_181 : vector<16xi1>, vector<16xi32>
      %swap3A_183 = arith.constant 0 : i32
      %swap3A_184 = arith.index_cast %swap3A_183 : i32 to index
      %swap3A_185 = arith.constant 32 : index
      %swap3A_186 = tpu.vector_load %arg6[%swap3A_184, %swap3A_185] {strides = array<i32>} : memref<2x128xi32, #tpu.memory_space<vmem>>, vector<1x16xi32>,
      %swap3A_187 = vector.shape_cast %swap3A_186 : vector<1x16xi32> to vector<16xi32>
      %swap3A_188 = vector.shape_cast %select_n3A_182 : vector<16xi32> to vector<1x16xi32>
      tpu.vector_store %arg6[%swap3A_184, %swap3A_185], %swap3A_188 {strides = array<i32>} : memref<2x128xi32, #tpu.memory_space<vmem>>, vector<1x16xi32>,
      %get3A_189 = arith.constant 0 : i32
      %get3A_190 = arith.index_cast %get3A_189 : i32 to index
      %get3A_191 = arith.constant 48 : index
      %get3A_192 = tpu.vector_load %arg6[%get3A_190, %get3A_191] {strides = array<i32>} : memref<2x128xi32, #tpu.memory_space<vmem>>, vector<1x16xi32>,
      %get3A_193 = vector.shape_cast %get3A_192 : vector<1x16xi32> to vector<16xi32>
      %sub3A_194 = vector.broadcast %mul3A_63 : i32 to vector<16xi32>
      %sub3A_195 = arith.subi %get3A_193, %sub3A_194 : vector<16xi32>
      %ge3A_196 = arith.constant 0 : i32
      %ge3A_197 = vector.broadcast %ge3A_196 : i32 to vector<16xi32>
      %ge3A_198 = arith.cmpi sge, %sub3A_195, %ge3A_197 : vector<16xi32>
      %lt3A_199 = arith.constant 25000 : i32
      %lt3A_200 = vector.broadcast %lt3A_199 : i32 to vector<16xi32>
      %lt3A_201 = arith.cmpi slt, %sub3A_195, %lt3A_200 : vector<16xi32>
      %and3A_202 = arith.andi %ge3A_198, %lt3A_201 : vector<16xi1>
      %and3A_203 = arith.constant 7 : i32
      %and3A_204 = vector.broadcast %and3A_203 : i32 to vector<16xi32>
      %and3A_205 = arith.andi %get3A_193, %and3A_204 : vector<16xi32>
      %add3A_206 = arith.constant 25088 : i32
      %add3A_207 = vector.broadcast %add3A_206 : i32 to vector<16xi32>
      %add3A_208 = arith.addi %add3A_207, %and3A_205 : vector<16xi32>
      %select_n3A_209 = arith.select %and3A_202, %sub3A_195, %add3A_208 : vector<16xi1>, vector<16xi32>
      %swap3A_210 = arith.constant 0 : i32
      %swap3A_211 = arith.index_cast %swap3A_210 : i32 to index
      %swap3A_212 = arith.constant 48 : index
      %swap3A_213 = tpu.vector_load %arg6[%swap3A_211, %swap3A_212] {strides = array<i32>} : memref<2x128xi32, #tpu.memory_space<vmem>>, vector<1x16xi32>,
      %swap3A_214 = vector.shape_cast %swap3A_213 : vector<1x16xi32> to vector<16xi32>
      %swap3A_215 = vector.shape_cast %select_n3A_209 : vector<16xi32> to vector<1x16xi32>
      tpu.vector_store %arg6[%swap3A_211, %swap3A_212], %swap3A_215 {strides = array<i32>} : memref<2x128xi32, #tpu.memory_space<vmem>>, vector<1x16xi32>,
      %get3A_216 = arith.constant 0 : i32
      %get3A_217 = arith.index_cast %get3A_216 : i32 to index
      %get3A_218 = arith.constant 64 : index
      %get3A_219 = tpu.vector_load %arg6[%get3A_217, %get3A_218] {strides = array<i32>} : memref<2x128xi32, #tpu.memory_space<vmem>>, vector<1x16xi32>,
      %get3A_220 = vector.shape_cast %get3A_219 : vector<1x16xi32> to vector<16xi32>
      %sub3A_221 = vector.broadcast %mul3A_63 : i32 to vector<16xi32>
      %sub3A_222 = arith.subi %get3A_220, %sub3A_221 : vector<16xi32>
      %ge3A_223 = arith.constant 0 : i32
      %ge3A_224 = vector.broadcast %ge3A_223 : i32 to vector<16xi32>
      %ge3A_225 = arith.cmpi sge, %sub3A_222, %ge3A_224 : vector<16xi32>
      %lt3A_226 = arith.constant 25000 : i32
      %lt3A_227 = vector.broadcast %lt3A_226 : i32 to vector<16xi32>
      %lt3A_228 = arith.cmpi slt, %sub3A_222, %lt3A_227 : vector<16xi32>
      %and3A_229 = arith.andi %ge3A_225, %lt3A_228 : vector<16xi1>
      %and3A_230 = arith.constant 7 : i32
      %and3A_231 = vector.broadcast %and3A_230 : i32 to vector<16xi32>
      %and3A_232 = arith.andi %get3A_220, %and3A_231 : vector<16xi32>
      %add3A_233 = arith.constant 25088 : i32
      %add3A_234 = vector.broadcast %add3A_233 : i32 to vector<16xi32>
      %add3A_235 = arith.addi %add3A_234, %and3A_232 : vector<16xi32>
      %select_n3A_236 = arith.select %and3A_229, %sub3A_222, %add3A_235 : vector<16xi1>, vector<16xi32>
      %swap3A_237 = arith.constant 0 : i32
      %swap3A_238 = arith.index_cast %swap3A_237 : i32 to index
      %swap3A_239 = arith.constant 64 : index
      %swap3A_240 = tpu.vector_load %arg6[%swap3A_238, %swap3A_239] {strides = array<i32>} : memref<2x128xi32, #tpu.memory_space<vmem>>, vector<1x16xi32>,
      %swap3A_241 = vector.shape_cast %swap3A_240 : vector<1x16xi32> to vector<16xi32>
      %swap3A_242 = vector.shape_cast %select_n3A_236 : vector<16xi32> to vector<1x16xi32>
      tpu.vector_store %arg6[%swap3A_238, %swap3A_239], %swap3A_242 {strides = array<i32>} : memref<2x128xi32, #tpu.memory_space<vmem>>, vector<1x16xi32>,
      %get3A_243 = arith.constant 0 : i32
      %get3A_244 = arith.index_cast %get3A_243 : i32 to index
      %get3A_245 = arith.constant 80 : index
      %get3A_246 = tpu.vector_load %arg6[%get3A_244, %get3A_245] {strides = array<i32>} : memref<2x128xi32, #tpu.memory_space<vmem>>, vector<1x16xi32>,
      %get3A_247 = vector.shape_cast %get3A_246 : vector<1x16xi32> to vector<16xi32>
      %sub3A_248 = vector.broadcast %mul3A_63 : i32 to vector<16xi32>
      %sub3A_249 = arith.subi %get3A_247, %sub3A_248 : vector<16xi32>
      %ge3A_250 = arith.constant 0 : i32
      %ge3A_251 = vector.broadcast %ge3A_250 : i32 to vector<16xi32>
      %ge3A_252 = arith.cmpi sge, %sub3A_249, %ge3A_251 : vector<16xi32>
      %lt3A_253 = arith.constant 25000 : i32
      %lt3A_254 = vector.broadcast %lt3A_253 : i32 to vector<16xi32>
      %lt3A_255 = arith.cmpi slt, %sub3A_249, %lt3A_254 : vector<16xi32>
      %and3A_256 = arith.andi %ge3A_252, %lt3A_255 : vector<16xi1>
      %and3A_257 = arith.constant 7 : i32
      %and3A_258 = vector.broadcast %and3A_257 : i32 to vector<16xi32>
      %and3A_259 = arith.andi %get3A_247, %and3A_258 : vector<16xi32>
      %add3A_260 = arith.constant 25088 : i32
      %add3A_261 = vector.broadcast %add3A_260 : i32 to vector<16xi32>
      %add3A_262 = arith.addi %add3A_261, %and3A_259 : vector<16xi32>
      %select_n3A_263 = arith.select %and3A_256, %sub3A_249, %add3A_262 : vector<16xi1>, vector<16xi32>
      %swap3A_264 = arith.constant 0 : i32
      %swap3A_265 = arith.index_cast %swap3A_264 : i32 to index
      %swap3A_266 = arith.constant 80 : index
      %swap3A_267 = tpu.vector_load %arg6[%swap3A_265, %swap3A_266] {strides = array<i32>} : memref<2x128xi32, #tpu.memory_space<vmem>>, vector<1x16xi32>,
      %swap3A_268 = vector.shape_cast %swap3A_267 : vector<1x16xi32> to vector<16xi32>
      %swap3A_269 = vector.shape_cast %select_n3A_263 : vector<16xi32> to vector<1x16xi32>
      tpu.vector_store %arg6[%swap3A_265, %swap3A_266], %swap3A_269 {strides = array<i32>} : memref<2x128xi32, #tpu.memory_space<vmem>>, vector<1x16xi32>,
      %get3A_270 = arith.constant 0 : i32
      %get3A_271 = arith.index_cast %get3A_270 : i32 to index
      %get3A_272 = arith.constant 96 : index
      %get3A_273 = tpu.vector_load %arg6[%get3A_271, %get3A_272] {strides = array<i32>} : memref<2x128xi32, #tpu.memory_space<vmem>>, vector<1x16xi32>,
      %get3A_274 = vector.shape_cast %get3A_273 : vector<1x16xi32> to vector<16xi32>
      %sub3A_275 = vector.broadcast %mul3A_63 : i32 to vector<16xi32>
      %sub3A_276 = arith.subi %get3A_274, %sub3A_275 : vector<16xi32>
      %ge3A_277 = arith.constant 0 : i32
      %ge3A_278 = vector.broadcast %ge3A_277 : i32 to vector<16xi32>
      %ge3A_279 = arith.cmpi sge, %sub3A_276, %ge3A_278 : vector<16xi32>
      %lt3A_280 = arith.constant 25000 : i32
      %lt3A_281 = vector.broadcast %lt3A_280 : i32 to vector<16xi32>
      %lt3A_282 = arith.cmpi slt, %sub3A_276, %lt3A_281 : vector<16xi32>
      %and3A_283 = arith.andi %ge3A_279, %lt3A_282 : vector<16xi1>
      %and3A_284 = arith.constant 7 : i32
      %and3A_285 = vector.broadcast %and3A_284 : i32 to vector<16xi32>
      %and3A_286 = arith.andi %get3A_274, %and3A_285 : vector<16xi32>
      %add3A_287 = arith.constant 25088 : i32
      %add3A_288 = vector.broadcast %add3A_287 : i32 to vector<16xi32>
      %add3A_289 = arith.addi %add3A_288, %and3A_286 : vector<16xi32>
      %select_n3A_290 = arith.select %and3A_283, %sub3A_276, %add3A_289 : vector<16xi1>, vector<16xi32>
      %swap3A_291 = arith.constant 0 : i32
      %swap3A_292 = arith.index_cast %swap3A_291 : i32 to index
      %swap3A_293 = arith.constant 96 : index
      %swap3A_294 = tpu.vector_load %arg6[%swap3A_292, %swap3A_293] {strides = array<i32>} : memref<2x128xi32, #tpu.memory_space<vmem>>, vector<1x16xi32>,
      %swap3A_295 = vector.shape_cast %swap3A_294 : vector<1x16xi32> to vector<16xi32>
      %swap3A_296 = vector.shape_cast %select_n3A_290 : vector<16xi32> to vector<1x16xi32>
      tpu.vector_store %arg6[%swap3A_292, %swap3A_293], %swap3A_296 {strides = array<i32>} : memref<2x128xi32, #tpu.memory_space<vmem>>, vector<1x16xi32>,
      %get3A_297 = arith.constant 0 : i32
      %get3A_298 = arith.index_cast %get3A_297 : i32 to index
      %get3A_299 = arith.constant 112 : index
      %get3A_300 = tpu.vector_load %arg6[%get3A_298, %get3A_299] {strides = array<i32>} : memref<2x128xi32, #tpu.memory_space<vmem>>, vector<1x16xi32>,
      %get3A_301 = vector.shape_cast %get3A_300 : vector<1x16xi32> to vector<16xi32>
      %sub3A_302 = vector.broadcast %mul3A_63 : i32 to vector<16xi32>
      %sub3A_303 = arith.subi %get3A_301, %sub3A_302 : vector<16xi32>
      %ge3A_304 = arith.constant 0 : i32
      %ge3A_305 = vector.broadcast %ge3A_304 : i32 to vector<16xi32>
      %ge3A_306 = arith.cmpi sge, %sub3A_303, %ge3A_305 : vector<16xi32>
      %lt3A_307 = arith.constant 25000 : i32
      %lt3A_308 = vector.broadcast %lt3A_307 : i32 to vector<16xi32>
      %lt3A_309 = arith.cmpi slt, %sub3A_303, %lt3A_308 : vector<16xi32>
      %and3A_310 = arith.andi %ge3A_306, %lt3A_309 : vector<16xi1>
      %and3A_311 = arith.constant 7 : i32
      %and3A_312 = vector.broadcast %and3A_311 : i32 to vector<16xi32>
      %and3A_313 = arith.andi %get3A_301, %and3A_312 : vector<16xi32>
      %add3A_314 = arith.constant 25088 : i32
      %add3A_315 = vector.broadcast %add3A_314 : i32 to vector<16xi32>
      %add3A_316 = arith.addi %add3A_315, %and3A_313 : vector<16xi32>
      %select_n3A_317 = arith.select %and3A_310, %sub3A_303, %add3A_316 : vector<16xi1>, vector<16xi32>
      %swap3A_318 = arith.constant 0 : i32
      %swap3A_319 = arith.index_cast %swap3A_318 : i32 to index
      %swap3A_320 = arith.constant 112 : index
      %swap3A_321 = tpu.vector_load %arg6[%swap3A_319, %swap3A_320] {strides = array<i32>} : memref<2x128xi32, #tpu.memory_space<vmem>>, vector<1x16xi32>,
      %swap3A_322 = vector.shape_cast %swap3A_321 : vector<1x16xi32> to vector<16xi32>
      %swap3A_323 = vector.shape_cast %select_n3A_317 : vector<16xi32> to vector<1x16xi32>
      tpu.vector_store %arg6[%swap3A_319, %swap3A_320], %swap3A_323 {strides = array<i32>} : memref<2x128xi32, #tpu.memory_space<vmem>>, vector<1x16xi32>,
      %get3A_324 = arith.constant 1 : i32
      %get3A_325 = arith.index_cast %get3A_324 : i32 to index
      %get3A_326 = arith.constant 0 : index
      %get3A_327 = tpu.vector_load %arg6[%get3A_325, %get3A_326] {strides = array<i32>} : memref<2x128xi32, #tpu.memory_space<vmem>>, vector<1x16xi32>,
      %get3A_328 = vector.shape_cast %get3A_327 : vector<1x16xi32> to vector<16xi32>
      %sub3A_329 = vector.broadcast %mul3A_63 : i32 to vector<16xi32>
      %sub3A_330 = arith.subi %get3A_328, %sub3A_329 : vector<16xi32>
      %ge3A_331 = arith.constant 0 : i32
      %ge3A_332 = vector.broadcast %ge3A_331 : i32 to vector<16xi32>
      %ge3A_333 = arith.cmpi sge, %sub3A_330, %ge3A_332 : vector<16xi32>
      %lt3A_334 = arith.constant 25000 : i32
      %lt3A_335 = vector.broadcast %lt3A_334 : i32 to vector<16xi32>
      %lt3A_336 = arith.cmpi slt, %sub3A_330, %lt3A_335 : vector<16xi32>
      %and3A_337 = arith.andi %ge3A_333, %lt3A_336 : vector<16xi1>
      %and3A_338 = arith.constant 7 : i32
      %and3A_339 = vector.broadcast %and3A_338 : i32 to vector<16xi32>
      %and3A_340 = arith.andi %get3A_328, %and3A_339 : vector<16xi32>
      %add3A_341 = arith.constant 25088 : i32
      %add3A_342 = vector.broadcast %add3A_341 : i32 to vector<16xi32>
      %add3A_343 = arith.addi %add3A_342, %and3A_340 : vector<16xi32>
      %select_n3A_344 = arith.select %and3A_337, %sub3A_330, %add3A_343 : vector<16xi1>, vector<16xi32>
      %swap3A_345 = arith.constant 1 : i32
      %swap3A_346 = arith.index_cast %swap3A_345 : i32 to index
      %swap3A_347 = arith.constant 0 : index
      %swap3A_348 = tpu.vector_load %arg6[%swap3A_346, %swap3A_347] {strides = array<i32>} : memref<2x128xi32, #tpu.memory_space<vmem>>, vector<1x16xi32>,
      %swap3A_349 = vector.shape_cast %swap3A_348 : vector<1x16xi32> to vector<16xi32>
      %swap3A_350 = vector.shape_cast %select_n3A_344 : vector<16xi32> to vector<1x16xi32>
      tpu.vector_store %arg6[%swap3A_346, %swap3A_347], %swap3A_350 {strides = array<i32>} : memref<2x128xi32, #tpu.memory_space<vmem>>, vector<1x16xi32>,
      %get3A_351 = arith.constant 1 : i32
      %get3A_352 = arith.index_cast %get3A_351 : i32 to index
      %get3A_353 = arith.constant 16 : index
      %get3A_354 = tpu.vector_load %arg6[%get3A_352, %get3A_353] {strides = array<i32>} : memref<2x128xi32, #tpu.memory_space<vmem>>, vector<1x16xi32>,
      %get3A_355 = vector.shape_cast %get3A_354 : vector<1x16xi32> to vector<16xi32>
      %sub3A_356 = vector.broadcast %mul3A_63 : i32 to vector<16xi32>
      %sub3A_357 = arith.subi %get3A_355, %sub3A_356 : vector<16xi32>
      %ge3A_358 = arith.constant 0 : i32
      %ge3A_359 = vector.broadcast %ge3A_358 : i32 to vector<16xi32>
      %ge3A_360 = arith.cmpi sge, %sub3A_357, %ge3A_359 : vector<16xi32>
      %lt3A_361 = arith.constant 25000 : i32
      %lt3A_362 = vector.broadcast %lt3A_361 : i32 to vector<16xi32>
      %lt3A_363 = arith.cmpi slt, %sub3A_357, %lt3A_362 : vector<16xi32>
      %and3A_364 = arith.andi %ge3A_360, %lt3A_363 : vector<16xi1>
      %and3A_365 = arith.constant 7 : i32
      %and3A_366 = vector.broadcast %and3A_365 : i32 to vector<16xi32>
      %and3A_367 = arith.andi %get3A_355, %and3A_366 : vector<16xi32>
      %add3A_368 = arith.constant 25088 : i32
      %add3A_369 = vector.broadcast %add3A_368 : i32 to vector<16xi32>
      %add3A_370 = arith.addi %add3A_369, %and3A_367 : vector<16xi32>
      %select_n3A_371 = arith.select %and3A_364, %sub3A_357, %add3A_370 : vector<16xi1>, vector<16xi32>
      %swap3A_372 = arith.constant 1 : i32
      %swap3A_373 = arith.index_cast %swap3A_372 : i32 to index
      %swap3A_374 = arith.constant 16 : index
      %swap3A_375 = tpu.vector_load %arg6[%swap3A_373, %swap3A_374] {strides = array<i32>} : memref<2x128xi32, #tpu.memory_space<vmem>>, vector<1x16xi32>,
      %swap3A_376 = vector.shape_cast %swap3A_375 : vector<1x16xi32> to vector<16xi32>
      %swap3A_377 = vector.shape_cast %select_n3A_371 : vector<16xi32> to vector<1x16xi32>
      tpu.vector_store %arg6[%swap3A_373, %swap3A_374], %swap3A_377 {strides = array<i32>} : memref<2x128xi32, #tpu.memory_space<vmem>>, vector<1x16xi32>,
      %get3A_378 = arith.constant 1 : i32
      %get3A_379 = arith.index_cast %get3A_378 : i32 to index
      %get3A_380 = arith.constant 32 : index
      %get3A_381 = tpu.vector_load %arg6[%get3A_379, %get3A_380] {strides = array<i32>} : memref<2x128xi32, #tpu.memory_space<vmem>>, vector<1x16xi32>,
      %get3A_382 = vector.shape_cast %get3A_381 : vector<1x16xi32> to vector<16xi32>
      %sub3A_383 = vector.broadcast %mul3A_63 : i32 to vector<16xi32>
      %sub3A_384 = arith.subi %get3A_382, %sub3A_383 : vector<16xi32>
      %ge3A_385 = arith.constant 0 : i32
      %ge3A_386 = vector.broadcast %ge3A_385 : i32 to vector<16xi32>
      %ge3A_387 = arith.cmpi sge, %sub3A_384, %ge3A_386 : vector<16xi32>
      %lt3A_388 = arith.constant 25000 : i32
      %lt3A_389 = vector.broadcast %lt3A_388 : i32 to vector<16xi32>
      %lt3A_390 = arith.cmpi slt, %sub3A_384, %lt3A_389 : vector<16xi32>
      %and3A_391 = arith.andi %ge3A_387, %lt3A_390 : vector<16xi1>
      %and3A_392 = arith.constant 7 : i32
      %and3A_393 = vector.broadcast %and3A_392 : i32 to vector<16xi32>
      %and3A_394 = arith.andi %get3A_382, %and3A_393 : vector<16xi32>
      %add3A_395 = arith.constant 25088 : i32
      %add3A_396 = vector.broadcast %add3A_395 : i32 to vector<16xi32>
      %add3A_397 = arith.addi %add3A_396, %and3A_394 : vector<16xi32>
      %select_n3A_398 = arith.select %and3A_391, %sub3A_384, %add3A_397 : vector<16xi1>, vector<16xi32>
      %swap3A_399 = arith.constant 1 : i32
      %swap3A_400 = arith.index_cast %swap3A_399 : i32 to index
      %swap3A_401 = arith.constant 32 : index
      %swap3A_402 = tpu.vector_load %arg6[%swap3A_400, %swap3A_401] {strides = array<i32>} : memref<2x128xi32, #tpu.memory_space<vmem>>, vector<1x16xi32>,
      %swap3A_403 = vector.shape_cast %swap3A_402 : vector<1x16xi32> to vector<16xi32>
      %swap3A_404 = vector.shape_cast %select_n3A_398 : vector<16xi32> to vector<1x16xi32>
      tpu.vector_store %arg6[%swap3A_400, %swap3A_401], %swap3A_404 {strides = array<i32>} : memref<2x128xi32, #tpu.memory_space<vmem>>, vector<1x16xi32>,
      %get3A_405 = arith.constant 1 : i32
      %get3A_406 = arith.index_cast %get3A_405 : i32 to index
      %get3A_407 = arith.constant 48 : index
      %get3A_408 = tpu.vector_load %arg6[%get3A_406, %get3A_407] {strides = array<i32>} : memref<2x128xi32, #tpu.memory_space<vmem>>, vector<1x16xi32>,
      %get3A_409 = vector.shape_cast %get3A_408 : vector<1x16xi32> to vector<16xi32>
      %sub3A_410 = vector.broadcast %mul3A_63 : i32 to vector<16xi32>
      %sub3A_411 = arith.subi %get3A_409, %sub3A_410 : vector<16xi32>
      %ge3A_412 = arith.constant 0 : i32
      %ge3A_413 = vector.broadcast %ge3A_412 : i32 to vector<16xi32>
      %ge3A_414 = arith.cmpi sge, %sub3A_411, %ge3A_413 : vector<16xi32>
      %lt3A_415 = arith.constant 25000 : i32
      %lt3A_416 = vector.broadcast %lt3A_415 : i32 to vector<16xi32>
      %lt3A_417 = arith.cmpi slt, %sub3A_411, %lt3A_416 : vector<16xi32>
      %and3A_418 = arith.andi %ge3A_414, %lt3A_417 : vector<16xi1>
      %and3A_419 = arith.constant 7 : i32
      %and3A_420 = vector.broadcast %and3A_419 : i32 to vector<16xi32>
      %and3A_421 = arith.andi %get3A_409, %and3A_420 : vector<16xi32>
      %add3A_422 = arith.constant 25088 : i32
      %add3A_423 = vector.broadcast %add3A_422 : i32 to vector<16xi32>
      %add3A_424 = arith.addi %add3A_423, %and3A_421 : vector<16xi32>
      %select_n3A_425 = arith.select %and3A_418, %sub3A_411, %add3A_424 : vector<16xi1>, vector<16xi32>
      %swap3A_426 = arith.constant 1 : i32
      %swap3A_427 = arith.index_cast %swap3A_426 : i32 to index
      %swap3A_428 = arith.constant 48 : index
      %swap3A_429 = tpu.vector_load %arg6[%swap3A_427, %swap3A_428] {strides = array<i32>} : memref<2x128xi32, #tpu.memory_space<vmem>>, vector<1x16xi32>,
      %swap3A_430 = vector.shape_cast %swap3A_429 : vector<1x16xi32> to vector<16xi32>
      %swap3A_431 = vector.shape_cast %select_n3A_425 : vector<16xi32> to vector<1x16xi32>
      tpu.vector_store %arg6[%swap3A_427, %swap3A_428], %swap3A_431 {strides = array<i32>} : memref<2x128xi32, #tpu.memory_space<vmem>>, vector<1x16xi32>,
      %get3A_432 = arith.constant 1 : i32
      %get3A_433 = arith.index_cast %get3A_432 : i32 to index
      %get3A_434 = arith.constant 64 : index
      %get3A_435 = tpu.vector_load %arg6[%get3A_433, %get3A_434] {strides = array<i32>} : memref<2x128xi32, #tpu.memory_space<vmem>>, vector<1x16xi32>,
      %get3A_436 = vector.shape_cast %get3A_435 : vector<1x16xi32> to vector<16xi32>
      %sub3A_437 = vector.broadcast %mul3A_63 : i32 to vector<16xi32>
      %sub3A_438 = arith.subi %get3A_436, %sub3A_437 : vector<16xi32>
      %ge3A_439 = arith.constant 0 : i32
      %ge3A_440 = vector.broadcast %ge3A_439 : i32 to vector<16xi32>
      %ge3A_441 = arith.cmpi sge, %sub3A_438, %ge3A_440 : vector<16xi32>
      %lt3A_442 = arith.constant 25000 : i32
      %lt3A_443 = vector.broadcast %lt3A_442 : i32 to vector<16xi32>
      %lt3A_444 = arith.cmpi slt, %sub3A_438, %lt3A_443 : vector<16xi32>
      %and3A_445 = arith.andi %ge3A_441, %lt3A_444 : vector<16xi1>
      %and3A_446 = arith.constant 7 : i32
      %and3A_447 = vector.broadcast %and3A_446 : i32 to vector<16xi32>
      %and3A_448 = arith.andi %get3A_436, %and3A_447 : vector<16xi32>
      %add3A_449 = arith.constant 25088 : i32
      %add3A_450 = vector.broadcast %add3A_449 : i32 to vector<16xi32>
      %add3A_451 = arith.addi %add3A_450, %and3A_448 : vector<16xi32>
      %select_n3A_452 = arith.select %and3A_445, %sub3A_438, %add3A_451 : vector<16xi1>, vector<16xi32>
      %swap3A_453 = arith.constant 1 : i32
      %swap3A_454 = arith.index_cast %swap3A_453 : i32 to index
      %swap3A_455 = arith.constant 64 : index
      %swap3A_456 = tpu.vector_load %arg6[%swap3A_454, %swap3A_455] {strides = array<i32>} : memref<2x128xi32, #tpu.memory_space<vmem>>, vector<1x16xi32>,
      %swap3A_457 = vector.shape_cast %swap3A_456 : vector<1x16xi32> to vector<16xi32>
      %swap3A_458 = vector.shape_cast %select_n3A_452 : vector<16xi32> to vector<1x16xi32>
      tpu.vector_store %arg6[%swap3A_454, %swap3A_455], %swap3A_458 {strides = array<i32>} : memref<2x128xi32, #tpu.memory_space<vmem>>, vector<1x16xi32>,
      %get3A_459 = arith.constant 1 : i32
      %get3A_460 = arith.index_cast %get3A_459 : i32 to index
      %get3A_461 = arith.constant 80 : index
      %get3A_462 = tpu.vector_load %arg6[%get3A_460, %get3A_461] {strides = array<i32>} : memref<2x128xi32, #tpu.memory_space<vmem>>, vector<1x16xi32>,
      %get3A_463 = vector.shape_cast %get3A_462 : vector<1x16xi32> to vector<16xi32>
      %sub3A_464 = vector.broadcast %mul3A_63 : i32 to vector<16xi32>
      %sub3A_465 = arith.subi %get3A_463, %sub3A_464 : vector<16xi32>
      %ge3A_466 = arith.constant 0 : i32
      %ge3A_467 = vector.broadcast %ge3A_466 : i32 to vector<16xi32>
      %ge3A_468 = arith.cmpi sge, %sub3A_465, %ge3A_467 : vector<16xi32>
      %lt3A_469 = arith.constant 25000 : i32
      %lt3A_470 = vector.broadcast %lt3A_469 : i32 to vector<16xi32>
      %lt3A_471 = arith.cmpi slt, %sub3A_465, %lt3A_470 : vector<16xi32>
      %and3A_472 = arith.andi %ge3A_468, %lt3A_471 : vector<16xi1>
      %and3A_473 = arith.constant 7 : i32
      %and3A_474 = vector.broadcast %and3A_473 : i32 to vector<16xi32>
      %and3A_475 = arith.andi %get3A_463, %and3A_474 : vector<16xi32>
      %add3A_476 = arith.constant 25088 : i32
      %add3A_477 = vector.broadcast %add3A_476 : i32 to vector<16xi32>
      %add3A_478 = arith.addi %add3A_477, %and3A_475 : vector<16xi32>
      %select_n3A_479 = arith.select %and3A_472, %sub3A_465, %add3A_478 : vector<16xi1>, vector<16xi32>
      %swap3A_480 = arith.constant 1 : i32
      %swap3A_481 = arith.index_cast %swap3A_480 : i32 to index
      %swap3A_482 = arith.constant 80 : index
      %swap3A_483 = tpu.vector_load %arg6[%swap3A_481, %swap3A_482] {strides = array<i32>} : memref<2x128xi32, #tpu.memory_space<vmem>>, vector<1x16xi32>,
      %swap3A_484 = vector.shape_cast %swap3A_483 : vector<1x16xi32> to vector<16xi32>
      %swap3A_485 = vector.shape_cast %select_n3A_479 : vector<16xi32> to vector<1x16xi32>
      tpu.vector_store %arg6[%swap3A_481, %swap3A_482], %swap3A_485 {strides = array<i32>} : memref<2x128xi32, #tpu.memory_space<vmem>>, vector<1x16xi32>,
      %get3A_486 = arith.constant 1 : i32
      %get3A_487 = arith.index_cast %get3A_486 : i32 to index
      %get3A_488 = arith.constant 96 : index
      %get3A_489 = tpu.vector_load %arg6[%get3A_487, %get3A_488] {strides = array<i32>} : memref<2x128xi32, #tpu.memory_space<vmem>>, vector<1x16xi32>,
      %get3A_490 = vector.shape_cast %get3A_489 : vector<1x16xi32> to vector<16xi32>
      %sub3A_491 = vector.broadcast %mul3A_63 : i32 to vector<16xi32>
      %sub3A_492 = arith.subi %get3A_490, %sub3A_491 : vector<16xi32>
      %ge3A_493 = arith.constant 0 : i32
      %ge3A_494 = vector.broadcast %ge3A_493 : i32 to vector<16xi32>
      %ge3A_495 = arith.cmpi sge, %sub3A_492, %ge3A_494 : vector<16xi32>
      %lt3A_496 = arith.constant 25000 : i32
      %lt3A_497 = vector.broadcast %lt3A_496 : i32 to vector<16xi32>
      %lt3A_498 = arith.cmpi slt, %sub3A_492, %lt3A_497 : vector<16xi32>
      %and3A_499 = arith.andi %ge3A_495, %lt3A_498 : vector<16xi1>
      %and3A_500 = arith.constant 7 : i32
      %and3A_501 = vector.broadcast %and3A_500 : i32 to vector<16xi32>
      %and3A_502 = arith.andi %get3A_490, %and3A_501 : vector<16xi32>
      %add3A_503 = arith.constant 25088 : i32
      %add3A_504 = vector.broadcast %add3A_503 : i32 to vector<16xi32>
      %add3A_505 = arith.addi %add3A_504, %and3A_502 : vector<16xi32>
      %select_n3A_506 = arith.select %and3A_499, %sub3A_492, %add3A_505 : vector<16xi1>, vector<16xi32>
      %swap3A_507 = arith.constant 1 : i32
      %swap3A_508 = arith.index_cast %swap3A_507 : i32 to index
      %swap3A_509 = arith.constant 96 : index
      %swap3A_510 = tpu.vector_load %arg6[%swap3A_508, %swap3A_509] {strides = array<i32>} : memref<2x128xi32, #tpu.memory_space<vmem>>, vector<1x16xi32>,
      %swap3A_511 = vector.shape_cast %swap3A_510 : vector<1x16xi32> to vector<16xi32>
      %swap3A_512 = vector.shape_cast %select_n3A_506 : vector<16xi32> to vector<1x16xi32>
      tpu.vector_store %arg6[%swap3A_508, %swap3A_509], %swap3A_512 {strides = array<i32>} : memref<2x128xi32, #tpu.memory_space<vmem>>, vector<1x16xi32>,
      %get3A_513 = arith.constant 1 : i32
      %get3A_514 = arith.index_cast %get3A_513 : i32 to index
      %get3A_515 = arith.constant 112 : index
      %get3A_516 = tpu.vector_load %arg6[%get3A_514, %get3A_515] {strides = array<i32>} : memref<2x128xi32, #tpu.memory_space<vmem>>, vector<1x16xi32>,
      %get3A_517 = vector.shape_cast %get3A_516 : vector<1x16xi32> to vector<16xi32>
      %sub3A_518 = vector.broadcast %mul3A_63 : i32 to vector<16xi32>
      %sub3A_519 = arith.subi %get3A_517, %sub3A_518 : vector<16xi32>
      %ge3A_520 = arith.constant 0 : i32
      %ge3A_521 = vector.broadcast %ge3A_520 : i32 to vector<16xi32>
      %ge3A_522 = arith.cmpi sge, %sub3A_519, %ge3A_521 : vector<16xi32>
      %lt3A_523 = arith.constant 25000 : i32
      %lt3A_524 = vector.broadcast %lt3A_523 : i32 to vector<16xi32>
      %lt3A_525 = arith.cmpi slt, %sub3A_519, %lt3A_524 : vector<16xi32>
      %and3A_526 = arith.andi %ge3A_522, %lt3A_525 : vector<16xi1>
      %and3A_527 = arith.constant 7 : i32
      %and3A_528 = vector.broadcast %and3A_527 : i32 to vector<16xi32>
      %and3A_529 = arith.andi %get3A_517, %and3A_528 : vector<16xi32>
      %add3A_530 = arith.constant 25088 : i32
      %add3A_531 = vector.broadcast %add3A_530 : i32 to vector<16xi32>
      %add3A_532 = arith.addi %add3A_531, %and3A_529 : vector<16xi32>
      %select_n3A_533 = arith.select %and3A_526, %sub3A_519, %add3A_532 : vector<16xi1>, vector<16xi32>
      %swap3A_534 = arith.constant 1 : i32
      %swap3A_535 = arith.index_cast %swap3A_534 : i32 to index
      %swap3A_536 = arith.constant 112 : index
      %swap3A_537 = tpu.vector_load %arg6[%swap3A_535, %swap3A_536] {strides = array<i32>} : memref<2x128xi32, #tpu.memory_space<vmem>>, vector<1x16xi32>,
      %swap3A_538 = vector.shape_cast %swap3A_537 : vector<1x16xi32> to vector<16xi32>
      %swap3A_539 = vector.shape_cast %select_n3A_533 : vector<16xi32> to vector<1x16xi32>
      tpu.vector_store %arg6[%swap3A_535, %swap3A_536], %swap3A_539 {strides = array<i32>} : memref<2x128xi32, #tpu.memory_space<vmem>>, vector<1x16xi32>,
      %run_scoped3A = arith.constant 0 : i32
      "tpu.region"() ({
        %run_scoped3A_541 = tpu.sem_alloc : memref<!tpu.dma_semaphore, #tpu.memory_space<semaphore_mem>>
        %dma_start3A_542 = arith.constant 0 : i32
        %dma_start3A_543 = arith.constant 0 : i32
        %dma_start3A_544 = tpu.memref_slice %arg7[%dma_start3A_542, %dma_start3A_543] : memref<256x64xf32, #tpu.memory_space<vmem>> -> memref<128x64xf32, #tpu.memory_space<vmem>>
        %dma_start3A_545 = arith.constant 0 : i32
        %dma_start3A_546 = tpu.memref_slice %arg6[%run_scoped3A, %dma_start3A_545] : memref<2x128xi32, #tpu.memory_space<vmem>> -> memref<1x128xi32, #tpu.memory_space<vmem>>
        %dma_start3A_547 = tpu.memref_squeeze %dma_start3A_546 : memref<1x128xi32, #tpu.memory_space<vmem>> -> memref<128xi32, #tpu.memory_space<vmem>>
        %dma_start3A_548 = arith.constant 0 : i32
        %dma_start3A_549 = arith.constant 0 : i32
        %dma_start3A_550 = tpu.memref_slice %arg8[%dma_start3A_548, %dma_start3A_549] : memref<25096x64xf32, #tpu.memory_space<vmem_shared>> -> memref<25096x64xf32, #tpu.memory_space<vmem_shared>>
        tpu.enqueue_indirect_dma source(%dma_start3A_544 : memref<128x64xf32, #tpu.memory_space<vmem>>) target(%dma_start3A_550 : memref<25096x64xf32, #tpu.memory_space<vmem_shared>>) offsets(%dma_start3A_547 : memref<128xi32, #tpu.memory_space<vmem>>) semaphore(%run_scoped3A_541 : memref<!tpu.dma_semaphore, #tpu.memory_space<semaphore_mem>>) {add = true}
        %dma_wait3A_551 = arith.constant 0 : i32
        %dma_wait3A_552 = arith.constant 0 : i32
        %dma_wait3A_553 = tpu.memref_slice %arg7[%dma_wait3A_551, %dma_wait3A_552] : memref<256x64xf32, #tpu.memory_space<vmem>> -> memref<128x64xf32, #tpu.memory_space<vmem>>
        %dma_wait3A_554 = arith.constant 0 : i32
        %dma_wait3A_555 = tpu.memref_slice %arg6[%run_scoped3A, %dma_wait3A_554] : memref<2x128xi32, #tpu.memory_space<vmem>> -> memref<1x128xi32, #tpu.memory_space<vmem>>
        %dma_wait3A_556 = tpu.memref_squeeze %dma_wait3A_555 : memref<1x128xi32, #tpu.memory_space<vmem>> -> memref<128xi32, #tpu.memory_space<vmem>>
        %dma_wait3A_557 = arith.constant 0 : i32
        %dma_wait3A_558 = arith.constant 0 : i32
        %dma_wait3A_559 = tpu.memref_slice %arg8[%dma_wait3A_557, %dma_wait3A_558] : memref<25096x64xf32, #tpu.memory_space<vmem_shared>> -> memref<25096x64xf32, #tpu.memory_space<vmem_shared>>
        tpu.wait_indirect_dma semaphore(%run_scoped3A_541 : memref<!tpu.dma_semaphore, #tpu.memory_space<semaphore_mem>>) src(%dma_wait3A_553 : memref<128x64xf32, #tpu.memory_space<vmem>>) dst(%dma_wait3A_559 : memref<25096x64xf32, #tpu.memory_space<vmem_shared>>)
        tpu.yield
      }) : () -> ()
      %run_scoped3A_540 = arith.constant 1 : i32
      "tpu.region"() ({
        %run_scoped3A_541 = tpu.sem_alloc : memref<!tpu.dma_semaphore, #tpu.memory_space<semaphore_mem>>
        %dma_start3A_542 = arith.constant 128 : i32
        %dma_start3A_543 = arith.constant 0 : i32
        %dma_start3A_544 = tpu.memref_slice %arg7[%dma_start3A_542, %dma_start3A_543] : memref<256x64xf32, #tpu.memory_space<vmem>> -> memref<128x64xf32, #tpu.memory_space<vmem>>
        %dma_start3A_545 = arith.constant 0 : i32
        %dma_start3A_546 = tpu.memref_slice %arg6[%run_scoped3A_540, %dma_start3A_545] : memref<2x128xi32, #tpu.memory_space<vmem>> -> memref<1x128xi32, #tpu.memory_space<vmem>>
        %dma_start3A_547 = tpu.memref_squeeze %dma_start3A_546 : memref<1x128xi32, #tpu.memory_space<vmem>> -> memref<128xi32, #tpu.memory_space<vmem>>
        %dma_start3A_548 = arith.constant 0 : i32
        %dma_start3A_549 = arith.constant 0 : i32
        %dma_start3A_550 = tpu.memref_slice %arg8[%dma_start3A_548, %dma_start3A_549] : memref<25096x64xf32, #tpu.memory_space<vmem_shared>> -> memref<25096x64xf32, #tpu.memory_space<vmem_shared>>
        tpu.enqueue_indirect_dma source(%dma_start3A_544 : memref<128x64xf32, #tpu.memory_space<vmem>>) target(%dma_start3A_550 : memref<25096x64xf32, #tpu.memory_space<vmem_shared>>) offsets(%dma_start3A_547 : memref<128xi32, #tpu.memory_space<vmem>>) semaphore(%run_scoped3A_541 : memref<!tpu.dma_semaphore, #tpu.memory_space<semaphore_mem>>) {add = true}
        %dma_wait3A_551 = arith.constant 128 : i32
        %dma_wait3A_552 = arith.constant 0 : i32
        %dma_wait3A_553 = tpu.memref_slice %arg7[%dma_wait3A_551, %dma_wait3A_552] : memref<256x64xf32, #tpu.memory_space<vmem>> -> memref<128x64xf32, #tpu.memory_space<vmem>>
        %dma_wait3A_554 = arith.constant 0 : i32
        %dma_wait3A_555 = tpu.memref_slice %arg6[%run_scoped3A_540, %dma_wait3A_554] : memref<2x128xi32, #tpu.memory_space<vmem>> -> memref<1x128xi32, #tpu.memory_space<vmem>>
        %dma_wait3A_556 = tpu.memref_squeeze %dma_wait3A_555 : memref<1x128xi32, #tpu.memory_space<vmem>> -> memref<128xi32, #tpu.memory_space<vmem>>
        %dma_wait3A_557 = arith.constant 0 : i32
        %dma_wait3A_558 = arith.constant 0 : i32
        %dma_wait3A_559 = tpu.memref_slice %arg8[%dma_wait3A_557, %dma_wait3A_558] : memref<25096x64xf32, #tpu.memory_space<vmem_shared>> -> memref<25096x64xf32, #tpu.memory_space<vmem_shared>>
        tpu.wait_indirect_dma semaphore(%run_scoped3A_541 : memref<!tpu.dma_semaphore, #tpu.memory_space<semaphore_mem>>) src(%dma_wait3A_553 : memref<128x64xf32, #tpu.memory_space<vmem>>) dst(%dma_wait3A_559 : memref<25096x64xf32, #tpu.memory_space<vmem_shared>>)
        tpu.yield
      }) : () -> ()
    }
    %scan3A_68 = arith.constant 98 : i32
    %scan3A_69 = arith.constant 0 : i32
    %scan3A_70 = arith.constant 98 : i32
    %scan3A_71 = arith.addi %scan3A_69, %scan3A_70 : i32
    %scan3A_72 = arith.constant 1 : i32
    scf.for %scan3A_86 = %scan3A_69 to %scan3A_71 step %scan3A_72  : i32 {
      %mul3A_87 = arith.constant 1 : i32
      %mul3A_88 = arith.muli %scan3A_86, %mul3A_87 : i32
      %add3A_89 = arith.constant 0 : i32
      %add3A_90 = arith.addi %add3A_89, %mul3A_88 : i32
      %mul3A_91 = arith.constant 98 : i32
      %mul3A_92 = arith.muli %arg1, %mul3A_91 : i32
      %add3A_93 = arith.addi %mul3A_92, %add3A_90 : i32
      %mul3A_94 = arith.constant 2 : i32
      %mul3A_95 = arith.muli %add3A_93, %mul3A_94 : i32
      %add3A_96 = arith.constant 3136 : i32
      %add3A_97 = arith.addi %add3A_96, %mul3A_95 : i32
      %mul3A_98 = arith.constant 256 : i32
      %mul3A_99 = arith.muli %add3A_93, %mul3A_98 : i32
      %dma_start3A = arith.constant 0 : i32
      %dma_start3A_100 = tpu.memref_slice %arg4[%add3A_97, %dma_start3A] : memref<6272x128xi32, #tpu.memory_space<hbm>> -> memref<2x128xi32, #tpu.memory_space<hbm>>
      %dma_start3A_101 = arith.constant 0 : i32
      %dma_start3A_102 = tpu.memref_slice %arg4[%add3A_97, %dma_start3A_101] : memref<6272x128xi32, #tpu.memory_space<hbm>> -> memref<2x128xi32, #tpu.memory_space<hbm>>
      tpu.enqueue_dma source(%dma_start3A_102 : memref<2x128xi32, #tpu.memory_space<hbm>>) target(%arg6 : memref<2x128xi32, #tpu.memory_space<vmem>>) target_semaphore(%arg9 : memref<!tpu.dma_semaphore, #tpu.memory_space<semaphore_mem>>)
      %dma_start3A_103 = arith.constant 0 : i32
      %dma_start3A_104 = tpu.memref_slice %arg3[%mul3A_99, %dma_start3A_103] : memref<401408x64xf32, #tpu.memory_space<hbm>> -> memref<256x64xf32, #tpu.memory_space<hbm>>
      %dma_start3A_105 = arith.constant 0 : i32
      %dma_start3A_106 = tpu.memref_slice %arg3[%mul3A_99, %dma_start3A_105] : memref<401408x64xf32, #tpu.memory_space<hbm>> -> memref<256x64xf32, #tpu.memory_space<hbm>>
      tpu.enqueue_dma source(%dma_start3A_106 : memref<256x64xf32, #tpu.memory_space<hbm>>) target(%arg7 : memref<256x64xf32, #tpu.memory_space<vmem>>) target_semaphore(%arg9 : memref<!tpu.dma_semaphore, #tpu.memory_space<semaphore_mem>>)
      %dma_wait3A = arith.constant 0 : i32
      %dma_wait3A_107 = tpu.memref_slice %arg4[%add3A_97, %dma_wait3A] : memref<6272x128xi32, #tpu.memory_space<hbm>> -> memref<2x128xi32, #tpu.memory_space<hbm>>
      %dma_wait3A_108 = arith.constant 0 : i32
      %dma_wait3A_109 = tpu.memref_slice %arg4[%add3A_97, %dma_wait3A_108] : memref<6272x128xi32, #tpu.memory_space<hbm>> -> memref<2x128xi32, #tpu.memory_space<hbm>>
      tpu.wait_dma2 semaphore(%arg9 : memref<!tpu.dma_semaphore, #tpu.memory_space<semaphore_mem>>) src(%dma_wait3A_109 : memref<2x128xi32, #tpu.memory_space<hbm>>) dst(%arg6 : memref<2x128xi32, #tpu.memory_space<vmem>>)
      %dma_wait3A_110 = arith.constant 0 : i32
      %dma_wait3A_111 = tpu.memref_slice %arg3[%mul3A_99, %dma_wait3A_110] : memref<401408x64xf32, #tpu.memory_space<hbm>> -> memref<256x64xf32, #tpu.memory_space<hbm>>
      %dma_wait3A_112 = arith.constant 0 : i32
      %dma_wait3A_113 = tpu.memref_slice %arg3[%mul3A_99, %dma_wait3A_112] : memref<401408x64xf32, #tpu.memory_space<hbm>> -> memref<256x64xf32, #tpu.memory_space<hbm>>
      tpu.wait_dma2 semaphore(%arg9 : memref<!tpu.dma_semaphore, #tpu.memory_space<semaphore_mem>>) src(%dma_wait3A_113 : memref<256x64xf32, #tpu.memory_space<hbm>>) dst(%arg7 : memref<256x64xf32, #tpu.memory_space<vmem>>)
      %get3A = arith.constant 0 : i32
      %get3A_114 = arith.index_cast %get3A : i32 to index
      %get3A_115 = arith.constant 0 : index
      %get3A_116 = tpu.vector_load %arg6[%get3A_114, %get3A_115] {strides = array<i32>} : memref<2x128xi32, #tpu.memory_space<vmem>>, vector<1x16xi32>,
      %get3A_117 = vector.shape_cast %get3A_116 : vector<1x16xi32> to vector<16xi32>
      %sub3A = vector.broadcast %mul3A_63 : i32 to vector<16xi32>
      %sub3A_118 = arith.subi %get3A_117, %sub3A : vector<16xi32>
      %ge3A = arith.constant 0 : i32
      %ge3A_119 = vector.broadcast %ge3A : i32 to vector<16xi32>
      %ge3A_120 = arith.cmpi sge, %sub3A_118, %ge3A_119 : vector<16xi32>
      %lt3A_121 = arith.constant 25000 : i32
      %lt3A_122 = vector.broadcast %lt3A_121 : i32 to vector<16xi32>
      %lt3A_123 = arith.cmpi slt, %sub3A_118, %lt3A_122 : vector<16xi32>
      %and3A = arith.andi %ge3A_120, %lt3A_123 : vector<16xi1>
      %and3A_124 = arith.constant 7 : i32
      %and3A_125 = vector.broadcast %and3A_124 : i32 to vector<16xi32>
      %and3A_126 = arith.andi %get3A_117, %and3A_125 : vector<16xi32>
      %add3A_127 = arith.constant 25088 : i32
      %add3A_128 = vector.broadcast %add3A_127 : i32 to vector<16xi32>
      %add3A_129 = arith.addi %add3A_128, %and3A_126 : vector<16xi32>
      %select_n3A = arith.select %and3A, %sub3A_118, %add3A_129 : vector<16xi1>, vector<16xi32>
      %swap3A = arith.constant 0 : i32
      %swap3A_130 = arith.index_cast %swap3A : i32 to index
      %swap3A_131 = arith.constant 0 : index
      %swap3A_132 = tpu.vector_load %arg6[%swap3A_130, %swap3A_131] {strides = array<i32>} : memref<2x128xi32, #tpu.memory_space<vmem>>, vector<1x16xi32>,
      %swap3A_133 = vector.shape_cast %swap3A_132 : vector<1x16xi32> to vector<16xi32>
      %swap3A_134 = vector.shape_cast %select_n3A : vector<16xi32> to vector<1x16xi32>
      tpu.vector_store %arg6[%swap3A_130, %swap3A_131], %swap3A_134 {strides = array<i32>} : memref<2x128xi32, #tpu.memory_space<vmem>>, vector<1x16xi32>,
      %get3A_135 = arith.constant 0 : i32
      %get3A_136 = arith.index_cast %get3A_135 : i32 to index
      %get3A_137 = arith.constant 16 : index
      %get3A_138 = tpu.vector_load %arg6[%get3A_136, %get3A_137] {strides = array<i32>} : memref<2x128xi32, #tpu.memory_space<vmem>>, vector<1x16xi32>,
      %get3A_139 = vector.shape_cast %get3A_138 : vector<1x16xi32> to vector<16xi32>
      %sub3A_140 = vector.broadcast %mul3A_63 : i32 to vector<16xi32>
      %sub3A_141 = arith.subi %get3A_139, %sub3A_140 : vector<16xi32>
      %ge3A_142 = arith.constant 0 : i32
      %ge3A_143 = vector.broadcast %ge3A_142 : i32 to vector<16xi32>
      %ge3A_144 = arith.cmpi sge, %sub3A_141, %ge3A_143 : vector<16xi32>
      %lt3A_145 = arith.constant 25000 : i32
      %lt3A_146 = vector.broadcast %lt3A_145 : i32 to vector<16xi32>
      %lt3A_147 = arith.cmpi slt, %sub3A_141, %lt3A_146 : vector<16xi32>
      %and3A_148 = arith.andi %ge3A_144, %lt3A_147 : vector<16xi1>
      %and3A_149 = arith.constant 7 : i32
      %and3A_150 = vector.broadcast %and3A_149 : i32 to vector<16xi32>
      %and3A_151 = arith.andi %get3A_139, %and3A_150 : vector<16xi32>
      %add3A_152 = arith.constant 25088 : i32
      %add3A_153 = vector.broadcast %add3A_152 : i32 to vector<16xi32>
      %add3A_154 = arith.addi %add3A_153, %and3A_151 : vector<16xi32>
      %select_n3A_155 = arith.select %and3A_148, %sub3A_141, %add3A_154 : vector<16xi1>, vector<16xi32>
      %swap3A_156 = arith.constant 0 : i32
      %swap3A_157 = arith.index_cast %swap3A_156 : i32 to index
      %swap3A_158 = arith.constant 16 : index
      %swap3A_159 = tpu.vector_load %arg6[%swap3A_157, %swap3A_158] {strides = array<i32>} : memref<2x128xi32, #tpu.memory_space<vmem>>, vector<1x16xi32>,
      %swap3A_160 = vector.shape_cast %swap3A_159 : vector<1x16xi32> to vector<16xi32>
      %swap3A_161 = vector.shape_cast %select_n3A_155 : vector<16xi32> to vector<1x16xi32>
      tpu.vector_store %arg6[%swap3A_157, %swap3A_158], %swap3A_161 {strides = array<i32>} : memref<2x128xi32, #tpu.memory_space<vmem>>, vector<1x16xi32>,
      %get3A_162 = arith.constant 0 : i32
      %get3A_163 = arith.index_cast %get3A_162 : i32 to index
      %get3A_164 = arith.constant 32 : index
      %get3A_165 = tpu.vector_load %arg6[%get3A_163, %get3A_164] {strides = array<i32>} : memref<2x128xi32, #tpu.memory_space<vmem>>, vector<1x16xi32>,
      %get3A_166 = vector.shape_cast %get3A_165 : vector<1x16xi32> to vector<16xi32>
      %sub3A_167 = vector.broadcast %mul3A_63 : i32 to vector<16xi32>
      %sub3A_168 = arith.subi %get3A_166, %sub3A_167 : vector<16xi32>
      %ge3A_169 = arith.constant 0 : i32
      %ge3A_170 = vector.broadcast %ge3A_169 : i32 to vector<16xi32>
      %ge3A_171 = arith.cmpi sge, %sub3A_168, %ge3A_170 : vector<16xi32>
      %lt3A_172 = arith.constant 25000 : i32
      %lt3A_173 = vector.broadcast %lt3A_172 : i32 to vector<16xi32>
      %lt3A_174 = arith.cmpi slt, %sub3A_168, %lt3A_173 : vector<16xi32>
      %and3A_175 = arith.andi %ge3A_171, %lt3A_174 : vector<16xi1>
      %and3A_176 = arith.constant 7 : i32
      %and3A_177 = vector.broadcast %and3A_176 : i32 to vector<16xi32>
      %and3A_178 = arith.andi %get3A_166, %and3A_177 : vector<16xi32>
      %add3A_179 = arith.constant 25088 : i32
      %add3A_180 = vector.broadcast %add3A_179 : i32 to vector<16xi32>
      %add3A_181 = arith.addi %add3A_180, %and3A_178 : vector<16xi32>
      %select_n3A_182 = arith.select %and3A_175, %sub3A_168, %add3A_181 : vector<16xi1>, vector<16xi32>
      %swap3A_183 = arith.constant 0 : i32
      %swap3A_184 = arith.index_cast %swap3A_183 : i32 to index
      %swap3A_185 = arith.constant 32 : index
      %swap3A_186 = tpu.vector_load %arg6[%swap3A_184, %swap3A_185] {strides = array<i32>} : memref<2x128xi32, #tpu.memory_space<vmem>>, vector<1x16xi32>,
      %swap3A_187 = vector.shape_cast %swap3A_186 : vector<1x16xi32> to vector<16xi32>
      %swap3A_188 = vector.shape_cast %select_n3A_182 : vector<16xi32> to vector<1x16xi32>
      tpu.vector_store %arg6[%swap3A_184, %swap3A_185], %swap3A_188 {strides = array<i32>} : memref<2x128xi32, #tpu.memory_space<vmem>>, vector<1x16xi32>,
      %get3A_189 = arith.constant 0 : i32
      %get3A_190 = arith.index_cast %get3A_189 : i32 to index
      %get3A_191 = arith.constant 48 : index
      %get3A_192 = tpu.vector_load %arg6[%get3A_190, %get3A_191] {strides = array<i32>} : memref<2x128xi32, #tpu.memory_space<vmem>>, vector<1x16xi32>,
      %get3A_193 = vector.shape_cast %get3A_192 : vector<1x16xi32> to vector<16xi32>
      %sub3A_194 = vector.broadcast %mul3A_63 : i32 to vector<16xi32>
      %sub3A_195 = arith.subi %get3A_193, %sub3A_194 : vector<16xi32>
      %ge3A_196 = arith.constant 0 : i32
      %ge3A_197 = vector.broadcast %ge3A_196 : i32 to vector<16xi32>
      %ge3A_198 = arith.cmpi sge, %sub3A_195, %ge3A_197 : vector<16xi32>
      %lt3A_199 = arith.constant 25000 : i32
      %lt3A_200 = vector.broadcast %lt3A_199 : i32 to vector<16xi32>
      %lt3A_201 = arith.cmpi slt, %sub3A_195, %lt3A_200 : vector<16xi32>
      %and3A_202 = arith.andi %ge3A_198, %lt3A_201 : vector<16xi1>
      %and3A_203 = arith.constant 7 : i32
      %and3A_204 = vector.broadcast %and3A_203 : i32 to vector<16xi32>
      %and3A_205 = arith.andi %get3A_193, %and3A_204 : vector<16xi32>
      %add3A_206 = arith.constant 25088 : i32
      %add3A_207 = vector.broadcast %add3A_206 : i32 to vector<16xi32>
      %add3A_208 = arith.addi %add3A_207, %and3A_205 : vector<16xi32>
      %select_n3A_209 = arith.select %and3A_202, %sub3A_195, %add3A_208 : vector<16xi1>, vector<16xi32>
      %swap3A_210 = arith.constant 0 : i32
      %swap3A_211 = arith.index_cast %swap3A_210 : i32 to index
      %swap3A_212 = arith.constant 48 : index
      %swap3A_213 = tpu.vector_load %arg6[%swap3A_211, %swap3A_212] {strides = array<i32>} : memref<2x128xi32, #tpu.memory_space<vmem>>, vector<1x16xi32>,
      %swap3A_214 = vector.shape_cast %swap3A_213 : vector<1x16xi32> to vector<16xi32>
      %swap3A_215 = vector.shape_cast %select_n3A_209 : vector<16xi32> to vector<1x16xi32>
      tpu.vector_store %arg6[%swap3A_211, %swap3A_212], %swap3A_215 {strides = array<i32>} : memref<2x128xi32, #tpu.memory_space<vmem>>, vector<1x16xi32>,
      %get3A_216 = arith.constant 0 : i32
      %get3A_217 = arith.index_cast %get3A_216 : i32 to index
      %get3A_218 = arith.constant 64 : index
      %get3A_219 = tpu.vector_load %arg6[%get3A_217, %get3A_218] {strides = array<i32>} : memref<2x128xi32, #tpu.memory_space<vmem>>, vector<1x16xi32>,
      %get3A_220 = vector.shape_cast %get3A_219 : vector<1x16xi32> to vector<16xi32>
      %sub3A_221 = vector.broadcast %mul3A_63 : i32 to vector<16xi32>
      %sub3A_222 = arith.subi %get3A_220, %sub3A_221 : vector<16xi32>
      %ge3A_223 = arith.constant 0 : i32
      %ge3A_224 = vector.broadcast %ge3A_223 : i32 to vector<16xi32>
      %ge3A_225 = arith.cmpi sge, %sub3A_222, %ge3A_224 : vector<16xi32>
      %lt3A_226 = arith.constant 25000 : i32
      %lt3A_227 = vector.broadcast %lt3A_226 : i32 to vector<16xi32>
      %lt3A_228 = arith.cmpi slt, %sub3A_222, %lt3A_227 : vector<16xi32>
      %and3A_229 = arith.andi %ge3A_225, %lt3A_228 : vector<16xi1>
      %and3A_230 = arith.constant 7 : i32
      %and3A_231 = vector.broadcast %and3A_230 : i32 to vector<16xi32>
      %and3A_232 = arith.andi %get3A_220, %and3A_231 : vector<16xi32>
      %add3A_233 = arith.constant 25088 : i32
      %add3A_234 = vector.broadcast %add3A_233 : i32 to vector<16xi32>
      %add3A_235 = arith.addi %add3A_234, %and3A_232 : vector<16xi32>
      %select_n3A_236 = arith.select %and3A_229, %sub3A_222, %add3A_235 : vector<16xi1>, vector<16xi32>
      %swap3A_237 = arith.constant 0 : i32
      %swap3A_238 = arith.index_cast %swap3A_237 : i32 to index
      %swap3A_239 = arith.constant 64 : index
      %swap3A_240 = tpu.vector_load %arg6[%swap3A_238, %swap3A_239] {strides = array<i32>} : memref<2x128xi32, #tpu.memory_space<vmem>>, vector<1x16xi32>,
      %swap3A_241 = vector.shape_cast %swap3A_240 : vector<1x16xi32> to vector<16xi32>
      %swap3A_242 = vector.shape_cast %select_n3A_236 : vector<16xi32> to vector<1x16xi32>
      tpu.vector_store %arg6[%swap3A_238, %swap3A_239], %swap3A_242 {strides = array<i32>} : memref<2x128xi32, #tpu.memory_space<vmem>>, vector<1x16xi32>,
      %get3A_243 = arith.constant 0 : i32
      %get3A_244 = arith.index_cast %get3A_243 : i32 to index
      %get3A_245 = arith.constant 80 : index
      %get3A_246 = tpu.vector_load %arg6[%get3A_244, %get3A_245] {strides = array<i32>} : memref<2x128xi32, #tpu.memory_space<vmem>>, vector<1x16xi32>,
      %get3A_247 = vector.shape_cast %get3A_246 : vector<1x16xi32> to vector<16xi32>
      %sub3A_248 = vector.broadcast %mul3A_63 : i32 to vector<16xi32>
      %sub3A_249 = arith.subi %get3A_247, %sub3A_248 : vector<16xi32>
      %ge3A_250 = arith.constant 0 : i32
      %ge3A_251 = vector.broadcast %ge3A_250 : i32 to vector<16xi32>
      %ge3A_252 = arith.cmpi sge, %sub3A_249, %ge3A_251 : vector<16xi32>
      %lt3A_253 = arith.constant 25000 : i32
      %lt3A_254 = vector.broadcast %lt3A_253 : i32 to vector<16xi32>
      %lt3A_255 = arith.cmpi slt, %sub3A_249, %lt3A_254 : vector<16xi32>
      %and3A_256 = arith.andi %ge3A_252, %lt3A_255 : vector<16xi1>
      %and3A_257 = arith.constant 7 : i32
      %and3A_258 = vector.broadcast %and3A_257 : i32 to vector<16xi32>
      %and3A_259 = arith.andi %get3A_247, %and3A_258 : vector<16xi32>
      %add3A_260 = arith.constant 25088 : i32
      %add3A_261 = vector.broadcast %add3A_260 : i32 to vector<16xi32>
      %add3A_262 = arith.addi %add3A_261, %and3A_259 : vector<16xi32>
      %select_n3A_263 = arith.select %and3A_256, %sub3A_249, %add3A_262 : vector<16xi1>, vector<16xi32>
      %swap3A_264 = arith.constant 0 : i32
      %swap3A_265 = arith.index_cast %swap3A_264 : i32 to index
      %swap3A_266 = arith.constant 80 : index
      %swap3A_267 = tpu.vector_load %arg6[%swap3A_265, %swap3A_266] {strides = array<i32>} : memref<2x128xi32, #tpu.memory_space<vmem>>, vector<1x16xi32>,
      %swap3A_268 = vector.shape_cast %swap3A_267 : vector<1x16xi32> to vector<16xi32>
      %swap3A_269 = vector.shape_cast %select_n3A_263 : vector<16xi32> to vector<1x16xi32>
      tpu.vector_store %arg6[%swap3A_265, %swap3A_266], %swap3A_269 {strides = array<i32>} : memref<2x128xi32, #tpu.memory_space<vmem>>, vector<1x16xi32>,
      %get3A_270 = arith.constant 0 : i32
      %get3A_271 = arith.index_cast %get3A_270 : i32 to index
      %get3A_272 = arith.constant 96 : index
      %get3A_273 = tpu.vector_load %arg6[%get3A_271, %get3A_272] {strides = array<i32>} : memref<2x128xi32, #tpu.memory_space<vmem>>, vector<1x16xi32>,
      %get3A_274 = vector.shape_cast %get3A_273 : vector<1x16xi32> to vector<16xi32>
      %sub3A_275 = vector.broadcast %mul3A_63 : i32 to vector<16xi32>
      %sub3A_276 = arith.subi %get3A_274, %sub3A_275 : vector<16xi32>
      %ge3A_277 = arith.constant 0 : i32
      %ge3A_278 = vector.broadcast %ge3A_277 : i32 to vector<16xi32>
      %ge3A_279 = arith.cmpi sge, %sub3A_276, %ge3A_278 : vector<16xi32>
      %lt3A_280 = arith.constant 25000 : i32
      %lt3A_281 = vector.broadcast %lt3A_280 : i32 to vector<16xi32>
      %lt3A_282 = arith.cmpi slt, %sub3A_276, %lt3A_281 : vector<16xi32>
      %and3A_283 = arith.andi %ge3A_279, %lt3A_282 : vector<16xi1>
      %and3A_284 = arith.constant 7 : i32
      %and3A_285 = vector.broadcast %and3A_284 : i32 to vector<16xi32>
      %and3A_286 = arith.andi %get3A_274, %and3A_285 : vector<16xi32>
      %add3A_287 = arith.constant 25088 : i32
      %add3A_288 = vector.broadcast %add3A_287 : i32 to vector<16xi32>
      %add3A_289 = arith.addi %add3A_288, %and3A_286 : vector<16xi32>
      %select_n3A_290 = arith.select %and3A_283, %sub3A_276, %add3A_289 : vector<16xi1>, vector<16xi32>
      %swap3A_291 = arith.constant 0 : i32
      %swap3A_292 = arith.index_cast %swap3A_291 : i32 to index
      %swap3A_293 = arith.constant 96 : index
      %swap3A_294 = tpu.vector_load %arg6[%swap3A_292, %swap3A_293] {strides = array<i32>} : memref<2x128xi32, #tpu.memory_space<vmem>>, vector<1x16xi32>,
      %swap3A_295 = vector.shape_cast %swap3A_294 : vector<1x16xi32> to vector<16xi32>
      %swap3A_296 = vector.shape_cast %select_n3A_290 : vector<16xi32> to vector<1x16xi32>
      tpu.vector_store %arg6[%swap3A_292, %swap3A_293], %swap3A_296 {strides = array<i32>} : memref<2x128xi32, #tpu.memory_space<vmem>>, vector<1x16xi32>,
      %get3A_297 = arith.constant 0 : i32
      %get3A_298 = arith.index_cast %get3A_297 : i32 to index
      %get3A_299 = arith.constant 112 : index
      %get3A_300 = tpu.vector_load %arg6[%get3A_298, %get3A_299] {strides = array<i32>} : memref<2x128xi32, #tpu.memory_space<vmem>>, vector<1x16xi32>,
      %get3A_301 = vector.shape_cast %get3A_300 : vector<1x16xi32> to vector<16xi32>
      %sub3A_302 = vector.broadcast %mul3A_63 : i32 to vector<16xi32>
      %sub3A_303 = arith.subi %get3A_301, %sub3A_302 : vector<16xi32>
      %ge3A_304 = arith.constant 0 : i32
      %ge3A_305 = vector.broadcast %ge3A_304 : i32 to vector<16xi32>
      %ge3A_306 = arith.cmpi sge, %sub3A_303, %ge3A_305 : vector<16xi32>
      %lt3A_307 = arith.constant 25000 : i32
      %lt3A_308 = vector.broadcast %lt3A_307 : i32 to vector<16xi32>
      %lt3A_309 = arith.cmpi slt, %sub3A_303, %lt3A_308 : vector<16xi32>
      %and3A_310 = arith.andi %ge3A_306, %lt3A_309 : vector<16xi1>
      %and3A_311 = arith.constant 7 : i32
      %and3A_312 = vector.broadcast %and3A_311 : i32 to vector<16xi32>
      %and3A_313 = arith.andi %get3A_301, %and3A_312 : vector<16xi32>
      %add3A_314 = arith.constant 25088 : i32
      %add3A_315 = vector.broadcast %add3A_314 : i32 to vector<16xi32>
      %add3A_316 = arith.addi %add3A_315, %and3A_313 : vector<16xi32>
      %select_n3A_317 = arith.select %and3A_310, %sub3A_303, %add3A_316 : vector<16xi1>, vector<16xi32>
      %swap3A_318 = arith.constant 0 : i32
      %swap3A_319 = arith.index_cast %swap3A_318 : i32 to index
      %swap3A_320 = arith.constant 112 : index
      %swap3A_321 = tpu.vector_load %arg6[%swap3A_319, %swap3A_320] {strides = array<i32>} : memref<2x128xi32, #tpu.memory_space<vmem>>, vector<1x16xi32>,
      %swap3A_322 = vector.shape_cast %swap3A_321 : vector<1x16xi32> to vector<16xi32>
      %swap3A_323 = vector.shape_cast %select_n3A_317 : vector<16xi32> to vector<1x16xi32>
      tpu.vector_store %arg6[%swap3A_319, %swap3A_320], %swap3A_323 {strides = array<i32>} : memref<2x128xi32, #tpu.memory_space<vmem>>, vector<1x16xi32>,
      %get3A_324 = arith.constant 1 : i32
      %get3A_325 = arith.index_cast %get3A_324 : i32 to index
      %get3A_326 = arith.constant 0 : index
      %get3A_327 = tpu.vector_load %arg6[%get3A_325, %get3A_326] {strides = array<i32>} : memref<2x128xi32, #tpu.memory_space<vmem>>, vector<1x16xi32>,
      %get3A_328 = vector.shape_cast %get3A_327 : vector<1x16xi32> to vector<16xi32>
      %sub3A_329 = vector.broadcast %mul3A_63 : i32 to vector<16xi32>
      %sub3A_330 = arith.subi %get3A_328, %sub3A_329 : vector<16xi32>
      %ge3A_331 = arith.constant 0 : i32
      %ge3A_332 = vector.broadcast %ge3A_331 : i32 to vector<16xi32>
      %ge3A_333 = arith.cmpi sge, %sub3A_330, %ge3A_332 : vector<16xi32>
      %lt3A_334 = arith.constant 25000 : i32
      %lt3A_335 = vector.broadcast %lt3A_334 : i32 to vector<16xi32>
      %lt3A_336 = arith.cmpi slt, %sub3A_330, %lt3A_335 : vector<16xi32>
      %and3A_337 = arith.andi %ge3A_333, %lt3A_336 : vector<16xi1>
      %and3A_338 = arith.constant 7 : i32
      %and3A_339 = vector.broadcast %and3A_338 : i32 to vector<16xi32>
      %and3A_340 = arith.andi %get3A_328, %and3A_339 : vector<16xi32>
      %add3A_341 = arith.constant 25088 : i32
      %add3A_342 = vector.broadcast %add3A_341 : i32 to vector<16xi32>
      %add3A_343 = arith.addi %add3A_342, %and3A_340 : vector<16xi32>
      %select_n3A_344 = arith.select %and3A_337, %sub3A_330, %add3A_343 : vector<16xi1>, vector<16xi32>
      %swap3A_345 = arith.constant 1 : i32
      %swap3A_346 = arith.index_cast %swap3A_345 : i32 to index
      %swap3A_347 = arith.constant 0 : index
      %swap3A_348 = tpu.vector_load %arg6[%swap3A_346, %swap3A_347] {strides = array<i32>} : memref<2x128xi32, #tpu.memory_space<vmem>>, vector<1x16xi32>,
      %swap3A_349 = vector.shape_cast %swap3A_348 : vector<1x16xi32> to vector<16xi32>
      %swap3A_350 = vector.shape_cast %select_n3A_344 : vector<16xi32> to vector<1x16xi32>
      tpu.vector_store %arg6[%swap3A_346, %swap3A_347], %swap3A_350 {strides = array<i32>} : memref<2x128xi32, #tpu.memory_space<vmem>>, vector<1x16xi32>,
      %get3A_351 = arith.constant 1 : i32
      %get3A_352 = arith.index_cast %get3A_351 : i32 to index
      %get3A_353 = arith.constant 16 : index
      %get3A_354 = tpu.vector_load %arg6[%get3A_352, %get3A_353] {strides = array<i32>} : memref<2x128xi32, #tpu.memory_space<vmem>>, vector<1x16xi32>,
      %get3A_355 = vector.shape_cast %get3A_354 : vector<1x16xi32> to vector<16xi32>
      %sub3A_356 = vector.broadcast %mul3A_63 : i32 to vector<16xi32>
      %sub3A_357 = arith.subi %get3A_355, %sub3A_356 : vector<16xi32>
      %ge3A_358 = arith.constant 0 : i32
      %ge3A_359 = vector.broadcast %ge3A_358 : i32 to vector<16xi32>
      %ge3A_360 = arith.cmpi sge, %sub3A_357, %ge3A_359 : vector<16xi32>
      %lt3A_361 = arith.constant 25000 : i32
      %lt3A_362 = vector.broadcast %lt3A_361 : i32 to vector<16xi32>
      %lt3A_363 = arith.cmpi slt, %sub3A_357, %lt3A_362 : vector<16xi32>
      %and3A_364 = arith.andi %ge3A_360, %lt3A_363 : vector<16xi1>
      %and3A_365 = arith.constant 7 : i32
      %and3A_366 = vector.broadcast %and3A_365 : i32 to vector<16xi32>
      %and3A_367 = arith.andi %get3A_355, %and3A_366 : vector<16xi32>
      %add3A_368 = arith.constant 25088 : i32
      %add3A_369 = vector.broadcast %add3A_368 : i32 to vector<16xi32>
      %add3A_370 = arith.addi %add3A_369, %and3A_367 : vector<16xi32>
      %select_n3A_371 = arith.select %and3A_364, %sub3A_357, %add3A_370 : vector<16xi1>, vector<16xi32>
      %swap3A_372 = arith.constant 1 : i32
      %swap3A_373 = arith.index_cast %swap3A_372 : i32 to index
      %swap3A_374 = arith.constant 16 : index
      %swap3A_375 = tpu.vector_load %arg6[%swap3A_373, %swap3A_374] {strides = array<i32>} : memref<2x128xi32, #tpu.memory_space<vmem>>, vector<1x16xi32>,
      %swap3A_376 = vector.shape_cast %swap3A_375 : vector<1x16xi32> to vector<16xi32>
      %swap3A_377 = vector.shape_cast %select_n3A_371 : vector<16xi32> to vector<1x16xi32>
      tpu.vector_store %arg6[%swap3A_373, %swap3A_374], %swap3A_377 {strides = array<i32>} : memref<2x128xi32, #tpu.memory_space<vmem>>, vector<1x16xi32>,
      %get3A_378 = arith.constant 1 : i32
      %get3A_379 = arith.index_cast %get3A_378 : i32 to index
      %get3A_380 = arith.constant 32 : index
      %get3A_381 = tpu.vector_load %arg6[%get3A_379, %get3A_380] {strides = array<i32>} : memref<2x128xi32, #tpu.memory_space<vmem>>, vector<1x16xi32>,
      %get3A_382 = vector.shape_cast %get3A_381 : vector<1x16xi32> to vector<16xi32>
      %sub3A_383 = vector.broadcast %mul3A_63 : i32 to vector<16xi32>
      %sub3A_384 = arith.subi %get3A_382, %sub3A_383 : vector<16xi32>
      %ge3A_385 = arith.constant 0 : i32
      %ge3A_386 = vector.broadcast %ge3A_385 : i32 to vector<16xi32>
      %ge3A_387 = arith.cmpi sge, %sub3A_384, %ge3A_386 : vector<16xi32>
      %lt3A_388 = arith.constant 25000 : i32
      %lt3A_389 = vector.broadcast %lt3A_388 : i32 to vector<16xi32>
      %lt3A_390 = arith.cmpi slt, %sub3A_384, %lt3A_389 : vector<16xi32>
      %and3A_391 = arith.andi %ge3A_387, %lt3A_390 : vector<16xi1>
      %and3A_392 = arith.constant 7 : i32
      %and3A_393 = vector.broadcast %and3A_392 : i32 to vector<16xi32>
      %and3A_394 = arith.andi %get3A_382, %and3A_393 : vector<16xi32>
      %add3A_395 = arith.constant 25088 : i32
      %add3A_396 = vector.broadcast %add3A_395 : i32 to vector<16xi32>
      %add3A_397 = arith.addi %add3A_396, %and3A_394 : vector<16xi32>
      %select_n3A_398 = arith.select %and3A_391, %sub3A_384, %add3A_397 : vector<16xi1>, vector<16xi32>
      %swap3A_399 = arith.constant 1 : i32
      %swap3A_400 = arith.index_cast %swap3A_399 : i32 to index
      %swap3A_401 = arith.constant 32 : index
      %swap3A_402 = tpu.vector_load %arg6[%swap3A_400, %swap3A_401] {strides = array<i32>} : memref<2x128xi32, #tpu.memory_space<vmem>>, vector<1x16xi32>,
      %swap3A_403 = vector.shape_cast %swap3A_402 : vector<1x16xi32> to vector<16xi32>
      %swap3A_404 = vector.shape_cast %select_n3A_398 : vector<16xi32> to vector<1x16xi32>
      tpu.vector_store %arg6[%swap3A_400, %swap3A_401], %swap3A_404 {strides = array<i32>} : memref<2x128xi32, #tpu.memory_space<vmem>>, vector<1x16xi32>,
      %get3A_405 = arith.constant 1 : i32
      %get3A_406 = arith.index_cast %get3A_405 : i32 to index
      %get3A_407 = arith.constant 48 : index
      %get3A_408 = tpu.vector_load %arg6[%get3A_406, %get3A_407] {strides = array<i32>} : memref<2x128xi32, #tpu.memory_space<vmem>>, vector<1x16xi32>,
      %get3A_409 = vector.shape_cast %get3A_408 : vector<1x16xi32> to vector<16xi32>
      %sub3A_410 = vector.broadcast %mul3A_63 : i32 to vector<16xi32>
      %sub3A_411 = arith.subi %get3A_409, %sub3A_410 : vector<16xi32>
      %ge3A_412 = arith.constant 0 : i32
      %ge3A_413 = vector.broadcast %ge3A_412 : i32 to vector<16xi32>
      %ge3A_414 = arith.cmpi sge, %sub3A_411, %ge3A_413 : vector<16xi32>
      %lt3A_415 = arith.constant 25000 : i32
      %lt3A_416 = vector.broadcast %lt3A_415 : i32 to vector<16xi32>
      %lt3A_417 = arith.cmpi slt, %sub3A_411, %lt3A_416 : vector<16xi32>
      %and3A_418 = arith.andi %ge3A_414, %lt3A_417 : vector<16xi1>
      %and3A_419 = arith.constant 7 : i32
      %and3A_420 = vector.broadcast %and3A_419 : i32 to vector<16xi32>
      %and3A_421 = arith.andi %get3A_409, %and3A_420 : vector<16xi32>
      %add3A_422 = arith.constant 25088 : i32
      %add3A_423 = vector.broadcast %add3A_422 : i32 to vector<16xi32>
      %add3A_424 = arith.addi %add3A_423, %and3A_421 : vector<16xi32>
      %select_n3A_425 = arith.select %and3A_418, %sub3A_411, %add3A_424 : vector<16xi1>, vector<16xi32>
      %swap3A_426 = arith.constant 1 : i32
      %swap3A_427 = arith.index_cast %swap3A_426 : i32 to index
      %swap3A_428 = arith.constant 48 : index
      %swap3A_429 = tpu.vector_load %arg6[%swap3A_427, %swap3A_428] {strides = array<i32>} : memref<2x128xi32, #tpu.memory_space<vmem>>, vector<1x16xi32>,
      %swap3A_430 = vector.shape_cast %swap3A_429 : vector<1x16xi32> to vector<16xi32>
      %swap3A_431 = vector.shape_cast %select_n3A_425 : vector<16xi32> to vector<1x16xi32>
      tpu.vector_store %arg6[%swap3A_427, %swap3A_428], %swap3A_431 {strides = array<i32>} : memref<2x128xi32, #tpu.memory_space<vmem>>, vector<1x16xi32>,
      %get3A_432 = arith.constant 1 : i32
      %get3A_433 = arith.index_cast %get3A_432 : i32 to index
      %get3A_434 = arith.constant 64 : index
      %get3A_435 = tpu.vector_load %arg6[%get3A_433, %get3A_434] {strides = array<i32>} : memref<2x128xi32, #tpu.memory_space<vmem>>, vector<1x16xi32>,
      %get3A_436 = vector.shape_cast %get3A_435 : vector<1x16xi32> to vector<16xi32>
      %sub3A_437 = vector.broadcast %mul3A_63 : i32 to vector<16xi32>
      %sub3A_438 = arith.subi %get3A_436, %sub3A_437 : vector<16xi32>
      %ge3A_439 = arith.constant 0 : i32
      %ge3A_440 = vector.broadcast %ge3A_439 : i32 to vector<16xi32>
      %ge3A_441 = arith.cmpi sge, %sub3A_438, %ge3A_440 : vector<16xi32>
      %lt3A_442 = arith.constant 25000 : i32
      %lt3A_443 = vector.broadcast %lt3A_442 : i32 to vector<16xi32>
      %lt3A_444 = arith.cmpi slt, %sub3A_438, %lt3A_443 : vector<16xi32>
      %and3A_445 = arith.andi %ge3A_441, %lt3A_444 : vector<16xi1>
      %and3A_446 = arith.constant 7 : i32
      %and3A_447 = vector.broadcast %and3A_446 : i32 to vector<16xi32>
      %and3A_448 = arith.andi %get3A_436, %and3A_447 : vector<16xi32>
      %add3A_449 = arith.constant 25088 : i32
      %add3A_450 = vector.broadcast %add3A_449 : i32 to vector<16xi32>
      %add3A_451 = arith.addi %add3A_450, %and3A_448 : vector<16xi32>
      %select_n3A_452 = arith.select %and3A_445, %sub3A_438, %add3A_451 : vector<16xi1>, vector<16xi32>
      %swap3A_453 = arith.constant 1 : i32
      %swap3A_454 = arith.index_cast %swap3A_453 : i32 to index
      %swap3A_455 = arith.constant 64 : index
      %swap3A_456 = tpu.vector_load %arg6[%swap3A_454, %swap3A_455] {strides = array<i32>} : memref<2x128xi32, #tpu.memory_space<vmem>>, vector<1x16xi32>,
      %swap3A_457 = vector.shape_cast %swap3A_456 : vector<1x16xi32> to vector<16xi32>
      %swap3A_458 = vector.shape_cast %select_n3A_452 : vector<16xi32> to vector<1x16xi32>
      tpu.vector_store %arg6[%swap3A_454, %swap3A_455], %swap3A_458 {strides = array<i32>} : memref<2x128xi32, #tpu.memory_space<vmem>>, vector<1x16xi32>,
      %get3A_459 = arith.constant 1 : i32
      %get3A_460 = arith.index_cast %get3A_459 : i32 to index
      %get3A_461 = arith.constant 80 : index
      %get3A_462 = tpu.vector_load %arg6[%get3A_460, %get3A_461] {strides = array<i32>} : memref<2x128xi32, #tpu.memory_space<vmem>>, vector<1x16xi32>,
      %get3A_463 = vector.shape_cast %get3A_462 : vector<1x16xi32> to vector<16xi32>
      %sub3A_464 = vector.broadcast %mul3A_63 : i32 to vector<16xi32>
      %sub3A_465 = arith.subi %get3A_463, %sub3A_464 : vector<16xi32>
      %ge3A_466 = arith.constant 0 : i32
      %ge3A_467 = vector.broadcast %ge3A_466 : i32 to vector<16xi32>
      %ge3A_468 = arith.cmpi sge, %sub3A_465, %ge3A_467 : vector<16xi32>
      %lt3A_469 = arith.constant 25000 : i32
      %lt3A_470 = vector.broadcast %lt3A_469 : i32 to vector<16xi32>
      %lt3A_471 = arith.cmpi slt, %sub3A_465, %lt3A_470 : vector<16xi32>
      %and3A_472 = arith.andi %ge3A_468, %lt3A_471 : vector<16xi1>
      %and3A_473 = arith.constant 7 : i32
      %and3A_474 = vector.broadcast %and3A_473 : i32 to vector<16xi32>
      %and3A_475 = arith.andi %get3A_463, %and3A_474 : vector<16xi32>
      %add3A_476 = arith.constant 25088 : i32
      %add3A_477 = vector.broadcast %add3A_476 : i32 to vector<16xi32>
      %add3A_478 = arith.addi %add3A_477, %and3A_475 : vector<16xi32>
      %select_n3A_479 = arith.select %and3A_472, %sub3A_465, %add3A_478 : vector<16xi1>, vector<16xi32>
      %swap3A_480 = arith.constant 1 : i32
      %swap3A_481 = arith.index_cast %swap3A_480 : i32 to index
      %swap3A_482 = arith.constant 80 : index
      %swap3A_483 = tpu.vector_load %arg6[%swap3A_481, %swap3A_482] {strides = array<i32>} : memref<2x128xi32, #tpu.memory_space<vmem>>, vector<1x16xi32>,
      %swap3A_484 = vector.shape_cast %swap3A_483 : vector<1x16xi32> to vector<16xi32>
      %swap3A_485 = vector.shape_cast %select_n3A_479 : vector<16xi32> to vector<1x16xi32>
      tpu.vector_store %arg6[%swap3A_481, %swap3A_482], %swap3A_485 {strides = array<i32>} : memref<2x128xi32, #tpu.memory_space<vmem>>, vector<1x16xi32>,
      %get3A_486 = arith.constant 1 : i32
      %get3A_487 = arith.index_cast %get3A_486 : i32 to index
      %get3A_488 = arith.constant 96 : index
      %get3A_489 = tpu.vector_load %arg6[%get3A_487, %get3A_488] {strides = array<i32>} : memref<2x128xi32, #tpu.memory_space<vmem>>, vector<1x16xi32>,
      %get3A_490 = vector.shape_cast %get3A_489 : vector<1x16xi32> to vector<16xi32>
      %sub3A_491 = vector.broadcast %mul3A_63 : i32 to vector<16xi32>
      %sub3A_492 = arith.subi %get3A_490, %sub3A_491 : vector<16xi32>
      %ge3A_493 = arith.constant 0 : i32
      %ge3A_494 = vector.broadcast %ge3A_493 : i32 to vector<16xi32>
      %ge3A_495 = arith.cmpi sge, %sub3A_492, %ge3A_494 : vector<16xi32>
      %lt3A_496 = arith.constant 25000 : i32
      %lt3A_497 = vector.broadcast %lt3A_496 : i32 to vector<16xi32>
      %lt3A_498 = arith.cmpi slt, %sub3A_492, %lt3A_497 : vector<16xi32>
      %and3A_499 = arith.andi %ge3A_495, %lt3A_498 : vector<16xi1>
      %and3A_500 = arith.constant 7 : i32
      %and3A_501 = vector.broadcast %and3A_500 : i32 to vector<16xi32>
      %and3A_502 = arith.andi %get3A_490, %and3A_501 : vector<16xi32>
      %add3A_503 = arith.constant 25088 : i32
      %add3A_504 = vector.broadcast %add3A_503 : i32 to vector<16xi32>
      %add3A_505 = arith.addi %add3A_504, %and3A_502 : vector<16xi32>
      %select_n3A_506 = arith.select %and3A_499, %sub3A_492, %add3A_505 : vector<16xi1>, vector<16xi32>
      %swap3A_507 = arith.constant 1 : i32
      %swap3A_508 = arith.index_cast %swap3A_507 : i32 to index
      %swap3A_509 = arith.constant 96 : index
      %swap3A_510 = tpu.vector_load %arg6[%swap3A_508, %swap3A_509] {strides = array<i32>} : memref<2x128xi32, #tpu.memory_space<vmem>>, vector<1x16xi32>,
      %swap3A_511 = vector.shape_cast %swap3A_510 : vector<1x16xi32> to vector<16xi32>
      %swap3A_512 = vector.shape_cast %select_n3A_506 : vector<16xi32> to vector<1x16xi32>
      tpu.vector_store %arg6[%swap3A_508, %swap3A_509], %swap3A_512 {strides = array<i32>} : memref<2x128xi32, #tpu.memory_space<vmem>>, vector<1x16xi32>,
      %get3A_513 = arith.constant 1 : i32
      %get3A_514 = arith.index_cast %get3A_513 : i32 to index
      %get3A_515 = arith.constant 112 : index
      %get3A_516 = tpu.vector_load %arg6[%get3A_514, %get3A_515] {strides = array<i32>} : memref<2x128xi32, #tpu.memory_space<vmem>>, vector<1x16xi32>,
      %get3A_517 = vector.shape_cast %get3A_516 : vector<1x16xi32> to vector<16xi32>
      %sub3A_518 = vector.broadcast %mul3A_63 : i32 to vector<16xi32>
      %sub3A_519 = arith.subi %get3A_517, %sub3A_518 : vector<16xi32>
      %ge3A_520 = arith.constant 0 : i32
      %ge3A_521 = vector.broadcast %ge3A_520 : i32 to vector<16xi32>
      %ge3A_522 = arith.cmpi sge, %sub3A_519, %ge3A_521 : vector<16xi32>
      %lt3A_523 = arith.constant 25000 : i32
      %lt3A_524 = vector.broadcast %lt3A_523 : i32 to vector<16xi32>
      %lt3A_525 = arith.cmpi slt, %sub3A_519, %lt3A_524 : vector<16xi32>
      %and3A_526 = arith.andi %ge3A_522, %lt3A_525 : vector<16xi1>
      %and3A_527 = arith.constant 7 : i32
      %and3A_528 = vector.broadcast %and3A_527 : i32 to vector<16xi32>
      %and3A_529 = arith.andi %get3A_517, %and3A_528 : vector<16xi32>
      %add3A_530 = arith.constant 25088 : i32
      %add3A_531 = vector.broadcast %add3A_530 : i32 to vector<16xi32>
      %add3A_532 = arith.addi %add3A_531, %and3A_529 : vector<16xi32>
      %select_n3A_533 = arith.select %and3A_526, %sub3A_519, %add3A_532 : vector<16xi1>, vector<16xi32>
      %swap3A_534 = arith.constant 1 : i32
      %swap3A_535 = arith.index_cast %swap3A_534 : i32 to index
      %swap3A_536 = arith.constant 112 : index
      %swap3A_537 = tpu.vector_load %arg6[%swap3A_535, %swap3A_536] {strides = array<i32>} : memref<2x128xi32, #tpu.memory_space<vmem>>, vector<1x16xi32>,
      %swap3A_538 = vector.shape_cast %swap3A_537 : vector<1x16xi32> to vector<16xi32>
      %swap3A_539 = vector.shape_cast %select_n3A_533 : vector<16xi32> to vector<1x16xi32>
      tpu.vector_store %arg6[%swap3A_535, %swap3A_536], %swap3A_539 {strides = array<i32>} : memref<2x128xi32, #tpu.memory_space<vmem>>, vector<1x16xi32>,
      %run_scoped3A = arith.constant 0 : i32
      "tpu.region"() ({
        %run_scoped3A_541 = tpu.sem_alloc : memref<!tpu.dma_semaphore, #tpu.memory_space<semaphore_mem>>
        %dma_start3A_542 = arith.constant 0 : i32
        %dma_start3A_543 = arith.constant 0 : i32
        %dma_start3A_544 = tpu.memref_slice %arg7[%dma_start3A_542, %dma_start3A_543] : memref<256x64xf32, #tpu.memory_space<vmem>> -> memref<128x64xf32, #tpu.memory_space<vmem>>
        %dma_start3A_545 = arith.constant 0 : i32
        %dma_start3A_546 = tpu.memref_slice %arg6[%run_scoped3A, %dma_start3A_545] : memref<2x128xi32, #tpu.memory_space<vmem>> -> memref<1x128xi32, #tpu.memory_space<vmem>>
        %dma_start3A_547 = tpu.memref_squeeze %dma_start3A_546 : memref<1x128xi32, #tpu.memory_space<vmem>> -> memref<128xi32, #tpu.memory_space<vmem>>
        %dma_start3A_548 = arith.constant 0 : i32
        %dma_start3A_549 = arith.constant 0 : i32
        %dma_start3A_550 = tpu.memref_slice %arg8[%dma_start3A_548, %dma_start3A_549] : memref<25096x64xf32, #tpu.memory_space<vmem_shared>> -> memref<25096x64xf32, #tpu.memory_space<vmem_shared>>
        tpu.enqueue_indirect_dma source(%dma_start3A_544 : memref<128x64xf32, #tpu.memory_space<vmem>>) target(%dma_start3A_550 : memref<25096x64xf32, #tpu.memory_space<vmem_shared>>) offsets(%dma_start3A_547 : memref<128xi32, #tpu.memory_space<vmem>>) semaphore(%run_scoped3A_541 : memref<!tpu.dma_semaphore, #tpu.memory_space<semaphore_mem>>) {add = true}
        %dma_wait3A_551 = arith.constant 0 : i32
        %dma_wait3A_552 = arith.constant 0 : i32
        %dma_wait3A_553 = tpu.memref_slice %arg7[%dma_wait3A_551, %dma_wait3A_552] : memref<256x64xf32, #tpu.memory_space<vmem>> -> memref<128x64xf32, #tpu.memory_space<vmem>>
        %dma_wait3A_554 = arith.constant 0 : i32
        %dma_wait3A_555 = tpu.memref_slice %arg6[%run_scoped3A, %dma_wait3A_554] : memref<2x128xi32, #tpu.memory_space<vmem>> -> memref<1x128xi32, #tpu.memory_space<vmem>>
        %dma_wait3A_556 = tpu.memref_squeeze %dma_wait3A_555 : memref<1x128xi32, #tpu.memory_space<vmem>> -> memref<128xi32, #tpu.memory_space<vmem>>
        %dma_wait3A_557 = arith.constant 0 : i32
        %dma_wait3A_558 = arith.constant 0 : i32
        %dma_wait3A_559 = tpu.memref_slice %arg8[%dma_wait3A_557, %dma_wait3A_558] : memref<25096x64xf32, #tpu.memory_space<vmem_shared>> -> memref<25096x64xf32, #tpu.memory_space<vmem_shared>>
        tpu.wait_indirect_dma semaphore(%run_scoped3A_541 : memref<!tpu.dma_semaphore, #tpu.memory_space<semaphore_mem>>) src(%dma_wait3A_553 : memref<128x64xf32, #tpu.memory_space<vmem>>) dst(%dma_wait3A_559 : memref<25096x64xf32, #tpu.memory_space<vmem_shared>>)
        tpu.yield
      }) : () -> ()
      %run_scoped3A_540 = arith.constant 1 : i32
      "tpu.region"() ({
        %run_scoped3A_541 = tpu.sem_alloc : memref<!tpu.dma_semaphore, #tpu.memory_space<semaphore_mem>>
        %dma_start3A_542 = arith.constant 128 : i32
        %dma_start3A_543 = arith.constant 0 : i32
        %dma_start3A_544 = tpu.memref_slice %arg7[%dma_start3A_542, %dma_start3A_543] : memref<256x64xf32, #tpu.memory_space<vmem>> -> memref<128x64xf32, #tpu.memory_space<vmem>>
        %dma_start3A_545 = arith.constant 0 : i32
        %dma_start3A_546 = tpu.memref_slice %arg6[%run_scoped3A_540, %dma_start3A_545] : memref<2x128xi32, #tpu.memory_space<vmem>> -> memref<1x128xi32, #tpu.memory_space<vmem>>
        %dma_start3A_547 = tpu.memref_squeeze %dma_start3A_546 : memref<1x128xi32, #tpu.memory_space<vmem>> -> memref<128xi32, #tpu.memory_space<vmem>>
        %dma_start3A_548 = arith.constant 0 : i32
        %dma_start3A_549 = arith.constant 0 : i32
        %dma_start3A_550 = tpu.memref_slice %arg8[%dma_start3A_548, %dma_start3A_549] : memref<25096x64xf32, #tpu.memory_space<vmem_shared>> -> memref<25096x64xf32, #tpu.memory_space<vmem_shared>>
        tpu.enqueue_indirect_dma source(%dma_start3A_544 : memref<128x64xf32, #tpu.memory_space<vmem>>) target(%dma_start3A_550 : memref<25096x64xf32, #tpu.memory_space<vmem_shared>>) offsets(%dma_start3A_547 : memref<128xi32, #tpu.memory_space<vmem>>) semaphore(%run_scoped3A_541 : memref<!tpu.dma_semaphore, #tpu.memory_space<semaphore_mem>>) {add = true}
        %dma_wait3A_551 = arith.constant 128 : i32
        %dma_wait3A_552 = arith.constant 0 : i32
        %dma_wait3A_553 = tpu.memref_slice %arg7[%dma_wait3A_551, %dma_wait3A_552] : memref<256x64xf32, #tpu.memory_space<vmem>> -> memref<128x64xf32, #tpu.memory_space<vmem>>
        %dma_wait3A_554 = arith.constant 0 : i32
        %dma_wait3A_555 = tpu.memref_slice %arg6[%run_scoped3A_540, %dma_wait3A_554] : memref<2x128xi32, #tpu.memory_space<vmem>> -> memref<1x128xi32, #tpu.memory_space<vmem>>
        %dma_wait3A_556 = tpu.memref_squeeze %dma_wait3A_555 : memref<1x128xi32, #tpu.memory_space<vmem>> -> memref<128xi32, #tpu.memory_space<vmem>>
        %dma_wait3A_557 = arith.constant 0 : i32
        %dma_wait3A_558 = arith.constant 0 : i32
        %dma_wait3A_559 = tpu.memref_slice %arg8[%dma_wait3A_557, %dma_wait3A_558] : memref<25096x64xf32, #tpu.memory_space<vmem_shared>> -> memref<25096x64xf32, #tpu.memory_space<vmem_shared>>
        tpu.wait_indirect_dma semaphore(%run_scoped3A_541 : memref<!tpu.dma_semaphore, #tpu.memory_space<semaphore_mem>>) src(%dma_wait3A_553 : memref<128x64xf32, #tpu.memory_space<vmem>>) dst(%dma_wait3A_559 : memref<25096x64xf32, #tpu.memory_space<vmem_shared>>)
        tpu.yield
      }) : () -> ()
    }
    %scan3A_73 = arith.constant 98 : i32
    %barrier3A_74 = arith.constant 0 : index
    tpu.barrier barrier_id(%barrier3A_74)
    %mul3A_75 = arith.constant 25000 : i32
    %mul3A_76 = arith.muli %arg0, %mul3A_75 : i32
    %lt3A_77 = arith.constant 15 : i32
    %lt3A_78 = arith.cmpi slt, %arg1, %lt3A_77 : i32
    %convert_element_type3A_79 = arith.extui %lt3A_78 : i1 to i32
    %cond3A_80 = arith.constant 0 : i32
    %cond3A_81 = arith.cmpi ne, %convert_element_type3A_79, %cond3A_80 : i32
    scf.if %cond3A_81 {
      %mul3A_86 = arith.constant 1563 : i32
      %mul3A_87 = arith.muli %arg1, %mul3A_86 : i32
      %mul3A_88 = arith.constant 1563 : i32
      %mul3A_89 = arith.muli %arg1, %mul3A_88 : i32
      %add3A_90 = arith.addi %mul3A_76, %mul3A_89 : i32
      "tpu.region"() ({
        %run_scoped3A = tpu.sem_alloc : memref<!tpu.dma_semaphore, #tpu.memory_space<semaphore_mem>>
        %dma_start3A = arith.constant 0 : i32
        %dma_start3A_91 = tpu.memref_slice %arg5[%add3A_90, %dma_start3A] : memref<50000x64xf32, #tpu.memory_space<hbm>> -> memref<1563x64xf32, #tpu.memory_space<hbm>>
        %dma_start3A_92 = arith.constant 0 : i32
        %dma_start3A_93 = tpu.memref_slice %arg8[%mul3A_87, %dma_start3A_92] : memref<25096x64xf32, #tpu.memory_space<vmem_shared>> -> memref<1563x64xf32, #tpu.memory_space<vmem_shared>>
        tpu.enqueue_dma source(%dma_start3A_93 : memref<1563x64xf32, #tpu.memory_space<vmem_shared>>) target(%dma_start3A_91 : memref<1563x64xf32, #tpu.memory_space<hbm>>) target_semaphore(%run_scoped3A : memref<!tpu.dma_semaphore, #tpu.memory_space<semaphore_mem>>)
        %dma_wait3A = arith.constant 0 : i32
        %dma_wait3A_94 = tpu.memref_slice %arg5[%add3A_90, %dma_wait3A] : memref<50000x64xf32, #tpu.memory_space<hbm>> -> memref<1563x64xf32, #tpu.memory_space<hbm>>
        %dma_wait3A_95 = arith.constant 0 : i32
        %dma_wait3A_96 = tpu.memref_slice %arg8[%mul3A_87, %dma_wait3A_95] : memref<25096x64xf32, #tpu.memory_space<vmem_shared>> -> memref<1563x64xf32, #tpu.memory_space<vmem_shared>>
        tpu.wait_dma2 semaphore(%run_scoped3A : memref<!tpu.dma_semaphore, #tpu.memory_space<semaphore_mem>>) src(%dma_wait3A_96 : memref<1563x64xf32, #tpu.memory_space<vmem_shared>>) dst(%dma_wait3A_94 : memref<1563x64xf32, #tpu.memory_space<hbm>>)
        tpu.yield
      }) : () -> ()
    } else {
    }
    %eq3A = arith.constant 15 : i32
    %eq3A_82 = arith.cmpi eq, %arg1, %eq3A : i32
    %convert_element_type3A_83 = arith.extui %eq3A_82 : i1 to i32
    %cond3A_84 = arith.constant 0 : i32
    %cond3A_85 = arith.cmpi ne, %convert_element_type3A_83, %cond3A_84 : i32
    scf.if %cond3A_85 {
      %add3A_86 = arith.constant 23445 : i32
      %add3A_87 = arith.addi %mul3A_76, %add3A_86 : i32
      "tpu.region"() ({
        %run_scoped3A = tpu.sem_alloc : memref<!tpu.dma_semaphore, #tpu.memory_space<semaphore_mem>>
        %dma_start3A = arith.constant 0 : i32
        %dma_start3A_88 = tpu.memref_slice %arg5[%add3A_87, %dma_start3A] : memref<50000x64xf32, #tpu.memory_space<hbm>> -> memref<1555x64xf32, #tpu.memory_space<hbm>>
        %dma_start3A_89 = arith.constant 23445 : i32
        %dma_start3A_90 = arith.constant 0 : i32
        %dma_start3A_91 = tpu.memref_slice %arg8[%dma_start3A_89, %dma_start3A_90] : memref<25096x64xf32, #tpu.memory_space<vmem_shared>> -> memref<1555x64xf32, #tpu.memory_space<vmem_shared>>
        tpu.enqueue_dma source(%dma_start3A_91 : memref<1555x64xf32, #tpu.memory_space<vmem_shared>>) target(%dma_start3A_88 : memref<1555x64xf32, #tpu.memory_space<hbm>>) target_semaphore(%run_scoped3A : memref<!tpu.dma_semaphore, #tpu.memory_space<semaphore_mem>>)
        %dma_wait3A = arith.constant 0 : i32
        %dma_wait3A_92 = tpu.memref_slice %arg5[%add3A_87, %dma_wait3A] : memref<50000x64xf32, #tpu.memory_space<hbm>> -> memref<1555x64xf32, #tpu.memory_space<hbm>>
        %dma_wait3A_93 = arith.constant 23445 : i32
        %dma_wait3A_94 = arith.constant 0 : i32
        %dma_wait3A_95 = tpu.memref_slice %arg8[%dma_wait3A_93, %dma_wait3A_94] : memref<25096x64xf32, #tpu.memory_space<vmem_shared>> -> memref<1555x64xf32, #tpu.memory_space<vmem_shared>>
        tpu.wait_dma2 semaphore(%run_scoped3A : memref<!tpu.dma_semaphore, #tpu.memory_space<semaphore_mem>>) src(%dma_wait3A_95 : memref<1555x64xf32, #tpu.memory_space<vmem_shared>>) dst(%dma_wait3A_92 : memref<1555x64xf32, #tpu.memory_space<hbm>>)
        tpu.yield
      }) : () -> ()
    } else {
    }
    return
  }
}

module attributes {stable_mosaic.version = 14 : i64} {
  func.func @_proj_body(%arg0: i32, %arg1: memref<2000x65xf32, #tpu.memory_space<vmem>>, %arg2: memref<65x64xf32, #tpu.memory_space<vmem>>, %arg3: memref<2000x128xf32, #tpu.memory_space<vmem>>) attributes {dimension_semantics = [#tpu.dimension_semantics<arbitrary>], iteration_bounds = array<i64: 25>, scalar_prefetch = 0 : i64, scratch_operands = 0 : i64, tpu.core_type = #tpu.core_type<tc>, window_params = [{transform_indices = @transform_0, window_bounds = array<i64: 2000, 65>}, {pipeline_mode = #tpu.pipeline_mode<synchronous>, transform_indices = @transform_1, window_bounds = array<i64: 65, 64>}, {transform_indices = @transform_2, window_bounds = array<i64: 2000, 128>}]} {
    %get3A = arith.constant 0 : index
    %get3A_0 = arith.constant 0 : index
    %get3A_1 = vector.load %arg1[%get3A, %get3A_0] : memref<2000x65xf32, #tpu.memory_space<vmem>>, vector<2000x65xf32>
    %get3A_2 = arith.constant 0 : index
    %get3A_3 = arith.constant 0 : index
    %get3A_4 = vector.load %arg2[%get3A_2, %get3A_3] : memref<65x64xf32, #tpu.memory_space<vmem>>, vector<65x64xf32>
    %dot_general3A = arith.constant dense<0.000000e+00> : vector<2000x64xf32>
    %dot_general3A_5 = tpu.matmul %get3A_1, %get3A_4, %dot_general3A {dimension_numbers = #tpu.dot_dimension_numbers<[1], [0], [0], [1], [0, 0, 1, 1], [], []>, transpose_lhs_hint = false} : vector<2000x65xf32>, vector<65x64xf32>, vector<2000x64xf32> -> vector<2000x64xf32>
    %neg3A = arith.constant 0.000000e+00 : f32
    %neg3A_6 = vector.broadcast %neg3A : f32 to vector<2000x64xf32>
    %neg3A_7 = arith.subf %neg3A_6, %dot_general3A_5 : vector<2000x64xf32>
    %concatenate3A = tpu.concatenate %dot_general3A_5, %neg3A_7 in 1 : vector<2000x64xf32>, vector<2000x64xf32> -> vector<2000x128xf32>
    %swap3A = arith.constant 0 : index
    %swap3A_8 = arith.constant 0 : index
    %swap3A_9 = vector.load %arg3[%swap3A, %swap3A_8] : memref<2000x128xf32, #tpu.memory_space<vmem>>, vector<2000x128xf32>
    tpu.vector_store %arg3[%swap3A, %swap3A_8], %concatenate3A {strides = array<i32>} : memref<2000x128xf32, #tpu.memory_space<vmem>>, vector<2000x128xf32>,
    return
  }
  func.func @transform_0(%arg0: i32) -> (i32, i32) {
    %c0_i32 = arith.constant 0 : i32
    %c0_i32_0 = arith.constant 0 : i32
    return %arg0, %c0_i32 : i32, i32
  }
  func.func @transform_1(%arg0: i32) -> (i32, i32) {
    %c0_i32 = arith.constant 0 : i32
    %c0_i32_0 = arith.constant 0 : i32
    %c0_i32_1 = arith.constant 0 : i32
    return %c0_i32, %c0_i32_0 : i32, i32
  }
  func.func @transform_2(%arg0: i32) -> (i32, i32) {
    %c0_i32 = arith.constant 0 : i32
    %c0_i32_0 = arith.constant 0 : i32
    return %arg0, %c0_i32 : i32, i32
  }
}

module attributes {stable_mosaic.version = 14 : i64} {
  func.func @_mlp_body(%arg0: i32, %arg1: memref<1x128xf32, #tpu.memory_space<vmem>>, %arg2: memref<128x64xbf16, #tpu.memory_space<vmem>>, %arg3: memref<1x64xf32, #tpu.memory_space<vmem>>, %arg4: memref<64x64xbf16, #tpu.memory_space<vmem>>, %arg5: memref<1x64xf32, #tpu.memory_space<vmem>>, %arg6: memref<2048x128xf32, #tpu.memory_space<vmem>>, %arg7: memref<2048x128xf32, #tpu.memory_space<vmem>>, %arg8: memref<2048x64xf32, #tpu.memory_space<vmem>>) attributes {dimension_semantics = [#tpu.dimension_semantics<arbitrary>], iteration_bounds = array<i64: 196>, scalar_prefetch = 0 : i64, scratch_operands = 0 : i64, tpu.core_type = #tpu.core_type<tc>, window_params = [{pipeline_mode = #tpu.pipeline_mode<synchronous>, transform_indices = @transform_0, window_bounds = array<i64: 1, 128>}, {pipeline_mode = #tpu.pipeline_mode<synchronous>, transform_indices = @transform_1, window_bounds = array<i64: 128, 64>}, {pipeline_mode = #tpu.pipeline_mode<synchronous>, transform_indices = @transform_2, window_bounds = array<i64: 1, 64>}, {pipeline_mode = #tpu.pipeline_mode<synchronous>, transform_indices = @transform_3, window_bounds = array<i64: 64, 64>}, {pipeline_mode = #tpu.pipeline_mode<synchronous>, transform_indices = @transform_4, window_bounds = array<i64: 1, 64>}, {transform_indices = @transform_5, window_bounds = array<i64: 2048, 128>}, {transform_indices = @transform_6, window_bounds = array<i64: 2048, 128>}, {transform_indices = @transform_7, window_bounds = array<i64: 2048, 64>}]} {
    %get3A = arith.constant 0 : index
    %get3A_0 = arith.constant 0 : index
    %get3A_1 = vector.load %arg6[%get3A, %get3A_0] : memref<2048x128xf32, #tpu.memory_space<vmem>>, vector<2048x128xf32>
    %get3A_2 = arith.constant 0 : index
    %get3A_3 = arith.constant 0 : index
    %get3A_4 = vector.load %arg7[%get3A_2, %get3A_3] : memref<2048x128xf32, #tpu.memory_space<vmem>>, vector<2048x128xf32>
    %sub3A = arith.subf %get3A_1, %get3A_4 : vector<2048x128xf32>
    %get3A_5 = arith.constant 0 : index
    %get3A_6 = arith.constant 0 : index
    %get3A_7 = vector.load %arg1[%get3A_5, %get3A_6] : memref<1x128xf32, #tpu.memory_space<vmem>>, vector<1x128xf32>
    %add3A = vector.broadcast %get3A_7 : vector<1x128xf32> to vector<2048x128xf32>
    %add3A_8 = arith.addf %sub3A, %add3A : vector<2048x128xf32>
    %max3A = arith.constant 0.000000e+00 : f32
    %max3A_9 = vector.broadcast %max3A : f32 to vector<2048x128xf32>
    %max3A_10 = arith.maximumf %add3A_8, %max3A_9 : vector<2048x128xf32>
    %convert_element_type3A = arith.truncf %max3A_10 : vector<2048x128xf32> to vector<2048x128xbf16>
    %get3A_11 = arith.constant 0 : index
    %get3A_12 = arith.constant 0 : index
    %get3A_13 = vector.load %arg2[%get3A_11, %get3A_12] : memref<128x64xbf16, #tpu.memory_space<vmem>>, vector<128x64xbf16>
    %dot_general3A = arith.constant dense<0.000000e+00> : vector<2048x64xf32>
    %dot_general3A_14 = tpu.matmul %convert_element_type3A, %get3A_13, %dot_general3A {dimension_numbers = #tpu.dot_dimension_numbers<[1], [0], [0], [1], [0, 0, 1, 1], [], []>, transpose_lhs_hint = false} : vector<2048x128xbf16>, vector<128x64xbf16>, vector<2048x64xf32> -> vector<2048x64xf32>
    %get3A_15 = arith.constant 0 : index
    %get3A_16 = arith.constant 0 : index
    %get3A_17 = vector.load %arg3[%get3A_15, %get3A_16] : memref<1x64xf32, #tpu.memory_space<vmem>>, vector<1x64xf32>
    %add3A_18 = vector.broadcast %get3A_17 : vector<1x64xf32> to vector<2048x64xf32>
    %add3A_19 = arith.addf %dot_general3A_14, %add3A_18 : vector<2048x64xf32>
    %max3A_20 = arith.constant 0.000000e+00 : f32
    %max3A_21 = vector.broadcast %max3A_20 : f32 to vector<2048x64xf32>
    %max3A_22 = arith.maximumf %add3A_19, %max3A_21 : vector<2048x64xf32>
    %convert_element_type3A_23 = arith.truncf %max3A_22 : vector<2048x64xf32> to vector<2048x64xbf16>
    %get3A_24 = arith.constant 0 : index
    %get3A_25 = arith.constant 0 : index
    %get3A_26 = vector.load %arg4[%get3A_24, %get3A_25] : memref<64x64xbf16, #tpu.memory_space<vmem>>, vector<64x64xbf16>
    %dot_general3A_27 = arith.constant dense<0.000000e+00> : vector<2048x64xf32>
    %dot_general3A_28 = tpu.matmul %convert_element_type3A_23, %get3A_26, %dot_general3A_27 {dimension_numbers = #tpu.dot_dimension_numbers<[1], [0], [0], [1], [0, 0, 1, 1], [], []>, transpose_lhs_hint = false} : vector<2048x64xbf16>, vector<64x64xbf16>, vector<2048x64xf32> -> vector<2048x64xf32>
    %get3A_29 = arith.constant 0 : index
    %get3A_30 = arith.constant 0 : index
    %get3A_31 = vector.load %arg5[%get3A_29, %get3A_30] : memref<1x64xf32, #tpu.memory_space<vmem>>, vector<1x64xf32>
    %add3A_32 = vector.broadcast %get3A_31 : vector<1x64xf32> to vector<2048x64xf32>
    %add3A_33 = arith.addf %dot_general3A_28, %add3A_32 : vector<2048x64xf32>
    %mul3A = arith.constant 2048 : i32
    %mul3A_34 = arith.muli %arg0, %mul3A : i32
    %add3A_35 = arith.constant 401408 : i32
    %add3A_36 = arith.addi %add3A_35, %mul3A_34 : i32
    %iota3A = tpu.iota {dimensions = array<i32: 0>} : vector<2048x64xi32>
    %add3A_37 = vector.broadcast %add3A_36 : i32 to vector<2048x64xi32>
    %add3A_38 = arith.addi %add3A_37, %iota3A : vector<2048x64xi32>
    %lt3A = arith.constant 800000 : i32
    %lt3A_39 = vector.broadcast %lt3A : i32 to vector<2048x64xi32>
    %lt3A_40 = arith.cmpi slt, %add3A_38, %lt3A_39 : vector<2048x64xi32>
    %jit3A = arith.constant 0.000000e+00 : f32
    %broadcast_in_dim3A = vector.broadcast %jit3A : f32 to vector<2048x64xf32>
    %select_n3A = arith.select %lt3A_40, %add3A_33, %broadcast_in_dim3A : vector<2048x64xi1>, vector<2048x64xf32>
    %swap3A = arith.constant 0 : index
    %swap3A_41 = arith.constant 0 : index
    %swap3A_42 = vector.load %arg8[%swap3A, %swap3A_41] : memref<2048x64xf32, #tpu.memory_space<vmem>>, vector<2048x64xf32>
    tpu.vector_store %arg8[%swap3A, %swap3A_41], %select_n3A {strides = array<i32>} : memref<2048x64xf32, #tpu.memory_space<vmem>>, vector<2048x64xf32>,
    return
  }
  func.func @transform_0(%arg0: i32) -> (i32, i32) {
    %c0_i32 = arith.constant 0 : i32
    %c0_i32_0 = arith.constant 0 : i32
    %c0_i32_1 = arith.constant 0 : i32
    return %c0_i32, %c0_i32_0 : i32, i32
  }
  func.func @transform_1(%arg0: i32) -> (i32, i32) {
    %c0_i32 = arith.constant 0 : i32
    %c0_i32_0 = arith.constant 0 : i32
    %c0_i32_1 = arith.constant 0 : i32
    return %c0_i32, %c0_i32_0 : i32, i32
  }
  func.func @transform_2(%arg0: i32) -> (i32, i32) {
    %c0_i32 = arith.constant 0 : i32
    %c0_i32_0 = arith.constant 0 : i32
    %c0_i32_1 = arith.constant 0 : i32
    return %c0_i32, %c0_i32_0 : i32, i32
  }
  func.func @transform_3(%arg0: i32) -> (i32, i32) {
    %c0_i32 = arith.constant 0 : i32
    %c0_i32_0 = arith.constant 0 : i32
    %c0_i32_1 = arith.constant 0 : i32
    return %c0_i32, %c0_i32_0 : i32, i32
  }
  func.func @transform_4(%arg0: i32) -> (i32, i32) {
    %c0_i32 = arith.constant 0 : i32
    %c0_i32_0 = arith.constant 0 : i32
    %c0_i32_1 = arith.constant 0 : i32
    return %c0_i32, %c0_i32_0 : i32, i32
  }
  func.func @transform_5(%arg0: i32) -> (i32, i32) {
    %c0_i32 = arith.constant 0 : i32
    %c0_i32_0 = arith.constant 0 : i32
    return %arg0, %c0_i32 : i32, i32
  }
  func.func @transform_6(%arg0: i32) -> (i32, i32) {
    %c0_i32 = arith.constant 0 : i32
    %c0_i32_0 = arith.constant 0 : i32
    return %arg0, %c0_i32 : i32, i32
  }
  func.func @transform_7(%arg0: i32) -> (i32, i32) {
    %c0_i32 = arith.constant 0 : i32
    %c0_i32_0 = arith.constant 0 : i32
    return %arg0, %c0_i32 : i32, i32
  }
}

module attributes {stable_mosaic.version = 14 : i64} {
  func.func @_mlp_body(%arg0: i32, %arg1: memref<1x128xf32, #tpu.memory_space<vmem>>, %arg2: memref<128x64xbf16, #tpu.memory_space<vmem>>, %arg3: memref<1x64xf32, #tpu.memory_space<vmem>>, %arg4: memref<64x64xbf16, #tpu.memory_space<vmem>>, %arg5: memref<1x64xf32, #tpu.memory_space<vmem>>, %arg6: memref<2048x128xf32, #tpu.memory_space<vmem>>, %arg7: memref<2048x128xf32, #tpu.memory_space<vmem>>, %arg8: memref<2048x64xf32, #tpu.memory_space<vmem>>) attributes {dimension_semantics = [#tpu.dimension_semantics<arbitrary>], iteration_bounds = array<i64: 196>, scalar_prefetch = 0 : i64, scratch_operands = 0 : i64, tpu.core_type = #tpu.core_type<tc>, window_params = [{pipeline_mode = #tpu.pipeline_mode<synchronous>, transform_indices = @transform_0, window_bounds = array<i64: 1, 128>}, {pipeline_mode = #tpu.pipeline_mode<synchronous>, transform_indices = @transform_1, window_bounds = array<i64: 128, 64>}, {pipeline_mode = #tpu.pipeline_mode<synchronous>, transform_indices = @transform_2, window_bounds = array<i64: 1, 64>}, {pipeline_mode = #tpu.pipeline_mode<synchronous>, transform_indices = @transform_3, window_bounds = array<i64: 64, 64>}, {pipeline_mode = #tpu.pipeline_mode<synchronous>, transform_indices = @transform_4, window_bounds = array<i64: 1, 64>}, {transform_indices = @transform_5, window_bounds = array<i64: 2048, 128>}, {transform_indices = @transform_6, window_bounds = array<i64: 2048, 128>}, {transform_indices = @transform_7, window_bounds = array<i64: 2048, 64>}]} {
    %get3A = arith.constant 0 : index
    %get3A_0 = arith.constant 0 : index
    %get3A_1 = vector.load %arg6[%get3A, %get3A_0] : memref<2048x128xf32, #tpu.memory_space<vmem>>, vector<2048x128xf32>
    %get3A_2 = arith.constant 0 : index
    %get3A_3 = arith.constant 0 : index
    %get3A_4 = vector.load %arg7[%get3A_2, %get3A_3] : memref<2048x128xf32, #tpu.memory_space<vmem>>, vector<2048x128xf32>
    %sub3A = arith.subf %get3A_1, %get3A_4 : vector<2048x128xf32>
    %get3A_5 = arith.constant 0 : index
    %get3A_6 = arith.constant 0 : index
    %get3A_7 = vector.load %arg1[%get3A_5, %get3A_6] : memref<1x128xf32, #tpu.memory_space<vmem>>, vector<1x128xf32>
    %add3A = vector.broadcast %get3A_7 : vector<1x128xf32> to vector<2048x128xf32>
    %add3A_8 = arith.addf %sub3A, %add3A : vector<2048x128xf32>
    %max3A = arith.constant 0.000000e+00 : f32
    %max3A_9 = vector.broadcast %max3A : f32 to vector<2048x128xf32>
    %max3A_10 = arith.maximumf %add3A_8, %max3A_9 : vector<2048x128xf32>
    %convert_element_type3A = arith.truncf %max3A_10 : vector<2048x128xf32> to vector<2048x128xbf16>
    %get3A_11 = arith.constant 0 : index
    %get3A_12 = arith.constant 0 : index
    %get3A_13 = vector.load %arg2[%get3A_11, %get3A_12] : memref<128x64xbf16, #tpu.memory_space<vmem>>, vector<128x64xbf16>
    %dot_general3A = arith.constant dense<0.000000e+00> : vector<2048x64xf32>
    %dot_general3A_14 = tpu.matmul %convert_element_type3A, %get3A_13, %dot_general3A {dimension_numbers = #tpu.dot_dimension_numbers<[1], [0], [0], [1], [0, 0, 1, 1], [], []>, transpose_lhs_hint = false} : vector<2048x128xbf16>, vector<128x64xbf16>, vector<2048x64xf32> -> vector<2048x64xf32>
    %get3A_15 = arith.constant 0 : index
    %get3A_16 = arith.constant 0 : index
    %get3A_17 = vector.load %arg3[%get3A_15, %get3A_16] : memref<1x64xf32, #tpu.memory_space<vmem>>, vector<1x64xf32>
    %add3A_18 = vector.broadcast %get3A_17 : vector<1x64xf32> to vector<2048x64xf32>
    %add3A_19 = arith.addf %dot_general3A_14, %add3A_18 : vector<2048x64xf32>
    %max3A_20 = arith.constant 0.000000e+00 : f32
    %max3A_21 = vector.broadcast %max3A_20 : f32 to vector<2048x64xf32>
    %max3A_22 = arith.maximumf %add3A_19, %max3A_21 : vector<2048x64xf32>
    %convert_element_type3A_23 = arith.truncf %max3A_22 : vector<2048x64xf32> to vector<2048x64xbf16>
    %get3A_24 = arith.constant 0 : index
    %get3A_25 = arith.constant 0 : index
    %get3A_26 = vector.load %arg4[%get3A_24, %get3A_25] : memref<64x64xbf16, #tpu.memory_space<vmem>>, vector<64x64xbf16>
    %dot_general3A_27 = arith.constant dense<0.000000e+00> : vector<2048x64xf32>
    %dot_general3A_28 = tpu.matmul %convert_element_type3A_23, %get3A_26, %dot_general3A_27 {dimension_numbers = #tpu.dot_dimension_numbers<[1], [0], [0], [1], [0, 0, 1, 1], [], []>, transpose_lhs_hint = false} : vector<2048x64xbf16>, vector<64x64xbf16>, vector<2048x64xf32> -> vector<2048x64xf32>
    %get3A_29 = arith.constant 0 : index
    %get3A_30 = arith.constant 0 : index
    %get3A_31 = vector.load %arg5[%get3A_29, %get3A_30] : memref<1x64xf32, #tpu.memory_space<vmem>>, vector<1x64xf32>
    %add3A_32 = vector.broadcast %get3A_31 : vector<1x64xf32> to vector<2048x64xf32>
    %add3A_33 = arith.addf %dot_general3A_28, %add3A_32 : vector<2048x64xf32>
    %mul3A = arith.constant 2048 : i32
    %mul3A_34 = arith.muli %arg0, %mul3A : i32
    %add3A_35 = arith.constant 0 : i32
    %add3A_36 = arith.addi %add3A_35, %mul3A_34 : i32
    %iota3A = tpu.iota {dimensions = array<i32: 0>} : vector<2048x64xi32>
    %add3A_37 = vector.broadcast %add3A_36 : i32 to vector<2048x64xi32>
    %add3A_38 = arith.addi %add3A_37, %iota3A : vector<2048x64xi32>
    %lt3A = arith.constant 800000 : i32
    %lt3A_39 = vector.broadcast %lt3A : i32 to vector<2048x64xi32>
    %lt3A_40 = arith.cmpi slt, %add3A_38, %lt3A_39 : vector<2048x64xi32>
    %jit3A = arith.constant 0.000000e+00 : f32
    %broadcast_in_dim3A = vector.broadcast %jit3A : f32 to vector<2048x64xf32>
    %select_n3A = arith.select %lt3A_40, %add3A_33, %broadcast_in_dim3A : vector<2048x64xi1>, vector<2048x64xf32>
    %swap3A = arith.constant 0 : index
    %swap3A_41 = arith.constant 0 : index
    %swap3A_42 = vector.load %arg8[%swap3A, %swap3A_41] : memref<2048x64xf32, #tpu.memory_space<vmem>>, vector<2048x64xf32>
    tpu.vector_store %arg8[%swap3A, %swap3A_41], %select_n3A {strides = array<i32>} : memref<2048x64xf32, #tpu.memory_space<vmem>>, vector<2048x64xf32>,
    return
  }
  func.func @transform_0(%arg0: i32) -> (i32, i32) {
    %c0_i32 = arith.constant 0 : i32
    %c0_i32_0 = arith.constant 0 : i32
    %c0_i32_1 = arith.constant 0 : i32
    return %c0_i32, %c0_i32_0 : i32, i32
  }
  func.func @transform_1(%arg0: i32) -> (i32, i32) {
    %c0_i32 = arith.constant 0 : i32
    %c0_i32_0 = arith.constant 0 : i32
    %c0_i32_1 = arith.constant 0 : i32
    return %c0_i32, %c0_i32_0 : i32, i32
  }
  func.func @transform_2(%arg0: i32) -> (i32, i32) {
    %c0_i32 = arith.constant 0 : i32
    %c0_i32_0 = arith.constant 0 : i32
    %c0_i32_1 = arith.constant 0 : i32
    return %c0_i32, %c0_i32_0 : i32, i32
  }
  func.func @transform_3(%arg0: i32) -> (i32, i32) {
    %c0_i32 = arith.constant 0 : i32
    %c0_i32_0 = arith.constant 0 : i32
    %c0_i32_1 = arith.constant 0 : i32
    return %c0_i32, %c0_i32_0 : i32, i32
  }
  func.func @transform_4(%arg0: i32) -> (i32, i32) {
    %c0_i32 = arith.constant 0 : i32
    %c0_i32_0 = arith.constant 0 : i32
    %c0_i32_1 = arith.constant 0 : i32
    return %c0_i32, %c0_i32_0 : i32, i32
  }
  func.func @transform_5(%arg0: i32) -> (i32, i32) {
    %c0_i32 = arith.constant 0 : i32
    %c0_i32_0 = arith.constant 0 : i32
    return %arg0, %c0_i32 : i32, i32
  }
  func.func @transform_6(%arg0: i32) -> (i32, i32) {
    %c0_i32 = arith.constant 0 : i32
    %c0_i32_0 = arith.constant 0 : i32
    return %arg0, %c0_i32 : i32, i32
  }
  func.func @transform_7(%arg0: i32) -> (i32, i32) {
    %c0_i32 = arith.constant 0 : i32
    %c0_i32_0 = arith.constant 0 : i32
    return %arg0, %c0_i32 : i32, i32
  }
}

</mosaic_0001>

<sc_bundles>
// kernel: kernel.11.cloned.1.call-start
scs
__scs_entry_jumppad:
0x0: {  	(pc) =	sbr.rel $0x88, $3  }
0x1: {  	(tag) =	ssettag $0x0;
	lr =	simm.s32 $0x1  }
0x2: {  	[smem:$0x3F99] =	sst lr;
	_ =	strace $0xD0000000  }
0x3: {  	_ = 	snop  }
0x4: {  	_ = 	snop  }
0x5: {  	_ = 	snop  }
0x6: {  	_ = 	snop  }
0x7: {  	_ = 	snop  }
__scs_overlays_trampoline_lowered:
0x8: {  	[smem:$0x3FA8] =	sst s0  }
0x9: {  	[smem:$0x3FA9] =	sst s1  }
0xa: {  	[smem:$0x3FAA] =	sst s2  }
0xb: {  	[smem:$0x3FAB] =	sst s3  }
0xc: {  	[smem:$0x3FAC] =	sst s4  }
0xd: {  	[smem:$0x3FAD] =	sst s5  }
0xe: {  	[smem:$0x3FAE] =	sst s6  }
0xf: {  	[smem:$0x3FAF] =	sst s7  }
0x10: {  	[smem:$0x3FB0] =	sst s8  }
0x11: {  	[smem:$0x3FB1] =	sst s9;
	s0 =	simm.s32 @!p0 $0x0  }
0x12: {  	s1 =	sld [smem:$0x3F97];
	s0 =	simm.s32 @p0 $0x1  }
0x13: {  	[smem:$0x3FB2] =	sst s0;
	s0 =	simm.s32 @!p1 $0x0  }
0x14: {  	s2 =	sld [smem:$0x3F96];
	s0 =	simm.s32 @p1 $0x1  }
0x15: {  	[smem:$0x3FB3] =	sst s0;
	s0 =	simm.s32 @!p2 $0x0  }
0x16: {  	s3 =	sld [smem:$0x3FDB];
	s0 =	simm.s32 @p2 $0x1  }
0x17: {  	s4 =	simm.s32 $0x1BF5;
	[smem:$0x3FB5] =	sst s0  }
0x18: {  	s0 =	sld [smem:$0x3F98];
	_ =	swait.ge [sflag:s4], $0x0  }
0x19: {  	s7 =	sld [smem:$0x3F99]  }
0x1a: {  	s8 =	sadd.s32 $0xFFFFE003, lr  }
0x1b: {  	s9 =	sadd.s32 $0xFFFFFEF7, lr;
	s5 =	simm.s32 $0xFFFFFFFF;
	p2 =	slt.u32 s8, $0xFFFFF086  }
0x1c: {  	p1 =	slt.u32 s9, $0xF7A;
	s5 =	simm.s32 @!p2 $0x0  }
0x1d: {  	s5 =	simm.s32 @p1 $0x1;
	p0 =	seq.s32 s7, s2  }
0x1e: {  	s7 =	smul.u32 @!p0 $0xF7A, s2;
	p2 =	seq.s32 @!p0 s5, $0x0  }
0x1f: {  	s9 =	smul.u32 $0xF7A, s1;
	s8 =	simm.s32 @!p0 $0x1BF5;
	p2 =	por !p2, p0  }
0x20: {  	[sflag:s8] =	ssyncset.s32 @!p0 $0xFFFFF086;
	s6 =	sadd.s32 @!p0 s3, s7;
	s7 =	simm.s32 @!p0 $0x108  }
0x21: {  	s3 =	sadd.s32 s3, s9;
	s6 =	sadd.s32 @!p0 $0x88, s6;
	s7 =	simm.s32 @p2 $0x1082  }
0x22: {  	[simem:s7], [sflag:s8] =	dma.local @!p0 [hbm:s6], $0xF7A  }
0x23: {  	s9 =	sor.u32 $0xD0000000, s2;
	s6 =	simm.s32 $0x108;
	_ =	swait.ge @!p0 [sflag:s8], $0x0  }
0x24: {  	s3 =	sadd.s32 $0x88, s3;
	s6 =	simm.s32 @!p1 $0x1082;
	[sflag:s4] =	ssyncset.s32 $0xFFFFF086  }
0x25: {  	[simem:s6], [sflag:s4] =	dma.local [hbm:s3], $0xF7A  }
0x26: {  	[smem:$0x3F99] =	sst s1;
	(tag) =	ssettag s2;
	_ =	strace s9  }
0x27: {  	s1 =	sld [smem:$0x3FA9]  }
0x28: {  	s2 =	sld [smem:$0x3FAA]  }
0x29: {  	s4 =	sld [smem:$0x3FAC]  }
0x2a: {  	p0 =	seq.s32 s5, $0x0;
	s5 =	sld [smem:$0x3FAD]  }
0x2b: {  	s6 =	sld [smem:$0x3FAE]  }
0x2c: {  	s7 =	sld [smem:$0x3FAF]  }
0x2d: {  	s3 =	simm.s32 $0x108;
	s8 =	sld [smem:$0x3FB0]  }
0x2e: {  	s3 =	simm.s32 @!p0 $0x1082;
	s9 =	sld [smem:$0x3FB1]  }
0x2f: {  	lr =	sadd.s32 s0, s3;
	s0 =	sld [smem:$0x3FA8]  }
0x30: {  	s3 =	sld [smem:$0x3FAB]  }
0x31: {  	[smem:$0x3FB4] =	sst s10  }
0x32: {  	s10 =	sld [smem:$0x3FB2];
	_ =	sdelay $0x3  }
0x33: {  	p0 =	seq.s32 s10, $0x1;
	s10 =	sld [smem:$0x3FB4];
	_ =	sdelay $0x3  }
0x34: {  	[smem:$0x3FB4] =	sst s10  }
0x35: {  	s10 =	sld [smem:$0x3FB3];
	_ =	sdelay $0x3  }
0x36: {  	p1 =	seq.s32 s10, $0x1;
	s10 =	sld [smem:$0x3FB4];
	_ =	sdelay $0x3  }
0x37: {  	[smem:$0x3FB4] =	sst s10  }
0x38: {  	s10 =	sld [smem:$0x3FB5]  }
0x39: {  	_ = 	snop;
	(pc) =	sbr.ind lr, $3  }
0x3a: {  	_ = 	snop  }
0x3b: {  	_ = 	snop  }
0x3c: {  	p2 =	seq.s32 s10, $0x1;
	s10 =	sld [smem:$0x3FB4]  }
0x3d: {  	_ =	shalt  }
0x3e: {  	_ =	shalt  }
0x3f: {  	_ =	shalt  }
0x40: {  	_ =	shalt  }
0x41: {  	_ =	shalt  }
0x42: {  	_ =	shalt  }
0x43: {  	_ =	shalt  }
0x44: {  	_ =	shalt  }
0x45: {  	_ =	shalt  }
0x46: {  	_ =	shalt  }
0x47: {  	_ =	shalt  }
0x48: {  	_ =	shalt  }
0x49: {  	_ =	shalt  }
0x4a: {  	_ =	shalt  }
0x4b: {  	_ =	shalt  }
0x4c: {  	_ =	shalt  }
0x4d: {  	_ =	shalt  }
0x4e: {  	_ =	shalt  }
0x4f: {  	_ =	shalt  }
0x50: {  	_ =	shalt  }
0x51: {  	_ =	shalt  }
0x52: {  	_ =	shalt  }
0x53: {  	_ =	shalt  }
0x54: {  	_ =	shalt  }
0x55: {  	_ =	shalt  }
0x56: {  	_ =	shalt  }
0x57: {  	_ =	shalt  }
0x58: {  	_ =	shalt  }
0x59: {  	_ =	shalt  }
0x5a: {  	_ =	shalt  }
0x5b: {  	_ =	shalt  }
0x5c: {  	_ =	shalt  }
0x5d: {  	_ =	shalt  }
0x5e: {  	_ =	shalt  }
0x5f: {  	_ =	shalt  }
0x60: {  	_ =	shalt  }
0x61: {  	_ =	shalt  }
0x62: {  	_ =	shalt  }
0x63: {  	_ =	shalt  }
0x64: {  	_ =	shalt  }
0x65: {  	_ =	shalt  }
0x66: {  	_ =	shalt  }
0x67: {  	_ =	shalt  }
0x68: {  	_ =	shalt  }
0x69: {  	_ =	shalt  }
0x6a: {  	_ =	shalt  }
0x6b: {  	_ =	shalt  }
0x6c: {  	_ =	shalt  }
0x6d: {  	_ =	shalt  }
0x6e: {  	_ =	shalt  }
0x6f: {  	_ =	shalt  }
0x70: {  	_ =	shalt  }
0x71: {  	_ =	shalt  }
0x72: {  	_ =	shalt  }
0x73: {  	_ =	shalt  }
0x74: {  	_ =	shalt  }
0x75: {  	_ =	shalt  }
0x76: {  	_ =	shalt  }
0x77: {  	_ =	shalt  }
0x78: {  	_ =	shalt  }
0x79: {  	_ =	shalt  }
0x7a: {  	_ =	shalt  }
0x7b: {  	_ =	shalt  }
0x7c: {  	_ =	shalt  }
0x7d: {  	_ =	shalt  }
0x7e: {  	_ =	shalt  }
0x7f: {  	_ =	shalt  }
0x80: {  	_ =	shalt  }
0x81: {  	_ =	shalt  }
0x82: {  	_ =	shalt  }
0x83: {  	_ =	shalt  }
0x84: {  	_ =	shalt  }
0x85: {  	_ =	shalt  }
0x86: {  	_ =	shalt  }
0x87: {  	_ =	shalt  }
.Lfunc_end0:
.L_simem_size_0:
called_computation.1_lowered:
.L_overlay_start_0:
0x88: {  	s2 =	sld [smem:$0x3FD9]  }
0x89: {  	s3 =	sld [smem:$0x3FFE];
	_ =	sdelay $0x1  }
0x8a: {  	s1 =	srdreg.scid  }
0x8b: {  	s0 =	sand.u32 $0x1, s1  }
0x8c: {  	s16 =	sshll.u32 s0, $0xA;
	s2 =	sadd.s32 s3, s2  }
0x8d: {  	s2 =	sadd.s32 s2, s16  }
0x8e: {  	[smem:$0x3FC0] =	sst s2  }
0x8f: {  	_ = 	snop  }
0x90: {  	(tm) =	ssettm $0x1  }
0x91: {  	s17 =	sld [smem:$0x3FFB];
	_ =	sdelay $0x3  }
0x92: {  	_ =	strace s17  }
0x93: {  	s2 =	sld [smem:$0x3FFC];
	_ =	sdelay $0x3  }
0x94: {  	_ =	strace s2  }
0x95: {  	s2 =	sld [smem:$0x3FFD];
	_ =	sdelay $0x3  }
0x96: {  	_ =	strace s2  }
0x97: {  	_ =	strace $0x8FFFFFFF  }
0x98: {  	s18 =	sld [smem:$0x3FDB];
	_ =	sdelay $0x1  }
0x99: {  	s19 =	simm.s32 $_scs_section_size  }
0x9a: {  	s4 =	simm.s32 $_size__tile_overlayer_lowered;
	s5 =	simm.s32 $_tile_overlayer_lowered  }
0x9b: {  	s22 =	simm.s32 $0x1BFF;
	s21 =	sshll.u32 s5, $0x1;
	s2 =	sadd.s32 s19, s18  }
0x9c: {  	s6 =	simm.s32 $0x0;
	s20 =	sshll.u32 s4, $0x1;
	s4 =	sadd.s32 s21, s2  }
0x9d: {  	[timem:s6], [sflag:s22] =	dma.local [hbm:s4], s20  }
0x9e: {  	_ =	swait.ge [sflag:s22], s20  }
0x9f: {  	s3 =	ssub.s32 $0x0, s20;
	[sflag:s22] =	ssyncset.done $0x0  }
0xa0: {  	[sflag:s22] =	ssyncadd.s32 s3;
	_ =	sdelay $0x1  }
0xa1: {  	s23 =	simm.s32 $0x1B8B  }
0xa2: {  	_ =	swait.ge [sflag:s23], $0x1  }
0xa3: {  	[sflag:s23] =	ssyncset.done $0x0  }
0xa4: {  	s25 =	simm.s32 $0x1B8E;
	s24 =	sld [smem:$0x3FFE];
	[sflag:s23] =	ssyncadd.s32 $0xFFFFFFFF  }
0xa5: {  	s26 =	simm.s32 $execute0_lowered;
	[smem:$0x3FD2] =	sst s25  }
0xa6: {  	s4 =	sshll.u32 s26, $0x1;
	_ =	strace $0x80000046;
	[dreg:$0x1] =	wrdreg $0xFFFFFFFF  }
0xa7: {  	s28 =	simm.s32 $_size_execute0_lowered;
	s2 =	sadd.s32 s2, s4;
	[dreg:$0x0] =	wrdreg $0x0  }
0xa8: {  	s4 =	sshll.u32 s28, $0x1;
	[dreg:$0x2] =	wrdreg s2  }
0xa9: {  	[dreg:$0x3] =	wrdreg s4  }
0xaa: {  	[dreg:$0x4] =	wrdreg $0xC0  }
0xab: {  	_ =	task [dreg:s6], $0x5FFFF  }
0xac: {  	[dreg:$0x1] =	wrdreg $0xFFFFFFFF  }
0xad: {  	[dreg:$0x0] =	wrdreg $0x60  }
0xae: {  	[dreg:$0x2] =	wrdreg s24  }
0xaf: {  	[dreg:$0x3] =	wrdreg $0xA  }
0xb0: {  	_ =	task.clear_ibuf [dreg:s6], $0x4FFFF;
	_ =	strace $0x90000046  }
0xb1: {  	s29 =	simm.s32 $0xA;
	_ =	strace $0x80000048  }
0xb2: {  	_ =	swait.ge [sflag:s29], $0x1  }
0xb3: {  	[sflag:s29] =	ssyncadd.s32 $0xFFFFFFFF  }
0xb4: {  	_ =	strace $0x90000048  }
0xb5: {  	_ =	sfence  }
0xb6: {  	s30 =	sld [smem:$0x0];
	_ =	sdelay $0x2  }
0xb7: {  	s31 =	sshll.u32 s1, $0xD;
	s1 =	sshrl.u32 s1, $0x2  }
0xb8: {  	s3 =	sand.u32 $0x4000, s31;
	s1 =	sadd.s32 s1, s30  }
0xb9: {  	s0 =	sor.u32 s3, s0;
	s1 =	sshll.u32 s1, $0x11  }
0xba: {  	s0 =	sor.u32 s1, s0  }
0xbb: {  	s0 =	sadd.s32 $0x8F2B, s0  }
0xbc: {  	[sflag:s0] =	ssyncadd.remote.s32 $0x1  }
0xbd: {  	_ =	sfence.sel $0xFFFF  }
0xbe: {  	[dreg:$0x0] =	wrdreg $0xFFFFFFFF;
	(pc) =	sbr.abs _section_cstart, $3  }
0xbf: {  	[dreg:$0x1] =	wrdreg $0xFFFFFFFF  }
0xc0: {  	_ =	task.clear_ibuf [dreg:s6], $0x2FFFF;
	_ =	strace $0x9FFFFFFF  }
0xc1: {  	(tm) =	ssettm $0x7FFFFFFF  }
tec
execute0_lowered:
.L_overlay_start_1:
0x0: {  	(tag) =	ssettag $0x1  }
0x1: {  	s1 =	srdreg.scid;
	s0 =	stileid.u32  }
0x2: {  	s5 =	rddreg [dreg:$0x0];
	s2 =	simm.s32 $0x0;
	s16 =	simm.s32 $0x3100  }
0x3: {  	s17 =	simm.s32 $0x1;
	s18 =	simm.s32 $0x80;
	s19 =	simm.s32 $0x6200  }
0x4: {  	s20 =	simm.s32 $0xA200;
	s21 =	simm.s32 $0xE200;
	s29 =	smul.u32 $0x6200, s0  }
0x5: {  	s23 =	simm.s32 $0x12200;
	s1 =	sand.u32 $0x1, s1;
	s14 =	smul.u32 $0x310000, s0  }
0x6: {  	s24 =	simm.s32 $0x2;
	s3 =	sshll.u32 s0, $0x1;
	s12 =	smul.u32 $0x3100, s1  }
0x7: {  	s6 =	sor.u32 s1, s3;
	s8 =	ssub.s32 $0x2, s1;
	s1 =	smul.u32 $0x188000, s1  }
0x8: {  	s25 =	simm.s32 $0x3;
	[smem:$0x7FF] =	sst s2;
	s4 =	smul.u32 $0x620, s6  }
0x9: {  	s26 =	simm.s32 $0x0;
	_ =	strace $0x80000047;
	s9 =	smul.u32 $0x188000, s6  }
0xa: {  	s3 =	sadd.s32 $0xF7800, s5;
	s10 =	sshrl.u32 s8, $0x1;
	s11 =	smul.u32 $0x31000, s6  }
0xb: {  	s8 =	ssub.s32 s8, s10;
	s12 =	sadd.s32 s12, s29;
	s1 =	sadd.s32 s1, s14  }
0xc: {  	s7 =	sadd.s32 s4, s5;
	s4 =	sadd.s32 $0x1BAE00, s5;
	s5 =	sadd.s32 $0x7DAE00, s5  }
0xd: {  	s8 =	smax.u32 s8, $0x1;
	s13 =	sshrl.u32 s9, $0x3;
	s31 =	sor.u32 $0x800, s11  }
0xe: {  	s12 =	sshll.u32 s12, $0x4;
	s30 =	sadd.s32 $0x3200, s7;
	s7 =	sadd.s32 $0x27E00, s7  }
0xf: {  	s9 =	sadd.s32 s4, s13;
	s10 =	sadd.s32 s5, s13;
	s11 =	sadd.s32 s4, s31  }
0x10: {  	s15 =	sadd.s32 $0x1800, s12;
	s12 =	sadd.s32 s5, s31;
	s13 =	sadd.s32 $0x8000, s1  }
0x11: {  	[dreg:$0x2] =	wrdreg s30;
	s14 =	sadd.s32 s15, s4;
	s1 =	sadd.s32 s15, s5  }
.LBB2_1:
0x12: {  	s0 =	rddreg [dreg:$0x2]  }
0x13: {  	[tilespmem:s2], [sflag:$0x1] =	stream.linear.gather [hbm4b:s0+s2], $0x3100, $0x38;
	[tilespmem:$0x16200] =	vst v63  }
0x14: {  	_ = 	snop  }
0x15: {  	[tilespmem:s16], [sflag:$0x1] =	stream.linear.gather [hbm4b:s7+s2], $0x3100, $0x38;
	[tilespmem:$0x16200] =	vst v63  }
0x16: {  	_ =	swait.ge [sflag:s17], $0x3100  }
0x17: {  	[sflag:s17] =	ssyncset.done $0x0  }
0x18: {  	[sflag:s17] =	ssyncadd.s32 $0xFFFFCF00  }
0x19: {  	_ =	swait.ge [sflag:s17], $0x3100  }
0x1a: {  	[sflag:s17] =	ssyncset.done $0x0  }
0x1b: {  	[sflag:s17] =	ssyncadd.s32 $0xFFFFCF00  }
0x1c: {  	[tilespmem:s19], [sflag:$0x1] =	stream.indirect.gather [hbm4b:s3+s18], $0x80, s2, s18, $0xb8;
	[tilespmem:$0x16200] =	vst v63  }
0x1d: {  	_ = 	snop  }
0x1e: {  	[tilespmem:s20], [sflag:$0x1] =	stream.indirect.gather [hbm4b:s3+s18], $0x80, s16, s18, $0xb8;
	[tilespmem:$0x16200] =	vst v63  }
0x1f: {  	_ =	swait.ge [sflag:s17], $0x4000  }
0x20: {  	[sflag:s17] =	ssyncset.done $0x0  }
0x21: {  	[sflag:s17] =	ssyncadd.s32 $0xFFFFC000  }
0x22: {  	_ =	swait.ge [sflag:s17], $0x4000  }
0x23: {  	[sflag:s17] =	ssyncset.done $0x0  }
0x24: {  	[sflag:s17] =	ssyncadd.s32 $0xFFFFC000  }
0x25: {  	[hbm4b:s9+s2] =	stream.linear.scatter [tilespmem:s19], [sflag:$0x2], $0x4000, $0x38;
	[tilespmem:$0x16200] =	vst v63  }
0x26: {  	_ = 	snop  }
0x27: {  	[hbm4b:s10+s2] =	stream.linear.scatter [tilespmem:s20], [sflag:$0x2], $0x4000, $0x38;
	[tilespmem:$0x16200] =	vst v63  }
0x28: {  	_ = 	snop  }
0x29: {  	[tilespmem:s21], [sflag:$0x1] =	stream.indirect.gather [hbm4b:s3+s18], $0x80, s18, s18, $0xb8;
	[tilespmem:$0x16200] =	vst v63  }
0x2a: {  	s15 =	simm.s32 $0x3180  }
0x2b: {  	[tilespmem:s23], [sflag:$0x1] =	stream.indirect.gather [hbm4b:s3+s18], $0x80, s15, s18, $0xb8;
	[tilespmem:$0x16200] =	vst v63  }
0x2c: {  	_ =	swait.ge [sflag:s17], $0x4000  }
0x2d: {  	[sflag:s17] =	ssyncset.done $0x0  }
0x2e: {  	[sflag:s17] =	ssyncadd.s32 $0xFFFFC000  }
0x2f: {  	_ =	swait.ge [sflag:s17], $0x4000  }
0x30: {  	[sflag:s17] =	ssyncset.done $0x0  }
0x31: {  	[sflag:s17] =	ssyncadd.s32 $0xFFFFC000  }
0x32: {  	[hbm4b:s11+s2] =	stream.linear.scatter [tilespmem:s21], [sflag:$0x3], $0x4000, $0x38;
	[tilespmem:$0x16200] =	vst v63  }
0x33: {  	_ = 	snop  }
0x34: {  	[hbm4b:s12+s2] =	stream.linear.scatter [tilespmem:s23], [sflag:$0x3], $0x4000, $0x38;
	[tilespmem:$0x16200] =	vst v63  }
0x35: {  	_ =	swait.ge [sflag:s24], $0x4000  }
0x36: {  	[sflag:s24] =	ssyncset.done $0x0  }
0x37: {  	[sflag:s24] =	ssyncadd.s32 $0xFFFFC000  }
0x38: {  	_ =	swait.ge [sflag:s24], $0x4000  }
0x39: {  	[sflag:s24] =	ssyncset.done $0x0  }
0x3a: {  	s15 =	simm.s32 $0x100;
	[sflag:s24] =	ssyncadd.s32 $0xFFFFC000  }
0x3b: {  	[tilespmem:s19], [sflag:$0x1] =	stream.indirect.gather [hbm4b:s3+s18], $0x80, s15, s18, $0xb8;
	[tilespmem:$0x16200] =	vst v63  }
0x3c: {  	s22 =	simm.s32 $0x3200  }
0x3d: {  	[tilespmem:s20], [sflag:$0x1] =	stream.indirect.gather [hbm4b:s3+s18], $0x80, s22, s18, $0xb8;
	[tilespmem:$0x16200] =	vst v63  }
0x3e: {  	_ =	swait.ge [sflag:s17], $0x4000  }
0x3f: {  	[sflag:s17] =	ssyncset.done $0x0  }
0x40: {  	[sflag:s17] =	ssyncadd.s32 $0xFFFFC000  }
0x41: {  	_ =	swait.ge [sflag:s17], $0x4000  }
0x42: {  	s0 =	sshrl.u32 s13, $0x3;
	[sflag:s17] =	ssyncset.done $0x0  }
0x43: {  	s28 =	sadd.s32 s4, s0;
	[sflag:s17] =	ssyncadd.s32 $0xFFFFC000  }
0x44: {  	[hbm4b:s28+s2] =	stream.linear.scatter [tilespmem:s19], [sflag:$0x2], $0x4000, $0x38;
	[tilespmem:$0x16200] =	vst v63  }
0x45: {  	s15 =	sadd.s32 s5, s0  }
0x46: {  	[hbm4b:s15+s2] =	stream.linear.scatter [tilespmem:s20], [sflag:$0x2], $0x4000, $0x38;
	[tilespmem:$0x16200] =	vst v63  }
0x47: {  	_ =	swait.ge [sflag:s25], $0x4000  }
0x48: {  	[sflag:s25] =	ssyncset.done $0x0  }
0x49: {  	[sflag:s25] =	ssyncadd.s32 $0xFFFFC000  }
0x4a: {  	_ =	swait.ge [sflag:s25], $0x4000  }
0x4b: {  	[sflag:s25] =	ssyncset.done $0x0  }
0x4c: {  	s6 =	simm.s32 $0x180;
	[sflag:s25] =	ssyncadd.s32 $0xFFFFC000  }
0x4d: {  	[tilespmem:s21], [sflag:$0x1] =	stream.indirect.gather [hbm4b:s3+s18], $0x80, s6, s18, $0xb8;
	[tilespmem:$0x16200] =	vst v63  }
0x4e: {  	s22 =	simm.s32 $0x3280  }
0x4f: {  	[tilespmem:s23], [sflag:$0x1] =	stream.indirect.gather [hbm4b:s3+s18], $0x80, s22, s18, $0xb8;
	[tilespmem:$0x16200] =	vst v63  }
0x50: {  	_ =	swait.ge [sflag:s17], $0x4000  }
0x51: {  	[sflag:s17] =	ssyncset.done $0x0  }
0x52: {  	[sflag:s17] =	ssyncadd.s32 $0xFFFFC000  }
0x53: {  	s29 =	sadd.s32 $0x8000, s13;
	_ =	swait.ge [sflag:s17], $0x4000  }
0x54: {  	s30 =	sadd.s32 $0x1000, s14;
	s31 =	sadd.s32 $0x1000, s1;
	[sflag:s17] =	ssyncset.done $0x0  }
0x55: {  	s28 =	simm.s32 $0x400;
	s15 =	smov.u32 s1;
	[sflag:s17] =	ssyncadd.s32 $0xFFFFC000  }
0x56: {  	[hbm4b:s14+s2] =	stream.linear.scatter [tilespmem:s21], [sflag:$0x3], $0x4000, $0x38;
	[tilespmem:$0x16200] =	vst v63  }
.LBB2_2:
0x57: {  	[hbm4b:s15+s2] =	stream.linear.scatter [tilespmem:s23], [sflag:$0x3], $0x4000, $0x38;
	[tilespmem:$0x16200] =	vst v63  }
0x58: {  	s0 =	smov.u32 s28;
	s15 =	smov.u32 s31  }
0x59: {  	p0 =	sne.s32 s28, $0xBC00;
	s28 =	sadd.s32 $0x400, s28;
	_ =	swait.ge [sflag:s24], $0x4000  }
0x5a: {  	[sflag:s24] =	ssyncset.done $0x0  }
0x5b: {  	[sflag:s24] =	ssyncadd.s32 $0xFFFFC000  }
0x5c: {  	_ =	swait.ge [sflag:s24], $0x4000  }
0x5d: {  	s0 =	sshra.s32 s0, $0x2;
	[sflag:s24] =	ssyncset.done $0x0  }
0x5e: {  	s22 =	sadd.s32 $0x100, s0;
	[sflag:s24] =	ssyncadd.s32 $0xFFFFC000  }
0x5f: {  	[tilespmem:s19], [sflag:$0x1] =	stream.indirect.gather [hbm4b:s3+s18], $0x80, s22, s18, $0xb8;
	[tilespmem:$0x16200] =	vst v63  }
0x60: {  	s22 =	sadd.s32 $0x3200, s0  }
0x61: {  	[tilespmem:s20], [sflag:$0x1] =	stream.indirect.gather [hbm4b:s3+s18], $0x80, s22, s18, $0xb8;
	[tilespmem:$0x16200] =	vst v63  }
0x62: {  	_ =	swait.ge [sflag:s17], $0x4000  }
0x63: {  	[sflag:s17] =	ssyncset.done $0x0  }
0x64: {  	[sflag:s17] =	ssyncadd.s32 $0xFFFFC000  }
0x65: {  	_ =	swait.ge [sflag:s17], $0x4000  }
0x66: {  	s22 =	sshrl.u32 s29, $0x3;
	[sflag:s17] =	ssyncset.done $0x0  }
0x67: {  	s6 =	sadd.s32 s4, s22;
	[sflag:s17] =	ssyncadd.s32 $0xFFFFC000  }
0x68: {  	[hbm4b:s6+s2] =	stream.linear.scatter [tilespmem:s19], [sflag:$0x2], $0x4000, $0x38;
	[tilespmem:$0x16200] =	vst v63  }
0x69: {  	s6 =	sadd.s32 s5, s22  }
0x6a: {  	[hbm4b:s6+s2] =	stream.linear.scatter [tilespmem:s20], [sflag:$0x2], $0x4000, $0x38;
	[tilespmem:$0x16200] =	vst v63  }
0x6b: {  	_ =	swait.ge [sflag:s25], $0x4000  }
0x6c: {  	[sflag:s25] =	ssyncset.done $0x0  }
0x6d: {  	[sflag:s25] =	ssyncadd.s32 $0xFFFFC000  }
0x6e: {  	_ =	swait.ge [sflag:s25], $0x4000  }
0x6f: {  	[sflag:s25] =	ssyncset.done $0x0  }
0x70: {  	s6 =	sadd.s32 $0x180, s0;
	[sflag:s25] =	ssyncadd.s32 $0xFFFFC000  }
0x71: {  	[tilespmem:s21], [sflag:$0x1] =	stream.indirect.gather [hbm4b:s3+s18], $0x80, s6, s18, $0xb8;
	[tilespmem:$0x16200] =	vst v63  }
0x72: {  	s0 =	sadd.s32 $0x3280, s0  }
0x73: {  	[tilespmem:s23], [sflag:$0x1] =	stream.indirect.gather [hbm4b:s3+s18], $0x80, s0, s18, $0xb8;
	[tilespmem:$0x16200] =	vst v63  }
0x74: {  	_ =	swait.ge [sflag:s17], $0x4000  }
0x75: {  	[sflag:s17] =	ssyncset.done $0x0  }
0x76: {  	[sflag:s17] =	ssyncadd.s32 $0xFFFFC000  }
.Ltmp0:
0x77: {  	_ =	swait.ge [sflag:s17], $0x4000;
	(pc) =	sbr.rel @p0 .LBB2_2-.Ltmp0, $4  }
0x78: {  	[sflag:s17] =	ssyncset.done $0x0  }
0x79: {  	[sflag:s17] =	ssyncadd.s32 $0xFFFFC000  }
0x7a: {  	[hbm4b:s30+s2] =	stream.linear.scatter [tilespmem:s21], [sflag:$0x3], $0x4000, $0x38;
	[tilespmem:$0x16200] =	vst v63  }
0x7b: {  	s31 =	sadd.s32 $0x1000, s31;
	s29 =	sadd.s32 $0x8000, s29;
	s30 =	sadd.s32 $0x1000, s30  }
0x7c: {  	[hbm4b:s15+s2] =	stream.linear.scatter [tilespmem:s23], [sflag:$0x3], $0x4000, $0x38;
	[tilespmem:$0x16200] =	vst v63  }
0x7d: {  	_ =	swait.ge [sflag:s24], $0x4000  }
0x7e: {  	[sflag:s24] =	ssyncset.done $0x0  }
0x7f: {  	[sflag:s24] =	ssyncadd.s32 $0xFFFFC000  }
0x80: {  	_ =	swait.ge [sflag:s24], $0x4000  }
0x81: {  	[sflag:s24] =	ssyncset.done $0x0  }
0x82: {  	s26 =	sadd.s32 $0x1, s26;
	[sflag:s24] =	ssyncadd.s32 $0xFFFFC000  }
0x83: {  	p0 =	sne.s32 s26, s8;
	_ =	swait.ge [sflag:s25], $0x4000  }
.Ltmp1:
0x84: {  	[sflag:s25] =	ssyncset.done $0x0;
	(pc) =	sbr.rel @p0 .LBB2_1-.Ltmp1, $4  }
0x85: {  	[sflag:s25] =	ssyncadd.s32 $0xFFFFC000  }
0x86: {  	_ =	swait.ge [sflag:s25], $0x4000  }
0x87: {  	[sflag:s25] =	ssyncset.done $0x0  }
0x88: {  	[sflag:s25] =	ssyncadd.s32 $0xFFFFC000  }
0x89: {  	_ =	sfence.sel $0x180000  }
0x8a: {  	[bflag:$0x0] =	sbarrier.arrive $0xFFFF  }
0x8b: {  	_ =	strace $0x90000047  }
0x8c: {  	s0 =	stileid.u32;
	[bflag:$0x2] =	sbarrier.arrive $0xFFFF  }
0x8d: {  	p0 =	sne.s32 s0, $0x0;
	s0 =	rddreg [dreg:$0x1]  }
0x8e: {  	s0 =	sadd.s32 @!p0 $0x100000, s0  }
0x8f: {  	[sflag:s0] =	ssyncadd.tile.s32 @!p0 $0x1;
	_ =	shalt  }
.Lfunc_end2:
_tile_overlayer_lowered:
.L_overlay_start_2:
0x90: {  	(tag) =	ssettag $0x2  }
0x91: {  	s0 =	rddreg [dreg:$0x0];
	s2 =	stileid.u32  }
0x92: {  	s1 =	rddreg [dreg:$0x1];
	p0 =	sne.s32 s2, $0x0  }
0x93: {  	s3 =	rddreg [dreg:$0x2];
	[bflag:$0x3] =	sbarrier.arrive $0xFFFF;
	s2 =	simm.s32 @!p0 $0x1C04  }
0x94: {  	[timem:s3], [sflag:s2] =	dma.local @!p0 [hbm:s0], s1  }
0x95: {  	s0 =	simm.s32 @!p0 $0x4  }
0x96: {  	_ =	swait.ge @!p0 [sflag:s0], s1  }
0x97: {  	s1 =	ssub.s32 @!p0 $0x0, s1;
	[sflag:s0] =	ssyncset.done @!p0 $0x0  }
0x98: {  	[sflag:s0] =	ssyncadd.s32 @!p0 s1  }
0x99: {  	[bflag:$0x3] =	sbarrier.arrive $0xFFFF  }
0x9a: {  	_ =	shalt  }

// kernel: kernel.14.cloned.1.call-start
scs
__scs_entry_jumppad:
0x0: {  	(pc) =	sbr.rel $0x88, $3  }
0x1: {  	(tag) =	ssettag $0x0;
	lr =	simm.s32 $0x1  }
0x2: {  	[smem:$0x3F99] =	sst lr;
	_ =	strace $0xD0000000  }
0x3: {  	_ = 	snop  }
0x4: {  	_ = 	snop  }
0x5: {  	_ = 	snop  }
0x6: {  	_ = 	snop  }
0x7: {  	_ = 	snop  }
__scs_overlays_trampoline_lowered:
0x8: {  	[smem:$0x3FA8] =	sst s0  }
0x9: {  	[smem:$0x3FA9] =	sst s1  }
0xa: {  	[smem:$0x3FAA] =	sst s2  }
0xb: {  	[smem:$0x3FAB] =	sst s3  }
0xc: {  	[smem:$0x3FAC] =	sst s4  }
0xd: {  	[smem:$0x3FAD] =	sst s5  }
0xe: {  	[smem:$0x3FAE] =	sst s6  }
0xf: {  	[smem:$0x3FAF] =	sst s7  }
0x10: {  	[smem:$0x3FB0] =	sst s8  }
0x11: {  	[smem:$0x3FB1] =	sst s9;
	s0 =	simm.s32 @!p0 $0x0  }
0x12: {  	s1 =	sld [smem:$0x3F97];
	s0 =	simm.s32 @p0 $0x1  }
0x13: {  	[smem:$0x3FB2] =	sst s0;
	s0 =	simm.s32 @!p1 $0x0  }
0x14: {  	s2 =	sld [smem:$0x3F96];
	s0 =	simm.s32 @p1 $0x1  }
0x15: {  	[smem:$0x3FB3] =	sst s0;
	s0 =	simm.s32 @!p2 $0x0  }
0x16: {  	s3 =	sld [smem:$0x3FDB];
	s0 =	simm.s32 @p2 $0x1  }
0x17: {  	s4 =	simm.s32 $0x1BF5;
	[smem:$0x3FB5] =	sst s0  }
0x18: {  	s0 =	sld [smem:$0x3F98];
	_ =	swait.ge [sflag:s4], $0x0  }
0x19: {  	s7 =	sld [smem:$0x3F99]  }
0x1a: {  	s8 =	sadd.s32 $0xFFFFE003, lr  }
0x1b: {  	s9 =	sadd.s32 $0xFFFFFEF7, lr;
	s5 =	simm.s32 $0xFFFFFFFF;
	p2 =	slt.u32 s8, $0xFFFFF086  }
0x1c: {  	p1 =	slt.u32 s9, $0xF7A;
	s5 =	simm.s32 @!p2 $0x0  }
0x1d: {  	s5 =	simm.s32 @p1 $0x1;
	p0 =	seq.s32 s7, s2  }
0x1e: {  	s7 =	smul.u32 @!p0 $0xF7A, s2;
	p2 =	seq.s32 @!p0 s5, $0x0  }
0x1f: {  	s9 =	smul.u32 $0xF7A, s1;
	s8 =	simm.s32 @!p0 $0x1BF5;
	p2 =	por !p2, p0  }
0x20: {  	[sflag:s8] =	ssyncset.s32 @!p0 $0xFFFFF086;
	s6 =	sadd.s32 @!p0 s3, s7;
	s7 =	simm.s32 @!p0 $0x108  }
0x21: {  	s3 =	sadd.s32 s3, s9;
	s6 =	sadd.s32 @!p0 $0x88, s6;
	s7 =	simm.s32 @p2 $0x1082  }
0x22: {  	[simem:s7], [sflag:s8] =	dma.local @!p0 [hbm:s6], $0xF7A  }
0x23: {  	s9 =	sor.u32 $0xD0000000, s2;
	s6 =	simm.s32 $0x108;
	_ =	swait.ge @!p0 [sflag:s8], $0x0  }
0x24: {  	s3 =	sadd.s32 $0x88, s3;
	s6 =	simm.s32 @!p1 $0x1082;
	[sflag:s4] =	ssyncset.s32 $0xFFFFF086  }
0x25: {  	[simem:s6], [sflag:s4] =	dma.local [hbm:s3], $0xF7A  }
0x26: {  	[smem:$0x3F99] =	sst s1;
	(tag) =	ssettag s2;
	_ =	strace s9  }
0x27: {  	s1 =	sld [smem:$0x3FA9]  }
0x28: {  	s2 =	sld [smem:$0x3FAA]  }
0x29: {  	s4 =	sld [smem:$0x3FAC]  }
0x2a: {  	p0 =	seq.s32 s5, $0x0;
	s5 =	sld [smem:$0x3FAD]  }
0x2b: {  	s6 =	sld [smem:$0x3FAE]  }
0x2c: {  	s7 =	sld [smem:$0x3FAF]  }
0x2d: {  	s3 =	simm.s32 $0x108;
	s8 =	sld [smem:$0x3FB0]  }
0x2e: {  	s3 =	simm.s32 @!p0 $0x1082;
	s9 =	sld [smem:$0x3FB1]  }
0x2f: {  	lr =	sadd.s32 s0, s3;
	s0 =	sld [smem:$0x3FA8]  }
0x30: {  	s3 =	sld [smem:$0x3FAB]  }
0x31: {  	[smem:$0x3FB4] =	sst s10  }
0x32: {  	s10 =	sld [smem:$0x3FB2];
	_ =	sdelay $0x3  }
0x33: {  	p0 =	seq.s32 s10, $0x1;
	s10 =	sld [smem:$0x3FB4];
	_ =	sdelay $0x3  }
0x34: {  	[smem:$0x3FB4] =	sst s10  }
0x35: {  	s10 =	sld [smem:$0x3FB3];
	_ =	sdelay $0x3  }
0x36: {  	p1 =	seq.s32 s10, $0x1;
	s10 =	sld [smem:$0x3FB4];
	_ =	sdelay $0x3  }
0x37: {  	[smem:$0x3FB4] =	sst s10  }
0x38: {  	s10 =	sld [smem:$0x3FB5]  }
0x39: {  	_ = 	snop;
	(pc) =	sbr.ind lr, $3  }
0x3a: {  	_ = 	snop  }
0x3b: {  	_ = 	snop  }
0x3c: {  	p2 =	seq.s32 s10, $0x1;
	s10 =	sld [smem:$0x3FB4]  }
0x3d: {  	_ =	shalt  }
0x3e: {  	_ =	shalt  }
0x3f: {  	_ =	shalt  }
0x40: {  	_ =	shalt  }
0x41: {  	_ =	shalt  }
0x42: {  	_ =	shalt  }
0x43: {  	_ =	shalt  }
0x44: {  	_ =	shalt  }
0x45: {  	_ =	shalt  }
0x46: {  	_ =	shalt  }
0x47: {  	_ =	shalt  }
0x48: {  	_ =	shalt  }
0x49: {  	_ =	shalt  }
0x4a: {  	_ =	shalt  }
0x4b: {  	_ =	shalt  }
0x4c: {  	_ =	shalt  }
0x4d: {  	_ =	shalt  }
0x4e: {  	_ =	shalt  }
0x4f: {  	_ =	shalt  }
0x50: {  	_ =	shalt  }
0x51: {  	_ =	shalt  }
0x52: {  	_ =	shalt  }
0x53: {  	_ =	shalt  }
0x54: {  	_ =	shalt  }
0x55: {  	_ =	shalt  }
0x56: {  	_ =	shalt  }
0x57: {  	_ =	shalt  }
0x58: {  	_ =	shalt  }
0x59: {  	_ =	shalt  }
0x5a: {  	_ =	shalt  }
0x5b: {  	_ =	shalt  }
0x5c: {  	_ =	shalt  }
0x5d: {  	_ =	shalt  }
0x5e: {  	_ =	shalt  }
0x5f: {  	_ =	shalt  }
0x60: {  	_ =	shalt  }
0x61: {  	_ =	shalt  }
0x62: {  	_ =	shalt  }
0x63: {  	_ =	shalt  }
0x64: {  	_ =	shalt  }
0x65: {  	_ =	shalt  }
0x66: {  	_ =	shalt  }
0x67: {  	_ =	shalt  }
0x68: {  	_ =	shalt  }
0x69: {  	_ =	shalt  }
0x6a: {  	_ =	shalt  }
0x6b: {  	_ =	shalt  }
0x6c: {  	_ =	shalt  }
0x6d: {  	_ =	shalt  }
0x6e: {  	_ =	shalt  }
0x6f: {  	_ =	shalt  }
0x70: {  	_ =	shalt  }
0x71: {  	_ =	shalt  }
0x72: {  	_ =	shalt  }
0x73: {  	_ =	shalt  }
0x74: {  	_ =	shalt  }
0x75: {  	_ =	shalt  }
0x76: {  	_ =	shalt  }
0x77: {  	_ =	shalt  }
0x78: {  	_ =	shalt  }
0x79: {  	_ =	shalt  }
0x7a: {  	_ =	shalt  }
0x7b: {  	_ =	shalt  }
0x7c: {  	_ =	shalt  }
0x7d: {  	_ =	shalt  }
0x7e: {  	_ =	shalt  }
0x7f: {  	_ =	shalt  }
0x80: {  	_ =	shalt  }
0x81: {  	_ =	shalt  }
0x82: {  	_ =	shalt  }
0x83: {  	_ =	shalt  }
0x84: {  	_ =	shalt  }
0x85: {  	_ =	shalt  }
0x86: {  	_ =	shalt  }
0x87: {  	_ =	shalt  }
.Lfunc_end0:
.L_simem_size_0:
called_computation.2_lowered:
.L_overlay_start_0:
0x88: {  	s2 =	sld [smem:$0x3FD9]  }
0x89: {  	s3 =	sld [smem:$0x3FFE];
	_ =	sdelay $0x1  }
0x8a: {  	s1 =	srdreg.scid  }
0x8b: {  	s0 =	sand.u32 $0x1, s1  }
0x8c: {  	s17 =	sshll.u32 s0, $0xA;
	s2 =	sadd.s32 s3, s2  }
0x8d: {  	s2 =	sadd.s32 s2, s17  }
0x8e: {  	[smem:$0x3FC0] =	sst s2  }
0x8f: {  	_ = 	snop  }
0x90: {  	s2 =	sld [smem:$0x3FD0];
	(tm) =	ssettm $0x1  }
0x91: {  	s18 =	sld [smem:$0x3FFB];
	_ =	sdelay $0x3  }
0x92: {  	_ =	strace s18  }
0x93: {  	s3 =	sld [smem:$0x3FFC];
	_ =	sdelay $0x3  }
0x94: {  	_ =	strace s3  }
0x95: {  	s3 =	sld [smem:$0x3FFD];
	_ =	sdelay $0x3  }
0x96: {  	_ =	strace s3  }
0x97: {  	_ =	strace $0x8FFFFFFF  }
0x98: {  	s19 =	sld [smem:$0x3FDB];
	_ =	sdelay $0x1  }
0x99: {  	s4 =	simm.s32 $_scs_section_size  }
0x9a: {  	s5 =	simm.s32 $_size__tile_overlayer_lowered;
	s6 =	simm.s32 $_tile_overlayer_lowered  }
0x9b: {  	s22 =	simm.s32 $0x1BFF;
	s21 =	sshll.u32 s6, $0x1;
	s3 =	sadd.s32 s4, s19  }
0x9c: {  	s7 =	simm.s32 $0x0;
	s20 =	sshll.u32 s5, $0x1;
	s5 =	sadd.s32 s21, s3  }
0x9d: {  	[timem:s7], [sflag:s22] =	dma.local [hbm:s5], s20  }
0x9e: {  	_ =	swait.ge [sflag:s22], s20  }
0x9f: {  	s4 =	ssub.s32 $0x0, s20;
	[sflag:s22] =	ssyncset.done $0x0  }
0xa0: {  	[sflag:s22] =	ssyncadd.s32 s4;
	_ =	sdelay $0x1  }
0xa1: {  	s23 =	simm.s32 $0x1B8B  }
0xa2: {  	_ =	swait.ge [sflag:s23], $0x1  }
0xa3: {  	[sflag:s23] =	ssyncset.done $0x0  }
0xa4: {  	s25 =	simm.s32 $0x1B8E;
	s24 =	sld [smem:$0x3FFE];
	[sflag:s23] =	ssyncadd.s32 $0xFFFFFFFF  }
0xa5: {  	s26 =	simm.s32 $execute0_lowered;
	[smem:$0x3FD2] =	sst s25  }
0xa6: {  	s5 =	sshll.u32 s26, $0x1;
	_ =	strace $0x8000004C;
	[dreg:$0x1] =	wrdreg $0xFFFFFFFF  }
0xa7: {  	s28 =	simm.s32 $_size_execute0_lowered;
	s3 =	sadd.s32 s3, s5;
	[dreg:$0x0] =	wrdreg $0x0  }
0xa8: {  	s5 =	sshll.u32 s28, $0x1;
	[dreg:$0x2] =	wrdreg s3  }
0xa9: {  	[dreg:$0x3] =	wrdreg s5  }
0xaa: {  	[dreg:$0x4] =	wrdreg $0xC0  }
0xab: {  	_ =	task [dreg:s7], $0x5FFFF  }
0xac: {  	[dreg:$0x1] =	wrdreg $0xFFFFFFFF  }
0xad: {  	[dreg:$0x0] =	wrdreg $0x60  }
0xae: {  	[dreg:$0x2] =	wrdreg s24  }
0xaf: {  	[dreg:$0x3] =	wrdreg s2  }
0xb0: {  	[dreg:$0x4] =	wrdreg $0x41000  }
0xb1: {  	[dreg:$0x5] =	wrdreg $0x9  }
0xb2: {  	_ =	task.clear_ibuf [dreg:s7], $0x6FFFF;
	_ =	strace $0x9000004C  }
0xb3: {  	s29 =	simm.s32 $0x9;
	_ =	strace $0x8000004E  }
0xb4: {  	_ =	swait.ge [sflag:s29], $0x1  }
0xb5: {  	[sflag:s29] =	ssyncadd.s32 $0xFFFFFFFF  }
0xb6: {  	_ =	strace $0x9000004E  }
0xb7: {  	_ =	sfence  }
0xb8: {  	s30 =	sld [smem:$0x0];
	_ =	sdelay $0x2  }
0xb9: {  	s31 =	sshll.u32 s1, $0xD;
	s1 =	sshrl.u32 s1, $0x2  }
0xba: {  	s3 =	sand.u32 $0x4000, s31;
	s1 =	sadd.s32 s1, s30  }
0xbb: {  	s0 =	sor.u32 s3, s0;
	s1 =	sshll.u32 s1, $0x11  }
0xbc: {  	s0 =	sor.u32 s1, s0  }
0xbd: {  	s0 =	sadd.s32 $0x8F2B, s0  }
0xbe: {  	[sflag:s0] =	ssyncadd.remote.s32 $0x1  }
0xbf: {  	_ =	sfence.sel $0xFFFF  }
0xc0: {  	[dreg:$0x0] =	wrdreg $0xFFFFFFFF;
	(pc) =	sbr.abs _section_cstart, $3  }
0xc1: {  	[dreg:$0x1] =	wrdreg $0xFFFFFFFF  }
0xc2: {  	_ =	task.clear_ibuf [dreg:s7], $0x2FFFF;
	_ =	strace $0x9FFFFFFF  }
0xc3: {  	(tm) =	ssettm $0x7FFFFFFF  }
tec
execute0_lowered:
.L_overlay_start_1:
0x0: {  	(tag) =	ssettag $0x1  }
0x1: {  	s0 =	rddreg [dreg:$0x0]  }
0x2: {  	s12 =	rddreg [dreg:$0x1]  }
0x3: {  	s2 =	rddreg [dreg:$0x2];
	s1 =	stileid.u32;
	s3 =	simm.s32 $0x0  }
0x4: {  	s6 =	srdreg.scid;
	s18 =	simm.s32 $0x100;
	s4 =	smul.u32 $0x31000, s1  }
0x5: {  	s19 =	simm.s32 $0x1;
	s20 =	simm.s32 $0x80;
	s5 =	smul.u32 $0xC40, s1  }
0x6: {  	s21 =	simm.s32 $0x2;
	s22 =	simm.s32 $0x2100;
	s28 =	smul.u32 $0x70000, s1  }
0x7: {  	[smem:$0x7FF] =	sst s3;
	s9 =	sand.u32 $0x1, s6;
	s10 =	smul.u32 $0x61B, s1  }
0x8: {  	s15 =	smul.u32 $0x61B00, s1;
	s25 =	sadd.s32 $0x16E540, s2;
	p0 =	sgt.u32 s1, $0xD  }
0x9: {  	p1 =	seq.s32 s1, $0xF;
	_ =	strace $0x8000004D;
	s23 =	smul.u32 $0x61A8, s9  }
0xa: {  	s29 =	ssub.s32 $0x2, s9;
	s11 =	smul.u32 $0x186A00, s9;
	s16 =	sadd.s32 s4, s0  }
0xb: {  	s0 =	sadd.s32 s5, s0;
	s30 =	sshrl.u32 s29, $0x1;
	s6 =	sshrl.u32 s28, $0x2  }
0xc: {  	s31 =	sshrl.u32 s15, $0x2;
	s13 =	ssub.s32 s29, s30;
	s4 =	sadd.s32 s6, s2  }
0xd: {  	s14 =	sadd.s32 s10, s23;
	s17 =	sshrl.u32 s11, $0x3;
	s24 =	sadd.s32 s31, s2  }
0xe: {  	s15 =	sadd.s32 $0xF600, s0;
	v0 =	vmov s23;
	s23 =	sshrl.u32 @p1 s25, $0x3;
	s25 =	simm.s32 $0x0  }
0xf: {  	s5 =	sadd.s32 $0x4000, s4;
	s6 =	sadd.s32 $0x8000, s4;
	s7 =	sadd.s32 $0xC000, s4  }
0x10: {  	s8 =	sadd.s32 $0x10000, s4;
	s9 =	sadd.s32 $0x14000, s4;
	s10 =	sadd.s32 $0x18000, s4  }
0x11: {  	s14 =	sshll.u32 s14, $0x3;
	s13 =	smax.u32 s13, $0x1;
	s24 =	sshrl.u32 @!p1 s24, $0x3  }
0x12: {  	s11 =	sadd.s32 s12, s14;
	s12 =	sadd.s32 s12, s17;
	s14 =	sadd.s32 $0xAEAE00, s16  }
0x13: {  	v1 =	vimm.f32 $0.0e+00;
	s16 =	sadd.s32 $0x1BAE00, s16;
	s17 =	sadd.s32 $0x1BA00, s0;
	s12 =	sadd.s32 $0x2DCA8, s12  }
.LBB2_1:
0x14: {  	s26 =	simm.s32 $0x100;
	s0 =	simm.s32 $0x0  }
.LBB2_2:
0x15: {  	p2 =	sne.s32 s26, $0xFF00;
	[tilespmem:s0+$0x130] =	vst v1;
	s28 =	smov.u32 s26;
	s26 =	sadd.s32 $0x100, s26  }
.Ltmp0:
0x16: {  	[tilespmem:s0+$0x120] =	vst v1;
	(pc) =	sbr.rel @p2 .LBB2_2-.Ltmp0, $3  }
0x17: {  	[tilespmem:s0+$0x100] =	vst v1  }
0x18: {  	[tilespmem:s0+$0x110] =	vst v1;
	_ =	sdelay $0x1  }
0x19: {  	s0 =	sshra.s32 s28, $0x2  }
0x1a: {  	[tilespmem:s0+$0x130] =	vst v1  }
0x1b: {  	[tilespmem:s0+$0x120] =	vst v1  }
0x1c: {  	[tilespmem:s0+$0x100] =	vst v1  }
0x1d: {  	[tilespmem:s0+$0x110] =	vst v1;
	s0 =	simm.s32 @!p0 $0x100;
	s26 =	simm.s32 @!p0 $0x2  }
0x1e: {  	[spmem:s4] =	stream.linear.scatter @!p0 [tilespmem:s0], [sflag:$0x2], $0x4000, $0x38;
	[tilespmem:$0x1C920] =	vst v63  }
0x1f: {  	_ =	swait.ge @!p0 [sflag:s26], $0x4000  }
0x20: {  	[sflag:s26] =	ssyncset.done @!p0 $0x0  }
0x21: {  	[sflag:s26] =	ssyncadd.s32 @!p0 $0xFFFFC000  }
0x22: {  	[spmem:s5] =	stream.linear.scatter @!p0 [tilespmem:s0], [sflag:$0x2], $0x4000, $0x38;
	[tilespmem:$0x1C920] =	vst v63  }
0x23: {  	_ =	swait.ge @!p0 [sflag:s26], $0x4000  }
0x24: {  	[sflag:s26] =	ssyncset.done @!p0 $0x0  }
0x25: {  	[sflag:s26] =	ssyncadd.s32 @!p0 $0xFFFFC000  }
0x26: {  	[spmem:s6] =	stream.linear.scatter @!p0 [tilespmem:s0], [sflag:$0x2], $0x4000, $0x38;
	[tilespmem:$0x1C920] =	vst v63  }
0x27: {  	_ =	swait.ge @!p0 [sflag:s26], $0x4000  }
0x28: {  	[sflag:s26] =	ssyncset.done @!p0 $0x0  }
0x29: {  	[sflag:s26] =	ssyncadd.s32 @!p0 $0xFFFFC000  }
0x2a: {  	[spmem:s7] =	stream.linear.scatter @!p0 [tilespmem:s0], [sflag:$0x2], $0x4000, $0x38;
	[tilespmem:$0x1C920] =	vst v63  }
0x2b: {  	_ =	swait.ge @!p0 [sflag:s26], $0x4000  }
0x2c: {  	[sflag:s26] =	ssyncset.done @!p0 $0x0  }
0x2d: {  	[sflag:s26] =	ssyncadd.s32 @!p0 $0xFFFFC000  }
0x2e: {  	[spmem:s8] =	stream.linear.scatter @!p0 [tilespmem:s0], [sflag:$0x2], $0x4000, $0x38;
	[tilespmem:$0x1C920] =	vst v63  }
0x2f: {  	_ =	swait.ge @!p0 [sflag:s26], $0x4000  }
0x30: {  	[sflag:s26] =	ssyncset.done @!p0 $0x0  }
0x31: {  	[sflag:s26] =	ssyncadd.s32 @!p0 $0xFFFFC000  }
0x32: {  	[spmem:s9] =	stream.linear.scatter @!p0 [tilespmem:s0], [sflag:$0x2], $0x4000, $0x38;
	[tilespmem:$0x1C920] =	vst v63  }
0x33: {  	_ =	swait.ge @!p0 [sflag:s26], $0x4000  }
0x34: {  	[sflag:s26] =	ssyncset.done @!p0 $0x0  }
0x35: {  	[sflag:s26] =	ssyncadd.s32 @!p0 $0xFFFFC000  }
0x36: {  	[spmem:s10] =	stream.linear.scatter @!p0 [tilespmem:s0], [sflag:$0x2], $0x4000, $0x38;
	[tilespmem:$0x1C920] =	vst v63  }
0x37: {  	_ =	swait.ge @!p0 [sflag:s26], $0x4000  }
0x38: {  	[sflag:s26] =	ssyncset.done @!p0 $0x0  }
0x39: {  	[sflag:s26] =	ssyncadd.s32 @!p0 $0xFFFFC000  }
0x3a: {  	s28 =	simm.s32 $0x0;
	s26 =	sadd.s32 $0x0, s15;
	[bflag:$0x0] =	sbarrier.arrive $0xFFFF  }
0x3b: {  	[tilespmem:s28], [sflag:$0x1] =	stream.linear.gather [hbm4b:s26+s28], $0x100, $0x38;
	[tilespmem:$0x1C920] =	vst v63  }
0x3c: {  	_ = 	snop  }
0x3d: {  	[tilespmem:s18], [sflag:$0x1] =	stream.linear.gather [hbm4b:s14+s28], $0x4000, $0x38;
	[tilespmem:$0x1C920] =	vst v63  }
0x3e: {  	_ =	swait.ge [sflag:s19], $0x100  }
0x3f: {  	[sflag:s19] =	ssyncset.done $0x0  }
0x40: {  	[sflag:s19] =	ssyncadd.s32 $0xFFFFFF00  }
0x41: {  	_ =	swait.ge [sflag:s19], $0x4000  }
0x42: {  	[sflag:s19] =	ssyncset.done $0x0  }
0x43: {  	[sflag:s19] =	ssyncadd.s32 $0xFFFFC000  }
0x44: {  	v2 =	vld [tilespmem:$0xE0]  }
0x45: {  	v3 =	vld [tilespmem:$0xC0]  }
0x46: {  	v4 =	vld [tilespmem:$0x60]  }
0x47: {  	v5 =	vld [tilespmem:$0x10]  }
0x48: {  	v6 =	vld [tilespmem:$0x30]  }
0x49: {  	v7 =	vld [tilespmem:$0xD0]  }
0x4a: {  	v8 =	vld [tilespmem:$0x40]  }
0x4b: {  	v11 =	vld [tilespmem:$0xF0]  }
0x4c: {  	v13 =	vld [tilespmem:$0x50]  }
0x4d: {  	v46 =	vld [tilespmem:$0x0]  }
0x4e: {  	v15 =	vld [tilespmem:$0x20]  }
0x4f: {  	v17 =	vld [tilespmem:$0x70];
	v9 =	vsub.s32 v2, v0  }
0x50: {  	v20 =	vld [tilespmem:$0xB0];
	v2 =	vand.u32 $0x7, v2;
	v10 =	vsub.s32 v4, v0;
	v12 =	vand.u32 $0x7, v5  }
0x51: {  	v22 =	vld [tilespmem:$0x80];
	v4 =	vand.u32 $0x7, v4;
	v5 =	vsub.s32 v5, v0;
	v14 =	vsub.s32 v6, v0  }
0x52: {  	v48 =	vld [tilespmem:$0xA0];
	v6 =	vand.u32 $0x7, v6;
	v16 =	vand.u32 $0x7, v3;
	v18 =	vand.u32 $0x7, v7  }
0x53: {  	v56 =	vld [tilespmem:$0x90];
	v19 =	vsub.s32 v8, v0;
	v8 =	vand.u32 $0x7, v8;
	v7 =	vsub.s32 v7, v0  }
0x54: {  	v21 =	vsub.s32 v11, v0;
	v11 =	vand.u32 $0x7, v11;
	v23 =	vand.u32 $0x7, v13  }
0x55: {  	v24 =	vand.u32 $0x7, v46;
	v3 =	vsub.s32 v3, v0;
	v47 =	vsub.s32 v17, v0  }
0x56: {  	v25 =	vand.u32 $0x7, v20;
	v26 =	vsub.s32 v15, v0;
	v27 =	vsub.s32 v22, v0  }
0x57: {  	v13 =	vsub.s32 v13, v0;
	v49 =	vand.u32 $0x7, v15;
	v51 =	vsub.s32 v48, v0  }
0x58: {  	v59 =	vand.u32 $0x7, v17;
	v60 =	vsub.s32 v20, v0;
	v63 =	vsub.s32 v56, v0  }
0x59: {  	vm0 =	vlt.u32 v9, $0x61A8;
	v2 =	vor.u32 $0x6200, v2;
	vm1 =	vlt.u32 v5, $0x61A8  }
0x5a: {  	v4 =	vor.u32 $0x6200, v4;
	v12 =	vor.u32 $0x6200, v12;
	vm15 =	vlt.u32 v19, $0x61A8  }
0x5b: {  	vm5 =	vlt.u32 v10, $0x61A8;
	v24 =	vor.u32 $0x6200, v24;
	v2 =	vsel vm0, v9, v2  }
0x5c: {  	v8 =	vor.u32 $0x6200, v8;
	vm2 =	vlt.u32 v26, $0x61A8;
	v5 =	vsel vm1, v5, v12;
	[tilespmem:$0xE0] =	vst v2  }
0x5d: {  	vm3 =	vlt.u32 v3, $0x61A8;
	v16 =	vor.u32 $0x6200, v16;
	v4 =	vsel vm5, v10, v4;
	[tilespmem:$0x10] =	vst v5  }
0x5e: {  	vm9 =	vlt.u32 v14, $0x61A8;
	v54 =	vor.u32 $0x6200, v6;
	v3 =	vsel vm3, v3, v16;
	[tilespmem:$0x60] =	vst v4  }
0x5f: {  	vm6 =	vlt.u32 v47, $0x61A8;
	v50 =	vor.u32 $0x6200, v49;
	v55 =	vsel vm9, v14, v54;
	[tilespmem:$0xC0] =	vst v3  }
0x60: {  	vm7 =	vlt.u32 v51, $0x61A8;
	v10 =	vand.u32 $0x7, v48;
	v58 =	vsel vm15, v19, v8;
	[tilespmem:$0x30] =	vst v55  }
0x61: {  	vm8 =	vlt.u32 v7, $0x61A8;
	v3 =	vsel vm2, v26, v50;
	v52 =	vor.u32 $0x6200, v10;
	[tilespmem:$0x40] =	vst v58  }
0x62: {  	v53 =	vor.u32 $0x6200, v18;
	vm10 =	vlt.u32 v21, $0x61A8;
	[tilespmem:$0x20] =	vst v3;
	v3 =	vsel vm7, v51, v52  }
0x63: {  	vm13 =	vlt.u32 v60, $0x61A8;
	v61 =	vor.u32 $0x6200, v25;
	[tilespmem:$0xA0] =	vst v3;
	v3 =	vsel vm8, v7, v53  }
0x64: {  	v9 =	vsub.s32 v46, v0;
	v62 =	vsel vm13, v60, v61;
	[tilespmem:$0xD0] =	vst v3;
	v3 =	vor.u32 $0x6200, v11  }
0x65: {  	vm11 =	vlt.u32 v13, $0x61A8;
	vm12 =	vlt.u32 v9, $0x61A8;
	[tilespmem:$0xB0] =	vst v62;
	v3 =	vsel vm10, v21, v3  }
0x66: {  	v57 =	vor.u32 $0x6200, v23;
	vm14 =	vlt.u32 v27, $0x61A8;
	[tilespmem:$0xF0] =	vst v3;
	v3 =	vsel vm12, v9, v24  }
0x67: {  	v2 =	vand.u32 $0x7, v22;
	v4 =	vsel vm11, v13, v57;
	[tilespmem:$0x0] =	vst v3;
	v3 =	vor.u32 $0x6200, v59  }
0x68: {  	v5 =	vand.u32 $0x7, v56;
	v2 =	vor.u32 $0x6200, v2;
	[tilespmem:$0x50] =	vst v4;
	v3 =	vsel vm6, v47, v3  }
0x69: {  	vm15 =	vlt.u32 v63, $0x61A8;
	v2 =	vsel vm14, v27, v2;
	[tilespmem:$0x70] =	vst v3;
	v3 =	vor.u32 $0x6200, v5  }
0x6a: {  	[tilespmem:$0x80] =	vst v2;
	v2 =	vsel vm15, v63, v3  }
0x6b: {  	[tilespmem:$0x90] =	vst v2  }
0x6c: {  	[spmem:s2] =	stream.indirect.scatter.add.f32 [tilespmem:s18], [sflag:$0x2], $0x40, s28, s20, $0xb8;
	[tilespmem:$0x1C920] =	vst v63  }
0x6d: {  	_ =	swait.ge [sflag:s21], $0x2000  }
0x6e: {  	s29 =	sadd.s32 $0x800, s14;
	[sflag:s21] =	ssyncset.done $0x0  }
0x6f: {  	s30 =	simm.s32 $0x40;
	s31 =	smov.u32 s29;
	[sflag:s21] =	ssyncadd.s32 $0xFFFFE000  }
0x70: {  	[spmem:s2] =	stream.indirect.scatter.add.f32 [tilespmem:s22], [sflag:$0x2], $0x40, s20, s20, $0xb8;
	[tilespmem:$0x1C920] =	vst v63  }
0x71: {  	s0 =	simm.s32 $0x20;
	s26 =	simm.s32 $0x20;
	_ =	swait.ge [sflag:s21], $0x2000  }
.LBB2_4:
0x72: {  	p2 =	sne.s32 s30, $0xC20  }
0x73: {  	s29 =	sadd.s32 $0x800, s29;
	[sflag:s21] =	ssyncset.done $0x0;
	s1 =	smov.u32 s30  }
0x74: {  	s30 =	sadd.s32 $0x20, s30;
	s0 =	sadd.s32 s0, s15;
	[sflag:s21] =	ssyncadd.s32 $0xFFFFE000  }
0x75: {  	[tilespmem:s28], [sflag:$0x1] =	stream.linear.gather [hbm4b:s0+s28], $0x100, $0x38;
	[tilespmem:$0x1C920] =	vst v63  }
0x76: {  	s0 =	smov.u32 s1  }
0x77: {  	[tilespmem:s18], [sflag:$0x1] =	stream.linear.gather [hbm4b:s31+s28], $0x4000, $0x38;
	[tilespmem:$0x1C920] =	vst v63  }
0x78: {  	s31 =	smov.u32 s29;
	_ =	swait.ge [sflag:s19], $0x100  }
0x79: {  	[sflag:s19] =	ssyncset.done $0x0  }
0x7a: {  	[sflag:s19] =	ssyncadd.s32 $0xFFFFFF00  }
0x7b: {  	_ =	swait.ge [sflag:s19], $0x4000  }
0x7c: {  	[sflag:s19] =	ssyncset.done $0x0  }
0x7d: {  	[sflag:s19] =	ssyncadd.s32 $0xFFFFC000  }
0x7e: {  	v2 =	vld [tilespmem:$0x20]  }
0x7f: {  	v3 =	vld [tilespmem:$0xE0]  }
0x80: {  	v4 =	vld [tilespmem:$0xC0]  }
0x81: {  	v5 =	vld [tilespmem:$0x60]  }
0x82: {  	v6 =	vld [tilespmem:$0x10]  }
0x83: {  	v7 =	vld [tilespmem:$0x30]  }
0x84: {  	v8 =	vld [tilespmem:$0xD0]  }
0x85: {  	v10 =	vsub.s32 v3, v0;
	v3 =	vand.u32 $0x7, v3;
	v9 =	vld [tilespmem:$0x40]  }
0x86: {  	vm0 =	vlt.u32 v10, $0x61A8;
	v3 =	vor.u32 $0x6200, v3;
	v11 =	vsub.s32 v5, v0;
	v12 =	vld [tilespmem:$0xF0]  }
0x87: {  	v5 =	vand.u32 $0x7, v5;
	v3 =	vsel vm0, v10, v3;
	v13 =	vand.u32 $0x7, v6;
	v14 =	vld [tilespmem:$0x50]  }
0x88: {  	v6 =	vsub.s32 v6, v0;
	v10 =	vld [tilespmem:$0x0];
	v15 =	vsub.s32 v7, v0;
	v7 =	vand.u32 $0x7, v7;
	[tilespmem:$0xE0] =	vst v3  }
0x89: {  	v16 =	vand.u32 $0x7, v4;
	vm1 =	vlt.u32 v6, $0x61A8;
	v3 =	vld [tilespmem:$0x70];
	v17 =	vand.u32 $0x7, v8  }
0x8a: {  	v8 =	vsub.s32 v8, v0;
	v18 =	vsub.s32 v9, v0;
	v9 =	vand.u32 $0x7, v9;
	v19 =	vld [tilespmem:$0xB0]  }
0x8b: {  	v5 =	vor.u32 $0x6200, v5;
	v20 =	vld [tilespmem:$0x80];
	v21 =	vsub.s32 v12, v0;
	v12 =	vand.u32 $0x7, v12  }
0x8c: {  	v13 =	vor.u32 $0x6200, v13;
	vm0 =	vlt.u32 v18, $0x61A8;
	v22 =	vand.u32 $0x7, v14;
	v23 =	vld [tilespmem:$0x90]  }
0x8d: {  	v4 =	vsub.s32 v4, v0;
	v6 =	vsel vm1, v6, v13;
	v24 =	vand.u32 $0x7, v10  }
0x8e: {  	vm1 =	vlt.u32 v11, $0x61A8;
	v10 =	vsub.s32 v10, v0;
	v13 =	vsub.s32 v3, v0  }
0x8f: {  	v5 =	vsel vm1, v11, v5;
	v24 =	vor.u32 $0x6200, v24;
	[tilespmem:$0x10] =	vst v6;
	v6 =	vld [tilespmem:$0xA0];
	v11 =	vand.u32 $0x7, v19  }
0x90: {  	v25 =	vsub.s32 v2, v0;
	v9 =	vor.u32 $0x6200, v9;
	[tilespmem:$0x60] =	vst v5;
	v5 =	vsub.s32 v20, v0  }
0x91: {  	vm2 =	vlt.u32 v25, $0x61A8;
	v14 =	vsub.s32 v14, v0;
	v20 =	vand.u32 $0x7, v20  }
0x92: {  	vm3 =	vlt.u32 v4, $0x61A8;
	v16 =	vor.u32 $0x6200, v16;
	vm1 =	vlt.u32 v13, $0x61A8  }
0x93: {  	v2 =	vand.u32 $0x7, v2;
	v4 =	vsel vm3, v4, v16;
	v20 =	vor.u32 $0x6200, v20  }
0x94: {  	v2 =	vor.u32 $0x6200, v2;
	v16 =	vsub.s32 v6, v0;
	v6 =	vand.u32 $0x7, v6;
	[tilespmem:$0xC0] =	vst v4  }
0x95: {  	v2 =	vsel vm2, v25, v2;
	vm2 =	vlt.u32 v16, $0x61A8;
	v4 =	vor.u32 $0x6200, v6  }
0x96: {  	[tilespmem:$0x20] =	vst v2;
	v2 =	vsel vm2, v16, v4;
	vm2 =	vlt.u32 v8, $0x61A8;
	v4 =	vor.u32 $0x6200, v17  }
0x97: {  	vm3 =	vlt.u32 v15, $0x61A8;
	v6 =	vor.u32 $0x6200, v7;
	[tilespmem:$0xA0] =	vst v2;
	v2 =	vsel vm2, v8, v4  }
0x98: {  	v4 =	vsel vm3, v15, v6;
	vm2 =	vlt.u32 v21, $0x61A8;
	[tilespmem:$0xD0] =	vst v2;
	v2 =	vor.u32 $0x6200, v12  }
0x99: {  	vm3 =	vlt.u32 v14, $0x61A8;
	[tilespmem:$0x30] =	vst v4;
	v4 =	vor.u32 $0x6200, v22;
	v2 =	vsel vm2, v21, v2  }
0x9a: {  	v6 =	vsel vm0, v18, v9;
	vm2 =	vlt.u32 v10, $0x61A8;
	v4 =	vsel vm3, v14, v4;
	[tilespmem:$0xF0] =	vst v2  }
0x9b: {  	v3 =	vand.u32 $0x7, v3;
	v2 =	vsel vm2, v10, v24;
	[tilespmem:$0x40] =	vst v6;
	v6 =	vsub.s32 v19, v0  }
0x9c: {  	[tilespmem:$0x0] =	vst v2;
	v2 =	vor.u32 $0x6200, v3;
	vm0 =	vlt.u32 v6, $0x61A8;
	v3 =	vor.u32 $0x6200, v11  }
0x9d: {  	[tilespmem:$0x50] =	vst v4;
	v2 =	vsel vm1, v13, v2;
	vm1 =	vlt.u32 v5, $0x61A8;
	v3 =	vsel vm0, v6, v3  }
0x9e: {  	v6 =	vand.u32 $0x7, v23;
	v4 =	vsel vm1, v5, v20;
	v5 =	vsub.s32 v23, v0;
	[tilespmem:$0xB0] =	vst v3  }
0x9f: {  	[tilespmem:$0x70] =	vst v2;
	vm0 =	vlt.u32 v5, $0x61A8;
	v2 =	vor.u32 $0x6200, v6  }
0xa0: {  	[tilespmem:$0x80] =	vst v4;
	v2 =	vsel vm0, v5, v2  }
0xa1: {  	[tilespmem:$0x90] =	vst v2  }
0xa2: {  	[spmem:s2] =	stream.indirect.scatter.add.f32 [tilespmem:s18], [sflag:$0x2], $0x40, s28, s20, $0xb8;
	[tilespmem:$0x1C920] =	vst v63  }
.Ltmp1:
0xa3: {  	_ =	swait.ge [sflag:s21], $0x2000;
	(pc) =	sbr.rel @p2 .LBB2_4-.Ltmp1, $4  }
0xa4: {  	[sflag:s21] =	ssyncset.done $0x0  }
0xa5: {  	[sflag:s21] =	ssyncadd.s32 $0xFFFFE000  }
0xa6: {  	[spmem:s2] =	stream.indirect.scatter.add.f32 [tilespmem:s22], [sflag:$0x2], $0x40, s20, s20, $0xb8;
	[tilespmem:$0x1C920] =	vst v63  }
0xa7: {  	_ =	swait.ge [sflag:s21], $0x2000  }
0xa8: {  	[sflag:s21] =	ssyncset.done $0x0  }
0xa9: {  	s0 =	sadd.s32 s0, s15;
	[sflag:s21] =	ssyncadd.s32 $0xFFFFE000  }
0xaa: {  	[tilespmem:s28], [sflag:$0x1] =	stream.linear.gather [hbm4b:s0+s28], $0x100, $0x38;
	[tilespmem:$0x1C920] =	vst v63  }
0xab: {  	_ = 	snop  }
0xac: {  	[tilespmem:s18], [sflag:$0x1] =	stream.linear.gather [hbm4b:s31+s28], $0x4000, $0x38;
	[tilespmem:$0x1C920] =	vst v63  }
0xad: {  	_ =	swait.ge [sflag:s19], $0x100  }
0xae: {  	[sflag:s19] =	ssyncset.done $0x0  }
0xaf: {  	[sflag:s19] =	ssyncadd.s32 $0xFFFFFF00  }
0xb0: {  	_ =	swait.ge [sflag:s19], $0x4000  }
0xb1: {  	[sflag:s19] =	ssyncset.done $0x0  }
0xb2: {  	[sflag:s19] =	ssyncadd.s32 $0xFFFFC000  }
0xb3: {  	v2 =	vld [tilespmem:$0xE0]  }
0xb4: {  	v3 =	vld [tilespmem:$0xC0]  }
0xb5: {  	v4 =	vld [tilespmem:$0x60]  }
0xb6: {  	v5 =	vld [tilespmem:$0x10]  }
0xb7: {  	v6 =	vld [tilespmem:$0x30]  }
0xb8: {  	v7 =	vld [tilespmem:$0xD0]  }
0xb9: {  	v8 =	vld [tilespmem:$0x40]  }
0xba: {  	v11 =	vld [tilespmem:$0xF0]  }
0xbb: {  	v13 =	vld [tilespmem:$0x50]  }
0xbc: {  	v55 =	vld [tilespmem:$0x0]  }
0xbd: {  	v15 =	vld [tilespmem:$0x20]  }
0xbe: {  	v17 =	vld [tilespmem:$0x70];
	v9 =	vsub.s32 v2, v0  }
0xbf: {  	v20 =	vld [tilespmem:$0xB0];
	v2 =	vand.u32 $0x7, v2;
	v10 =	vsub.s32 v4, v0;
	v12 =	vand.u32 $0x7, v5  }
0xc0: {  	v22 =	vld [tilespmem:$0x80];
	v4 =	vand.u32 $0x7, v4;
	v5 =	vsub.s32 v5, v0;
	v14 =	vsub.s32 v6, v0  }
0xc1: {  	v57 =	vld [tilespmem:$0xA0];
	v6 =	vand.u32 $0x7, v6;
	v16 =	vand.u32 $0x7, v3;
	v18 =	vand.u32 $0x7, v7  }
0xc2: {  	v19 =	vsub.s32 v8, v0;
	v8 =	vand.u32 $0x7, v8;
	v7 =	vsub.s32 v7, v0  }
0xc3: {  	v21 =	vsub.s32 v11, v0;
	v11 =	vand.u32 $0x7, v11;
	v23 =	vand.u32 $0x7, v13  }
0xc4: {  	v24 =	vand.u32 $0x7, v55;
	v3 =	vsub.s32 v3, v0;
	v56 =	vsub.s32 v17, v0  }
0xc5: {  	v25 =	vand.u32 $0x7, v20;
	v26 =	vsub.s32 v15, v0;
	v27 =	vsub.s32 v22, v0  }
0xc6: {  	v13 =	vsub.s32 v13, v0;
	v58 =	vand.u32 $0x7, v15;
	v60 =	vsub.s32 v57, v0  }
0xc7: {  	v17 =	vand.u32 $0x7, v17;
	vm0 =	vlt.u32 v9, $0x61A8;
	v2 =	vor.u32 $0x6200, v2  }
0xc8: {  	vm1 =	vlt.u32 v5, $0x61A8;
	v4 =	vor.u32 $0x6200, v4;
	v12 =	vor.u32 $0x6200, v12  }
0xc9: {  	vm9 =	vlt.u32 v19, $0x61A8;
	vm10 =	vlt.u32 v10, $0x61A8;
	v24 =	vor.u32 $0x6200, v24  }
0xca: {  	v8 =	vor.u32 $0x6200, v8;
	vm2 =	vlt.u32 v26, $0x61A8;
	v2 =	vsel vm0, v9, v2  }
0xcb: {  	vm3 =	vlt.u32 v3, $0x61A8;
	v16 =	vor.u32 $0x6200, v16;
	v5 =	vsel vm1, v5, v12;
	[tilespmem:$0xE0] =	vst v2  }
0xcc: {  	vm11 =	vlt.u32 v56, $0x61A8;
	v59 =	vor.u32 $0x6200, v58;
	v4 =	vsel vm10, v10, v4;
	[tilespmem:$0x10] =	vst v5  }
0xcd: {  	vm12 =	vlt.u32 v60, $0x61A8;
	vm13 =	vlt.u32 v7, $0x61A8;
	v3 =	vsel vm3, v3, v16;
	[tilespmem:$0x60] =	vst v4  }
0xce: {  	v62 =	vor.u32 $0x6200, v18;
	vm14 =	vlt.u32 v14, $0x61A8;
	v16 =	vsel vm9, v19, v8;
	[tilespmem:$0xC0] =	vst v3  }
0xcf: {  	v63 =	vor.u32 $0x6200, v6;
	v10 =	vand.u32 $0x7, v57;
	v3 =	vsel vm2, v26, v59;
	[tilespmem:$0x40] =	vst v16  }
0xd0: {  	vm15 =	vlt.u32 v21, $0x61A8;
	v61 =	vor.u32 $0x6200, v10;
	v10 =	vsel vm14, v14, v63;
	[tilespmem:$0x20] =	vst v3  }
0xd1: {  	vm6 =	vlt.u32 v13, $0x61A8;
	v15 =	vor.u32 $0x6200, v23;
	v3 =	vsel vm12, v60, v61;
	[tilespmem:$0x30] =	vst v10  }
0xd2: {  	v18 =	vsub.s32 v20, v0;
	v9 =	vsub.s32 v55, v0;
	v14 =	vld [tilespmem:$0x90];
	[tilespmem:$0xA0] =	vst v3;
	v3 =	vsel vm13, v7, v62  }
0xd3: {  	vm8 =	vlt.u32 v18, $0x61A8;
	v4 =	vsel vm6, v13, v15;
	[tilespmem:$0xD0] =	vst v3;
	v3 =	vor.u32 $0x6200, v11  }
0xd4: {  	v19 =	vor.u32 $0x6200, v25;
	vm7 =	vlt.u32 v9, $0x61A8;
	[tilespmem:$0x50] =	vst v4;
	v3 =	vsel vm15, v21, v3  }
0xd5: {  	vm9 =	vlt.u32 v27, $0x61A8;
	v2 =	vand.u32 $0x7, v22;
	[tilespmem:$0xF0] =	vst v3;
	v3 =	vsel vm7, v9, v24  }
0xd6: {  	v20 =	vsel vm8, v18, v19;
	v2 =	vor.u32 $0x6200, v2;
	[tilespmem:$0x0] =	vst v3;
	v3 =	vor.u32 $0x6200, v17  }
0xd7: {  	[tilespmem:$0xB0] =	vst v20;
	v21 =	vsub.s32 v14, v0;
	v5 =	vand.u32 $0x7, v14;
	v3 =	vsel vm11, v56, v3  }
0xd8: {  	v2 =	vsel vm9, v27, v2;
	vm10 =	vlt.u32 v21, $0x61A8;
	[tilespmem:$0x70] =	vst v3;
	v3 =	vor.u32 $0x6200, v5  }
0xd9: {  	[tilespmem:$0x80] =	vst v2;
	v2 =	vsel vm10, v21, v3  }
0xda: {  	[tilespmem:$0x90] =	vst v2  }
0xdb: {  	[spmem:s2] =	stream.indirect.scatter.add.f32 [tilespmem:s18], [sflag:$0x2], $0x40, s28, s20, $0xb8;
	[tilespmem:$0x1C920] =	vst v63  }
0xdc: {  	_ =	swait.ge [sflag:s21], $0x2000  }
0xdd: {  	[sflag:s21] =	ssyncset.done $0x0  }
0xde: {  	[sflag:s21] =	ssyncadd.s32 $0xFFFFE000  }
0xdf: {  	[spmem:s2] =	stream.indirect.scatter.add.f32 [tilespmem:s22], [sflag:$0x2], $0x40, s20, s20, $0xb8;
	[tilespmem:$0x1C920] =	vst v63  }
0xe0: {  	_ =	swait.ge [sflag:s21], $0x2000  }
0xe1: {  	[sflag:s21] =	ssyncset.done $0x0  }
0xe2: {  	s31 =	sadd.s32 $0x0, s17;
	[sflag:s21] =	ssyncadd.s32 $0xFFFFE000  }
0xe3: {  	[tilespmem:s3], [sflag:$0x1] =	stream.linear.gather [hbm4b:s31+s3], $0x100, $0x38;
	[tilespmem:$0x1C920] =	vst v63  }
0xe4: {  	_ = 	snop  }
0xe5: {  	[tilespmem:s18], [sflag:$0x1] =	stream.linear.gather [hbm4b:s16+s3], $0x4000, $0x38;
	[tilespmem:$0x1C920] =	vst v63  }
0xe6: {  	_ =	swait.ge [sflag:s19], $0x100  }
0xe7: {  	[sflag:s19] =	ssyncset.done $0x0  }
0xe8: {  	[sflag:s19] =	ssyncadd.s32 $0xFFFFFF00  }
0xe9: {  	_ =	swait.ge [sflag:s19], $0x4000  }
0xea: {  	[sflag:s19] =	ssyncset.done $0x0  }
0xeb: {  	[sflag:s19] =	ssyncadd.s32 $0xFFFFC000  }
0xec: {  	v2 =	vld [tilespmem:$0xE0]  }
0xed: {  	v3 =	vld [tilespmem:$0xC0]  }
0xee: {  	v22 =	vld [tilespmem:$0x60]  }
0xef: {  	v23 =	vld [tilespmem:$0x10]  }
0xf0: {  	v24 =	vld [tilespmem:$0x30]  }
0xf1: {  	v25 =	vld [tilespmem:$0xD0]  }
0xf2: {  	v26 =	vld [tilespmem:$0x40]  }
0xf3: {  	v29 =	vld [tilespmem:$0xF0]  }
0xf4: {  	v31 =	vld [tilespmem:$0x50]  }
0xf5: {  	v32 =	vld [tilespmem:$0x0]  }
0xf6: {  	v34 =	vld [tilespmem:$0x20];
	v27 =	vsub.s32 v2, v0  }
0xf7: {  	v36 =	vld [tilespmem:$0x70];
	v2 =	vand.u32 $0x7, v2;
	v28 =	vsub.s32 v22, v0;
	v30 =	vand.u32 $0x7, v23  }
0xf8: {  	v39 =	vld [tilespmem:$0xB0];
	v4 =	vand.u32 $0x7, v22;
	v5 =	vsub.s32 v23, v0;
	v33 =	vsub.s32 v24, v0  }
0xf9: {  	v41 =	vld [tilespmem:$0x80];
	v6 =	vand.u32 $0x7, v24;
	v35 =	vand.u32 $0x7, v3;
	v37 =	vand.u32 $0x7, v25  }
0xfa: {  	v45 =	vld [tilespmem:$0xA0];
	v38 =	vsub.s32 v26, v0;
	v8 =	vand.u32 $0x7, v26;
	v7 =	vsub.s32 v25, v0  }
0xfb: {  	v56 =	vld [tilespmem:$0x90];
	v40 =	vsub.s32 v29, v0;
	v11 =	vand.u32 $0x7, v29;
	v42 =	vand.u32 $0x7, v31  }
0xfc: {  	v43 =	vand.u32 $0x7, v32;
	v3 =	vsub.s32 v3, v0;
	v9 =	vsub.s32 v32, v0  }
0xfd: {  	v44 =	vsub.s32 v36, v0;
	v46 =	vand.u32 $0x7, v39;
	v47 =	vsub.s32 v34, v0  }
0xfe: {  	v48 =	vsub.s32 v41, v0;
	v13 =	vsub.s32 v31, v0;
	v49 =	vand.u32 $0x7, v34  }
0xff: {  	v51 =	vsub.s32 v45, v0;
	v10 =	vand.u32 $0x7, v45;
	v59 =	vand.u32 $0x7, v36  }
0x100: {  	v60 =	vsub.s32 v39, v0;
	v63 =	vsub.s32 v56, v0;
	vm11 =	vlt.u32 v27, $0x61A8  }
0x101: {  	v2 =	vor.u32 $0x6200, v2;
	vm12 =	vlt.u32 v5, $0x61A8;
	v4 =	vor.u32 $0x6200, v4  }
0x102: {  	v12 =	vor.u32 $0x6200, v30;
	vm0 =	vlt.u32 v38, $0x61A8;
	v2 =	vsel vm11, v27, v2  }
0x103: {  	vm13 =	vlt.u32 v28, $0x61A8;
	v24 =	vor.u32 $0x6200, v43;
	v5 =	vsel vm12, v5, v12;
	[tilespmem:$0xE0] =	vst v2  }
0x104: {  	vm15 =	vlt.u32 v3, $0x61A8;
	v16 =	vor.u32 $0x6200, v35;
	v4 =	vsel vm13, v28, v4;
	[tilespmem:$0x10] =	vst v5  }
0x105: {  	vm9 =	vlt.u32 v33, $0x61A8;
	v54 =	vor.u32 $0x6200, v6;
	v3 =	vsel vm15, v3, v16;
	[tilespmem:$0x60] =	vst v4  }
0x106: {  	v8 =	vor.u32 $0x6200, v8;
	vm14 =	vlt.u32 v47, $0x61A8;
	v55 =	vsel vm9, v33, v54;
	[tilespmem:$0xC0] =	vst v3  }
0x107: {  	vm6 =	vlt.u32 v44, $0x61A8;
	v50 =	vor.u32 $0x6200, v49;
	v58 =	vsel vm0, v38, v8;
	[tilespmem:$0x30] =	vst v55  }
0x108: {  	vm7 =	vlt.u32 v51, $0x61A8;
	v52 =	vor.u32 $0x6200, v10;
	v3 =	vsel vm14, v47, v50;
	[tilespmem:$0x40] =	vst v58  }
0x109: {  	vm8 =	vlt.u32 v7, $0x61A8;
	v53 =	vor.u32 $0x6200, v37;
	[tilespmem:$0x20] =	vst v3;
	v3 =	vsel vm7, v51, v52  }
0x10a: {  	v57 =	vor.u32 $0x6200, v42;
	vm11 =	vlt.u32 v13, $0x61A8;
	[tilespmem:$0xA0] =	vst v3;
	v3 =	vsel vm8, v7, v53  }
0x10b: {  	vm10 =	vlt.u32 v40, $0x61A8;
	v4 =	vsel vm11, v13, v57;
	[tilespmem:$0xD0] =	vst v3;
	v3 =	vor.u32 $0x6200, v11  }
0x10c: {  	v61 =	vor.u32 $0x6200, v46;
	vm12 =	vlt.u32 v9, $0x61A8;
	[tilespmem:$0x50] =	vst v4;
	v3 =	vsel vm10, v40, v3  }
0x10d: {  	vm13 =	vlt.u32 v60, $0x61A8;
	v2 =	vand.u32 $0x7, v41;
	[tilespmem:$0xF0] =	vst v3;
	v3 =	vsel vm12, v9, v24  }
0x10e: {  	v62 =	vsel vm13, v60, v61;
	vm14 =	vlt.u32 v48, $0x61A8;
	[tilespmem:$0x0] =	vst v3;
	v3 =	vor.u32 $0x6200, v59  }
0x10f: {  	v5 =	vand.u32 $0x7, v56;
	v2 =	vor.u32 $0x6200, v2;
	[tilespmem:$0xB0] =	vst v62;
	v3 =	vsel vm6, v44, v3  }
0x110: {  	vm15 =	vlt.u32 v63, $0x61A8;
	v2 =	vsel vm14, v48, v2;
	[tilespmem:$0x70] =	vst v3;
	v3 =	vor.u32 $0x6200, v5  }
0x111: {  	[tilespmem:$0x80] =	vst v2;
	v2 =	vsel vm15, v63, v3  }
0x112: {  	[tilespmem:$0x90] =	vst v2  }
0x113: {  	[spmem:s2] =	stream.indirect.scatter.add.f32 [tilespmem:s18], [sflag:$0x2], $0x40, s3, s20, $0xb8;
	[tilespmem:$0x1C920] =	vst v63  }
0x114: {  	_ =	swait.ge [sflag:s21], $0x2000  }
0x115: {  	[sflag:s21] =	ssyncset.done $0x0  }
0x116: {  	s28 =	sadd.s32 $0x800, s16;
	[sflag:s21] =	ssyncadd.s32 $0xFFFFE000  }
0x117: {  	[spmem:s2] =	stream.indirect.scatter.add.f32 [tilespmem:s22], [sflag:$0x2], $0x40, s20, s20, $0xb8;
	[tilespmem:$0x1C920] =	vst v63  }
0x118: {  	s30 =	simm.s32 $0x40;
	s29 =	smov.u32 s28;
	_ =	swait.ge [sflag:s21], $0x2000  }
.LBB2_6:
0x119: {  	p2 =	sne.s32 s30, $0xC20  }
0x11a: {  	s28 =	sadd.s32 $0x800, s28;
	[sflag:s21] =	ssyncset.done $0x0;
	s0 =	smov.u32 s30  }
0x11b: {  	s30 =	sadd.s32 $0x20, s30;
	s1 =	sadd.s32 s26, s17;
	[sflag:s21] =	ssyncadd.s32 $0xFFFFE000  }
0x11c: {  	[tilespmem:s3], [sflag:$0x1] =	stream.linear.gather [hbm4b:s1+s3], $0x100, $0x38;
	[tilespmem:$0x1C920] =	vst v63  }
0x11d: {  	s26 =	smov.u32 s0  }
0x11e: {  	[tilespmem:s18], [sflag:$0x1] =	stream.linear.gather [hbm4b:s29+s3], $0x4000, $0x38;
	[tilespmem:$0x1C920] =	vst v63  }
0x11f: {  	s29 =	smov.u32 s28;
	_ =	swait.ge [sflag:s19], $0x100  }
0x120: {  	[sflag:s19] =	ssyncset.done $0x0  }
0x121: {  	[sflag:s19] =	ssyncadd.s32 $0xFFFFFF00  }
0x122: {  	_ =	swait.ge [sflag:s19], $0x4000  }
0x123: {  	[sflag:s19] =	ssyncset.done $0x0  }
0x124: {  	[sflag:s19] =	ssyncadd.s32 $0xFFFFC000  }
0x125: {  	v2 =	vld [tilespmem:$0x20]  }
0x126: {  	v3 =	vld [tilespmem:$0xE0]  }
0x127: {  	v4 =	vld [tilespmem:$0xC0]  }
0x128: {  	v5 =	vld [tilespmem:$0x60]  }
0x129: {  	v6 =	vld [tilespmem:$0x10]  }
0x12a: {  	v7 =	vld [tilespmem:$0x30]  }
0x12b: {  	v8 =	vld [tilespmem:$0xD0]  }
0x12c: {  	v10 =	vsub.s32 v3, v0;
	v3 =	vand.u32 $0x7, v3;
	v9 =	vld [tilespmem:$0x40]  }
0x12d: {  	vm0 =	vlt.u32 v10, $0x61A8;
	v3 =	vor.u32 $0x6200, v3;
	v11 =	vsub.s32 v5, v0;
	v12 =	vld [tilespmem:$0xF0]  }
0x12e: {  	v5 =	vand.u32 $0x7, v5;
	v3 =	vsel vm0, v10, v3;
	v13 =	vand.u32 $0x7, v6;
	v14 =	vld [tilespmem:$0x50]  }
0x12f: {  	v6 =	vsub.s32 v6, v0;
	v10 =	vld [tilespmem:$0x0];
	v15 =	vsub.s32 v7, v0;
	v7 =	vand.u32 $0x7, v7;
	[tilespmem:$0xE0] =	vst v3  }
0x130: {  	v16 =	vand.u32 $0x7, v4;
	vm1 =	vlt.u32 v6, $0x61A8;
	v3 =	vld [tilespmem:$0x70];
	v17 =	vand.u32 $0x7, v8  }
0x131: {  	v8 =	vsub.s32 v8, v0;
	v18 =	vsub.s32 v9, v0;
	v9 =	vand.u32 $0x7, v9;
	v19 =	vld [tilespmem:$0xB0]  }
0x132: {  	v5 =	vor.u32 $0x6200, v5;
	v20 =	vld [tilespmem:$0x80];
	v21 =	vsub.s32 v12, v0;
	v12 =	vand.u32 $0x7, v12  }
0x133: {  	v13 =	vor.u32 $0x6200, v13;
	vm0 =	vlt.u32 v18, $0x61A8;
	v22 =	vand.u32 $0x7, v14;
	v23 =	vld [tilespmem:$0x90]  }
0x134: {  	v4 =	vsub.s32 v4, v0;
	v6 =	vsel vm1, v6, v13;
	v24 =	vand.u32 $0x7, v10  }
0x135: {  	vm1 =	vlt.u32 v11, $0x61A8;
	v10 =	vsub.s32 v10, v0;
	v13 =	vsub.s32 v3, v0  }
0x136: {  	v5 =	vsel vm1, v11, v5;
	v24 =	vor.u32 $0x6200, v24;
	[tilespmem:$0x10] =	vst v6;
	v6 =	vld [tilespmem:$0xA0];
	v11 =	vand.u32 $0x7, v19  }
0x137: {  	v25 =	vsub.s32 v2, v0;
	v9 =	vor.u32 $0x6200, v9;
	[tilespmem:$0x60] =	vst v5;
	v5 =	vsub.s32 v20, v0  }
0x138: {  	vm2 =	vlt.u32 v25, $0x61A8;
	v14 =	vsub.s32 v14, v0;
	v20 =	vand.u32 $0x7, v20  }
0x139: {  	vm3 =	vlt.u32 v4, $0x61A8;
	v16 =	vor.u32 $0x6200, v16;
	vm1 =	vlt.u32 v13, $0x61A8  }
0x13a: {  	v2 =	vand.u32 $0x7, v2;
	v4 =	vsel vm3, v4, v16;
	v20 =	vor.u32 $0x6200, v20  }
0x13b: {  	v2 =	vor.u32 $0x6200, v2;
	v16 =	vsub.s32 v6, v0;
	v6 =	vand.u32 $0x7, v6;
	[tilespmem:$0xC0] =	vst v4  }
0x13c: {  	v2 =	vsel vm2, v25, v2;
	vm2 =	vlt.u32 v16, $0x61A8;
	v4 =	vor.u32 $0x6200, v6  }
0x13d: {  	[tilespmem:$0x20] =	vst v2;
	v2 =	vsel vm2, v16, v4;
	vm2 =	vlt.u32 v8, $0x61A8;
	v4 =	vor.u32 $0x6200, v17  }
0x13e: {  	vm3 =	vlt.u32 v15, $0x61A8;
	v6 =	vor.u32 $0x6200, v7;
	[tilespmem:$0xA0] =	vst v2;
	v2 =	vsel vm2, v8, v4  }
0x13f: {  	v4 =	vsel vm3, v15, v6;
	vm2 =	vlt.u32 v21, $0x61A8;
	[tilespmem:$0xD0] =	vst v2;
	v2 =	vor.u32 $0x6200, v12  }
0x140: {  	vm3 =	vlt.u32 v14, $0x61A8;
	[tilespmem:$0x30] =	vst v4;
	v4 =	vor.u32 $0x6200, v22;
	v2 =	vsel vm2, v21, v2  }
0x141: {  	v6 =	vsel vm0, v18, v9;
	vm2 =	vlt.u32 v10, $0x61A8;
	v4 =	vsel vm3, v14, v4;
	[tilespmem:$0xF0] =	vst v2  }
0x142: {  	v3 =	vand.u32 $0x7, v3;
	v2 =	vsel vm2, v10, v24;
	[tilespmem:$0x40] =	vst v6;
	v6 =	vsub.s32 v19, v0  }
0x143: {  	[tilespmem:$0x0] =	vst v2;
	v2 =	vor.u32 $0x6200, v3;
	vm0 =	vlt.u32 v6, $0x61A8;
	v3 =	vor.u32 $0x6200, v11  }
0x144: {  	[tilespmem:$0x50] =	vst v4;
	v2 =	vsel vm1, v13, v2;
	vm1 =	vlt.u32 v5, $0x61A8;
	v3 =	vsel vm0, v6, v3  }
0x145: {  	v6 =	vand.u32 $0x7, v23;
	v4 =	vsel vm1, v5, v20;
	v5 =	vsub.s32 v23, v0;
	[tilespmem:$0xB0] =	vst v3  }
0x146: {  	[tilespmem:$0x70] =	vst v2;
	vm0 =	vlt.u32 v5, $0x61A8;
	v2 =	vor.u32 $0x6200, v6  }
0x147: {  	[tilespmem:$0x80] =	vst v4;
	v2 =	vsel vm0, v5, v2  }
0x148: {  	[tilespmem:$0x90] =	vst v2  }
0x149: {  	[spmem:s2] =	stream.indirect.scatter.add.f32 [tilespmem:s18], [sflag:$0x2], $0x40, s3, s20, $0xb8;
	[tilespmem:$0x1C920] =	vst v63  }
.Ltmp2:
0x14a: {  	_ =	swait.ge [sflag:s21], $0x2000;
	(pc) =	sbr.rel @p2 .LBB2_6-.Ltmp2, $4  }
0x14b: {  	[sflag:s21] =	ssyncset.done $0x0  }
0x14c: {  	[sflag:s21] =	ssyncadd.s32 $0xFFFFE000  }
0x14d: {  	[spmem:s2] =	stream.indirect.scatter.add.f32 [tilespmem:s22], [sflag:$0x2], $0x40, s20, s20, $0xb8;
	[tilespmem:$0x1C920] =	vst v63  }
0x14e: {  	_ =	swait.ge [sflag:s21], $0x2000  }
0x14f: {  	[sflag:s21] =	ssyncset.done $0x0  }
0x150: {  	s0 =	sadd.s32 s26, s17;
	[sflag:s21] =	ssyncadd.s32 $0xFFFFE000  }
0x151: {  	[tilespmem:s3], [sflag:$0x1] =	stream.linear.gather [hbm4b:s0+s3], $0x100, $0x38;
	[tilespmem:$0x1C920] =	vst v63  }
0x152: {  	_ = 	snop  }
0x153: {  	[tilespmem:s18], [sflag:$0x1] =	stream.linear.gather [hbm4b:s29+s3], $0x4000, $0x38;
	[tilespmem:$0x1C920] =	vst v63  }
0x154: {  	_ =	swait.ge [sflag:s19], $0x100  }
0x155: {  	[sflag:s19] =	ssyncset.done $0x0  }
0x156: {  	[sflag:s19] =	ssyncadd.s32 $0xFFFFFF00  }
0x157: {  	_ =	swait.ge [sflag:s19], $0x4000  }
0x158: {  	[sflag:s19] =	ssyncset.done $0x0  }
0x159: {  	[sflag:s19] =	ssyncadd.s32 $0xFFFFC000  }
0x15a: {  	v2 =	vld [tilespmem:$0xE0]  }
0x15b: {  	v3 =	vld [tilespmem:$0xC0]  }
0x15c: {  	v4 =	vld [tilespmem:$0x60]  }
0x15d: {  	v5 =	vld [tilespmem:$0x10]  }
0x15e: {  	v6 =	vld [tilespmem:$0x30]  }
0x15f: {  	v7 =	vld [tilespmem:$0xD0]  }
0x160: {  	v8 =	vld [tilespmem:$0x40]  }
0x161: {  	v11 =	vld [tilespmem:$0xF0]  }
0x162: {  	v13 =	vld [tilespmem:$0x50]  }
0x163: {  	v46 =	vld [tilespmem:$0x0]  }
0x164: {  	v15 =	vld [tilespmem:$0x20]  }
0x165: {  	v17 =	vld [tilespmem:$0x70];
	v9 =	vsub.s32 v2, v0  }
0x166: {  	v20 =	vld [tilespmem:$0xB0];
	v2 =	vand.u32 $0x7, v2;
	v10 =	vsub.s32 v4, v0;
	v12 =	vand.u32 $0x7, v5  }
0x167: {  	v22 =	vld [tilespmem:$0x80];
	v4 =	vand.u32 $0x7, v4;
	v5 =	vsub.s32 v5, v0;
	v14 =	vsub.s32 v6, v0  }
0x168: {  	v48 =	vld [tilespmem:$0xA0];
	v6 =	vand.u32 $0x7, v6;
	v16 =	vand.u32 $0x7, v3;
	v18 =	vand.u32 $0x7, v7  }
0x169: {  	v56 =	vld [tilespmem:$0x90];
	v19 =	vsub.s32 v8, v0;
	v8 =	vand.u32 $0x7, v8;
	v7 =	vsub.s32 v7, v0  }
0x16a: {  	v21 =	vsub.s32 v11, v0;
	v11 =	vand.u32 $0x7, v11;
	v23 =	vand.u32 $0x7, v13  }
0x16b: {  	v24 =	vand.u32 $0x7, v46;
	v3 =	vsub.s32 v3, v0;
	v47 =	vsub.s32 v17, v0  }
0x16c: {  	v25 =	vand.u32 $0x7, v20;
	v26 =	vsub.s32 v15, v0;
	v27 =	vsub.s32 v22, v0  }
0x16d: {  	v13 =	vsub.s32 v13, v0;
	v49 =	vand.u32 $0x7, v15;
	v51 =	vsub.s32 v48, v0  }
0x16e: {  	v59 =	vand.u32 $0x7, v17;
	v60 =	vsub.s32 v20, v0;
	v63 =	vsub.s32 v56, v0  }
0x16f: {  	vm0 =	vlt.u32 v9, $0x61A8;
	v2 =	vor.u32 $0x6200, v2;
	vm1 =	vlt.u32 v5, $0x61A8  }
0x170: {  	v4 =	vor.u32 $0x6200, v4;
	v12 =	vor.u32 $0x6200, v12;
	vm15 =	vlt.u32 v19, $0x61A8  }
0x171: {  	vm5 =	vlt.u32 v10, $0x61A8;
	v24 =	vor.u32 $0x6200, v24;
	v2 =	vsel vm0, v9, v2  }
0x172: {  	v8 =	vor.u32 $0x6200, v8;
	vm2 =	vlt.u32 v26, $0x61A8;
	v5 =	vsel vm1, v5, v12;
	[tilespmem:$0xE0] =	vst v2  }
0x173: {  	vm3 =	vlt.u32 v3, $0x61A8;
	v16 =	vor.u32 $0x6200, v16;
	v4 =	vsel vm5, v10, v4;
	[tilespmem:$0x10] =	vst v5  }
0x174: {  	vm9 =	vlt.u32 v14, $0x61A8;
	v54 =	vor.u32 $0x6200, v6;
	v3 =	vsel vm3, v3, v16;
	[tilespmem:$0x60] =	vst v4  }
0x175: {  	vm6 =	vlt.u32 v47, $0x61A8;
	v50 =	vor.u32 $0x6200, v49;
	v55 =	vsel vm9, v14, v54;
	[tilespmem:$0xC0] =	vst v3  }
0x176: {  	vm7 =	vlt.u32 v51, $0x61A8;
	v10 =	vand.u32 $0x7, v48;
	v58 =	vsel vm15, v19, v8;
	[tilespmem:$0x30] =	vst v55  }
0x177: {  	vm8 =	vlt.u32 v7, $0x61A8;
	v3 =	vsel vm2, v26, v50;
	v52 =	vor.u32 $0x6200, v10;
	[tilespmem:$0x40] =	vst v58  }
0x178: {  	v53 =	vor.u32 $0x6200, v18;
	vm10 =	vlt.u32 v21, $0x61A8;
	[tilespmem:$0x20] =	vst v3;
	v3 =	vsel vm7, v51, v52  }
0x179: {  	vm13 =	vlt.u32 v60, $0x61A8;
	v61 =	vor.u32 $0x6200, v25;
	[tilespmem:$0xA0] =	vst v3;
	v3 =	vsel vm8, v7, v53  }
0x17a: {  	v9 =	vsub.s32 v46, v0;
	v62 =	vsel vm13, v60, v61;
	[tilespmem:$0xD0] =	vst v3;
	v3 =	vor.u32 $0x6200, v11  }
0x17b: {  	vm11 =	vlt.u32 v13, $0x61A8;
	vm12 =	vlt.u32 v9, $0x61A8;
	[tilespmem:$0xB0] =	vst v62;
	v3 =	vsel vm10, v21, v3  }
0x17c: {  	v57 =	vor.u32 $0x6200, v23;
	vm14 =	vlt.u32 v27, $0x61A8;
	[tilespmem:$0xF0] =	vst v3;
	v3 =	vsel vm12, v9, v24  }
0x17d: {  	v2 =	vand.u32 $0x7, v22;
	v4 =	vsel vm11, v13, v57;
	[tilespmem:$0x0] =	vst v3;
	v3 =	vor.u32 $0x6200, v59  }
0x17e: {  	v5 =	vand.u32 $0x7, v56;
	v2 =	vor.u32 $0x6200, v2;
	[tilespmem:$0x50] =	vst v4;
	v3 =	vsel vm6, v47, v3  }
0x17f: {  	vm15 =	vlt.u32 v63, $0x61A8;
	v2 =	vsel vm14, v27, v2;
	[tilespmem:$0x70] =	vst v3;
	v3 =	vor.u32 $0x6200, v5  }
0x180: {  	[tilespmem:$0x80] =	vst v2;
	v2 =	vsel vm15, v63, v3  }
0x181: {  	[tilespmem:$0x90] =	vst v2  }
0x182: {  	[spmem:s2] =	stream.indirect.scatter.add.f32 [tilespmem:s18], [sflag:$0x2], $0x40, s3, s20, $0xb8;
	[tilespmem:$0x1C920] =	vst v63  }
0x183: {  	_ =	swait.ge [sflag:s21], $0x2000  }
0x184: {  	[sflag:s21] =	ssyncset.done $0x0  }
0x185: {  	[sflag:s21] =	ssyncadd.s32 $0xFFFFE000  }
0x186: {  	[spmem:s2] =	stream.indirect.scatter.add.f32 [tilespmem:s22], [sflag:$0x2], $0x40, s20, s20, $0xb8;
	[tilespmem:$0x1C920] =	vst v63  }
0x187: {  	_ =	swait.ge [sflag:s21], $0x2000  }
0x188: {  	[sflag:s21] =	ssyncset.done $0x0  }
0x189: {  	[sflag:s21] =	ssyncadd.s32 $0xFFFFE000  }
0x18a: {  	s0 =	simm.s32 @p1 $0x1FC2;
	[bflag:$0x0] =	sbarrier.arrive $0xFFFF  }
0x18b: {  	[hbm:s12], [sflag:s0] =	dma.local @p1 [spmem:s23], $0x3098  }
0x18c: {  	s0 =	simm.s32 @p1 $0x2  }
0x18d: {  	s1 =	stileid.u32;
	_ =	swait.ge @p1 [sflag:s0], $0x3098  }
0x18e: {  	s25 =	sadd.s32 $0x1, s25;
	s1 =	sshll.u32 @!p1 s1, $0x6;
	[sflag:s0] =	ssyncset.done @p1 $0x0  }
0x18f: {  	p2 =	sne.s32 s25, s13;
	[sflag:s0] =	ssyncadd.s32 @p1 $0xFFFFCF68;
	s0 =	sor.u32 @!p1 $0x1C02, s1  }
0x190: {  	[hbm:s11], [sflag:s0] =	dma.local @!p1 [spmem:s24], $0x30D8  }
.Ltmp3:
0x191: {  	_ = 	snop;
	(pc) =	sbr.rel @p2 .LBB2_1-.Ltmp3, $4  }
0x192: {  	s0 =	simm.s32 @!p1 $0x2  }
0x193: {  	_ =	swait.ge @!p1 [sflag:s0], $0x30D8  }
0x194: {  	[sflag:s0] =	ssyncset.done @!p1 $0x0  }
0x195: {  	[sflag:s0] =	ssyncadd.s32 @!p1 $0xFFFFCF28  }
0x196: {  	_ =	sfence.sel $0x180000  }
0x197: {  	[bflag:$0x0] =	sbarrier.arrive $0xFFFF  }
0x198: {  	_ =	strace $0x9000004D  }
0x199: {  	s0 =	stileid.u32;
	[bflag:$0x2] =	sbarrier.arrive $0xFFFF  }
0x19a: {  	p0 =	sne.s32 s0, $0x0;
	s0 =	rddreg [dreg:$0x3]  }
0x19b: {  	s0 =	sadd.s32 @!p0 $0x100000, s0  }
0x19c: {  	[sflag:s0] =	ssyncadd.tile.s32 @!p0 $0x1;
	_ =	shalt  }
.Lfunc_end2:
_tile_overlayer_lowered:
.L_overlay_start_2:
0x19d: {  	(tag) =	ssettag $0x2  }
0x19e: {  	s0 =	rddreg [dreg:$0x0];
	s2 =	stileid.u32  }
0x19f: {  	s1 =	rddreg [dreg:$0x1];
	p0 =	sne.s32 s2, $0x0  }
0x1a0: {  	s3 =	rddreg [dreg:$0x2];
	[bflag:$0x3] =	sbarrier.arrive $0xFFFF;
	s2 =	simm.s32 @!p0 $0x1C02  }
0x1a1: {  	[timem:s3], [sflag:s2] =	dma.local @!p0 [hbm:s0], s1  }
0x1a2: {  	s0 =	simm.s32 @!p0 $0x2  }
0x1a3: {  	_ =	swait.ge @!p0 [sflag:s0], s1  }
0x1a4: {  	s1 =	ssub.s32 @!p0 $0x0, s1;
	[sflag:s0] =	ssyncset.done @!p0 $0x0  }
0x1a5: {  	[sflag:s0] =	ssyncadd.s32 @!p0 s1  }
0x1a6: {  	[bflag:$0x3] =	sbarrier.arrive $0xFFFF  }
0x1a7: {  	_ =	shalt  }

// kernel: kernel.8.cloned.1.call-start
scs
__scs_entry_jumppad:
0x0: {  	(pc) =	sbr.rel $0x88, $3  }
0x1: {  	(tag) =	ssettag $0x0;
	lr =	simm.s32 $0x1  }
0x2: {  	[smem:$0x3F99] =	sst lr;
	_ =	strace $0xD0000000  }
0x3: {  	_ = 	snop  }
0x4: {  	_ = 	snop  }
0x5: {  	_ = 	snop  }
0x6: {  	_ = 	snop  }
0x7: {  	_ = 	snop  }
__scs_overlays_trampoline_lowered:
0x8: {  	[smem:$0x3FA8] =	sst s0  }
0x9: {  	[smem:$0x3FA9] =	sst s1  }
0xa: {  	[smem:$0x3FAA] =	sst s2  }
0xb: {  	[smem:$0x3FAB] =	sst s3  }
0xc: {  	[smem:$0x3FAC] =	sst s4  }
0xd: {  	[smem:$0x3FAD] =	sst s5  }
0xe: {  	[smem:$0x3FAE] =	sst s6  }
0xf: {  	[smem:$0x3FAF] =	sst s7  }
0x10: {  	[smem:$0x3FB0] =	sst s8  }
0x11: {  	[smem:$0x3FB1] =	sst s9;
	s0 =	simm.s32 @!p0 $0x0  }
0x12: {  	s1 =	sld [smem:$0x3F97];
	s0 =	simm.s32 @p0 $0x1  }
0x13: {  	[smem:$0x3FB2] =	sst s0;
	s0 =	simm.s32 @!p1 $0x0  }
0x14: {  	s2 =	sld [smem:$0x3F96];
	s0 =	simm.s32 @p1 $0x1  }
0x15: {  	[smem:$0x3FB3] =	sst s0;
	s0 =	simm.s32 @!p2 $0x0  }
0x16: {  	s3 =	sld [smem:$0x3FDB];
	s0 =	simm.s32 @p2 $0x1  }
0x17: {  	s4 =	simm.s32 $0x1BF5;
	[smem:$0x3FB5] =	sst s0  }
0x18: {  	s0 =	sld [smem:$0x3F98];
	_ =	swait.ge [sflag:s4], $0x0  }
0x19: {  	s7 =	sld [smem:$0x3F99]  }
0x1a: {  	s8 =	sadd.s32 $0xFFFFE003, lr  }
0x1b: {  	s9 =	sadd.s32 $0xFFFFFEF7, lr;
	s5 =	simm.s32 $0xFFFFFFFF;
	p2 =	slt.u32 s8, $0xFFFFF086  }
0x1c: {  	p1 =	slt.u32 s9, $0xF7A;
	s5 =	simm.s32 @!p2 $0x0  }
0x1d: {  	s5 =	simm.s32 @p1 $0x1;
	p0 =	seq.s32 s7, s2  }
0x1e: {  	s7 =	smul.u32 @!p0 $0xF7A, s2;
	p2 =	seq.s32 @!p0 s5, $0x0  }
0x1f: {  	s9 =	smul.u32 $0xF7A, s1;
	s8 =	simm.s32 @!p0 $0x1BF5;
	p2 =	por !p2, p0  }
0x20: {  	[sflag:s8] =	ssyncset.s32 @!p0 $0xFFFFF086;
	s6 =	sadd.s32 @!p0 s3, s7;
	s7 =	simm.s32 @!p0 $0x108  }
0x21: {  	s3 =	sadd.s32 s3, s9;
	s6 =	sadd.s32 @!p0 $0x88, s6;
	s7 =	simm.s32 @p2 $0x1082  }
0x22: {  	[simem:s7], [sflag:s8] =	dma.local @!p0 [hbm:s6], $0xF7A  }
0x23: {  	s9 =	sor.u32 $0xD0000000, s2;
	s6 =	simm.s32 $0x108;
	_ =	swait.ge @!p0 [sflag:s8], $0x0  }
0x24: {  	s3 =	sadd.s32 $0x88, s3;
	s6 =	simm.s32 @!p1 $0x1082;
	[sflag:s4] =	ssyncset.s32 $0xFFFFF086  }
0x25: {  	[simem:s6], [sflag:s4] =	dma.local [hbm:s3], $0xF7A  }
0x26: {  	[smem:$0x3F99] =	sst s1;
	(tag) =	ssettag s2;
	_ =	strace s9  }
0x27: {  	s1 =	sld [smem:$0x3FA9]  }
0x28: {  	s2 =	sld [smem:$0x3FAA]  }
0x29: {  	s4 =	sld [smem:$0x3FAC]  }
0x2a: {  	p0 =	seq.s32 s5, $0x0;
	s5 =	sld [smem:$0x3FAD]  }
0x2b: {  	s6 =	sld [smem:$0x3FAE]  }
0x2c: {  	s7 =	sld [smem:$0x3FAF]  }
0x2d: {  	s3 =	simm.s32 $0x108;
	s8 =	sld [smem:$0x3FB0]  }
0x2e: {  	s3 =	simm.s32 @!p0 $0x1082;
	s9 =	sld [smem:$0x3FB1]  }
0x2f: {  	lr =	sadd.s32 s0, s3;
	s0 =	sld [smem:$0x3FA8]  }
0x30: {  	s3 =	sld [smem:$0x3FAB]  }
0x31: {  	[smem:$0x3FB4] =	sst s10  }
0x32: {  	s10 =	sld [smem:$0x3FB2];
	_ =	sdelay $0x3  }
0x33: {  	p0 =	seq.s32 s10, $0x1;
	s10 =	sld [smem:$0x3FB4];
	_ =	sdelay $0x3  }
0x34: {  	[smem:$0x3FB4] =	sst s10  }
0x35: {  	s10 =	sld [smem:$0x3FB3];
	_ =	sdelay $0x3  }
0x36: {  	p1 =	seq.s32 s10, $0x1;
	s10 =	sld [smem:$0x3FB4];
	_ =	sdelay $0x3  }
0x37: {  	[smem:$0x3FB4] =	sst s10  }
0x38: {  	s10 =	sld [smem:$0x3FB5]  }
0x39: {  	_ = 	snop;
	(pc) =	sbr.ind lr, $3  }
0x3a: {  	_ = 	snop  }
0x3b: {  	_ = 	snop  }
0x3c: {  	p2 =	seq.s32 s10, $0x1;
	s10 =	sld [smem:$0x3FB4]  }
0x3d: {  	_ =	shalt  }
0x3e: {  	_ =	shalt  }
0x3f: {  	_ =	shalt  }
0x40: {  	_ =	shalt  }
0x41: {  	_ =	shalt  }
0x42: {  	_ =	shalt  }
0x43: {  	_ =	shalt  }
0x44: {  	_ =	shalt  }
0x45: {  	_ =	shalt  }
0x46: {  	_ =	shalt  }
0x47: {  	_ =	shalt  }
0x48: {  	_ =	shalt  }
0x49: {  	_ =	shalt  }
0x4a: {  	_ =	shalt  }
0x4b: {  	_ =	shalt  }
0x4c: {  	_ =	shalt  }
0x4d: {  	_ =	shalt  }
0x4e: {  	_ =	shalt  }
0x4f: {  	_ =	shalt  }
0x50: {  	_ =	shalt  }
0x51: {  	_ =	shalt  }
0x52: {  	_ =	shalt  }
0x53: {  	_ =	shalt  }
0x54: {  	_ =	shalt  }
0x55: {  	_ =	shalt  }
0x56: {  	_ =	shalt  }
0x57: {  	_ =	shalt  }
0x58: {  	_ =	shalt  }
0x59: {  	_ =	shalt  }
0x5a: {  	_ =	shalt  }
0x5b: {  	_ =	shalt  }
0x5c: {  	_ =	shalt  }
0x5d: {  	_ =	shalt  }
0x5e: {  	_ =	shalt  }
0x5f: {  	_ =	shalt  }
0x60: {  	_ =	shalt  }
0x61: {  	_ =	shalt  }
0x62: {  	_ =	shalt  }
0x63: {  	_ =	shalt  }
0x64: {  	_ =	shalt  }
0x65: {  	_ =	shalt  }
0x66: {  	_ =	shalt  }
0x67: {  	_ =	shalt  }
0x68: {  	_ =	shalt  }
0x69: {  	_ =	shalt  }
0x6a: {  	_ =	shalt  }
0x6b: {  	_ =	shalt  }
0x6c: {  	_ =	shalt  }
0x6d: {  	_ =	shalt  }
0x6e: {  	_ =	shalt  }
0x6f: {  	_ =	shalt  }
0x70: {  	_ =	shalt  }
0x71: {  	_ =	shalt  }
0x72: {  	_ =	shalt  }
0x73: {  	_ =	shalt  }
0x74: {  	_ =	shalt  }
0x75: {  	_ =	shalt  }
0x76: {  	_ =	shalt  }
0x77: {  	_ =	shalt  }
0x78: {  	_ =	shalt  }
0x79: {  	_ =	shalt  }
0x7a: {  	_ =	shalt  }
0x7b: {  	_ =	shalt  }
0x7c: {  	_ =	shalt  }
0x7d: {  	_ =	shalt  }
0x7e: {  	_ =	shalt  }
0x7f: {  	_ =	shalt  }
0x80: {  	_ =	shalt  }
0x81: {  	_ =	shalt  }
0x82: {  	_ =	shalt  }
0x83: {  	_ =	shalt  }
0x84: {  	_ =	shalt  }
0x85: {  	_ =	shalt  }
0x86: {  	_ =	shalt  }
0x87: {  	_ =	shalt  }
.Lfunc_end0:
.L_simem_size_0:
called_computation_lowered:
.L_overlay_start_0:
0x88: {  	s2 =	sld [smem:$0x3FD9]  }
0x89: {  	s3 =	sld [smem:$0x3FFE];
	_ =	sdelay $0x1  }
0x8a: {  	s1 =	srdreg.scid  }
0x8b: {  	s0 =	sand.u32 $0x1, s1  }
0x8c: {  	s17 =	sshll.u32 s0, $0xA;
	s2 =	sadd.s32 s3, s2  }
0x8d: {  	s2 =	sadd.s32 s2, s17  }
0x8e: {  	[smem:$0x3FC0] =	sst s2  }
0x8f: {  	_ = 	snop  }
0x90: {  	s18 =	sld [smem:$0x3FD0];
	(tm) =	ssettm $0x1  }
0x91: {  	s19 =	sld [smem:$0x3FFB];
	_ =	sdelay $0x3  }
0x92: {  	_ =	strace s19  }
0x93: {  	s2 =	sld [smem:$0x3FFC];
	_ =	sdelay $0x3  }
0x94: {  	_ =	strace s2  }
0x95: {  	s2 =	sld [smem:$0x3FFD];
	_ =	sdelay $0x3  }
0x96: {  	_ =	strace s2  }
0x97: {  	_ =	strace $0x8FFFFFFF  }
0x98: {  	s20 =	sld [smem:$0x3FDB];
	_ =	sdelay $0x1  }
0x99: {  	s4 =	simm.s32 $_scs_section_size  }
0x9a: {  	s5 =	simm.s32 $_size__tile_overlayer_lowered;
	s6 =	simm.s32 $_tile_overlayer_lowered  }
0x9b: {  	s7 =	simm.s32 $0x1BFF;
	s21 =	sshll.u32 s6, $0x1;
	s4 =	sadd.s32 s4, s20  }
0x9c: {  	s22 =	simm.s32 $0x0;
	s5 =	sshll.u32 s5, $0x1;
	s6 =	sadd.s32 s21, s4  }
0x9d: {  	[timem:s22], [sflag:s7] =	dma.local [hbm:s6], s5  }
0x9e: {  	_ =	swait.ge [sflag:s7], s5  }
0x9f: {  	s5 =	ssub.s32 $0x0, s5;
	[sflag:s7] =	ssyncset.done $0x0  }
0xa0: {  	[sflag:s7] =	ssyncadd.s32 s5;
	_ =	sdelay $0x1  }
0xa1: {  	s23 =	simm.s32 $0x1B8B  }
0xa2: {  	_ =	swait.ge [sflag:s23], $0x1  }
0xa3: {  	[sflag:s23] =	ssyncset.done $0x0  }
0xa4: {  	[sflag:s23] =	ssyncadd.s32 $0xFFFFFFFF  }
0xa5: {  	s5 =	sld [smem:$0x0]  }
0xa6: {  	s6 =	sand.u32 $0xFFFFFFFE, s1  }
0xa7: {  	p0 =	sne.s32 s1, s6  }
0xa8: {  	s6 =	sshll.u32 @p0 s6, $0xE  }
0xa9: {  	s6 =	sadd.s32 @p0 $0x11B8D, s6;
	s7 =	sshll.u32 @p0 s5, $0x11  }
0xaa: {  	s6 =	sor.u32 @p0 s7, s6  }
0xab: {  	[sflag:s6] =	ssyncadd.remote.s32 @p0 $0x1;
	_ =	sdelay $0x1  }
0xac: {  	s6 =	simm.s32 @p0 $0x1B8D  }
0xad: {  	_ =	swait.eq @p0 [sflag:s6], $0x1  }
0xae: {  	[sflag:s6] =	ssyncadd.s32 @p0 $0xFFFFFFFF  }
0xaf: {  	s7 =	sshll.u32 @!p0 s1, $0xE  }
0xb0: {  	s7 =	sor.u32 @!p0 $0x4000, s7;
	s6 =	simm.s32 @!p0 $0x1B8D  }
0xb1: {  	s5 =	sshll.u32 @!p0 s5, $0x11;
	s7 =	sadd.s32 @!p0 $0x11B8D, s7;
	_ =	swait.eq @!p0 [sflag:s6], $0x1  }
0xb2: {  	s5 =	sor.u32 @!p0 s5, s7;
	[sflag:s6] =	ssyncadd.s32 @!p0 $0xFFFFFFFF  }
0xb3: {  	s25 =	simm.s32 $0x1B8E;
	s24 =	sld [smem:$0x3FFE];
	[sflag:s5] =	ssyncadd.remote.s32 @!p0 $0x1  }
0xb4: {  	s26 =	simm.s32 $execute0_lowered;
	[smem:$0x3FD2] =	sst s25  }
0xb5: {  	s6 =	sshll.u32 s26, $0x1;
	_ =	strace $0x80000049;
	[dreg:$0x1] =	wrdreg $0xFFFFFFFF  }
0xb6: {  	s28 =	simm.s32 $_size_execute0_lowered;
	s4 =	sadd.s32 s4, s6;
	[dreg:$0x0] =	wrdreg $0x0  }
0xb7: {  	s6 =	sshll.u32 s28, $0x1;
	[dreg:$0x2] =	wrdreg s4  }
0xb8: {  	[dreg:$0x3] =	wrdreg s6  }
0xb9: {  	[dreg:$0x4] =	wrdreg $0xC0  }
0xba: {  	_ =	task [dreg:s22], $0x5FFFF  }
0xbb: {  	[dreg:$0x1] =	wrdreg $0xFFFFFFFF  }
0xbc: {  	[dreg:$0x0] =	wrdreg $0x60  }
0xbd: {  	[dreg:$0x2] =	wrdreg s24  }
0xbe: {  	[dreg:$0x3] =	wrdreg s18  }
0xbf: {  	[dreg:$0x4] =	wrdreg $0x9  }
0xc0: {  	_ =	task.clear_ibuf [dreg:s22], $0x5FFFF;
	_ =	strace $0x90000049  }
0xc1: {  	s29 =	simm.s32 $0x9;
	_ =	strace $0x8000004B  }
0xc2: {  	_ =	swait.ge [sflag:s29], $0x1  }
0xc3: {  	[sflag:s29] =	ssyncadd.s32 $0xFFFFFFFF  }
0xc4: {  	_ =	strace $0x9000004B  }
0xc5: {  	_ =	sfence  }
0xc6: {  	s30 =	sld [smem:$0x0];
	_ =	sdelay $0x2  }
0xc7: {  	s31 =	sshll.u32 s1, $0xD;
	s1 =	sshrl.u32 s1, $0x2  }
0xc8: {  	s4 =	sand.u32 $0x4000, s31;
	s1 =	sadd.s32 s1, s30  }
0xc9: {  	s0 =	sor.u32 s4, s0;
	s1 =	sshll.u32 s1, $0x11  }
0xca: {  	s0 =	sor.u32 s1, s0  }
0xcb: {  	s0 =	sadd.s32 $0x8F2B, s0  }
0xcc: {  	[sflag:s0] =	ssyncadd.remote.s32 $0x1  }
0xcd: {  	_ =	sfence.sel $0xFFFF  }
0xce: {  	[dreg:$0x0] =	wrdreg $0xFFFFFFFF;
	(pc) =	sbr.abs _section_cstart, $3  }
0xcf: {  	[dreg:$0x1] =	wrdreg $0xFFFFFFFF  }
0xd0: {  	_ =	task.clear_ibuf [dreg:s22], $0x2FFFF;
	_ =	strace $0x9FFFFFFF  }
0xd1: {  	(tm) =	ssettm $0x7FFFFFFF  }
tec
execute0_lowered:
.L_overlay_start_1:
0x0: {  	(tag) =	ssettag $0x1  }
0x1: {  	s1 =	rddreg [dreg:$0x0]  }
0x2: {  	s2 =	srdreg.scid;
	s0 =	stileid.u32  }
0x3: {  	s7 =	rddreg [dreg:$0x1];
	s17 =	simm.s32 $0x1;
	s18 =	simm.s32 $0x80  }
0x4: {  	s19 =	simm.s32 $0x6200;
	s20 =	simm.s32 $0xA200;
	s25 =	smul.u32 $0x6200, s0  }
0x5: {  	s21 =	simm.s32 $0xE200;
	s10 =	sand.u32 $0x1, s2;
	s15 =	smul.u32 $0x310000, s0  }
0x6: {  	s23 =	simm.s32 $0x12200;
	s3 =	sshll.u32 s0, $0x1;
	s14 =	smul.u32 $0x3100, s10  }
0x7: {  	s2 =	simm.s32 $0x0;
	s5 =	sor.u32 s10, s3;
	s16 =	smul.u32 $0x188000, s10  }
0x8: {  	s4 =	sadd.s32 $0xDFAE00, s1;
	[smem:$0x7FF] =	sst s2;
	s8 =	smul.u32 $0x620, s5  }
0x9: {  	s3 =	sadd.s32 $0xF7800, s1;
	s9 =	ssub.s32 $0x2, s10;
	s11 =	smul.u32 $0x188000, s5  }
0xa: {  	_ =	strace $0x8000004A;
	s12 =	sshrl.u32 s9, $0x1;
	s13 =	smul.u32 $0x31000, s5  }
0xb: {  	s5 =	sadd.s32 $0x141AE00, s1;
	s24 =	ssub.s32 s9, s12;
	s28 =	sadd.s32 s14, s25  }
0xc: {  	s30 =	sadd.s32 s16, s15;
	s16 =	simm.s32 $0x3100;
	s25 =	simm.s32 $0x3  }
0xd: {  	s6 =	sadd.s32 s8, s1;
	s7 =	sadd.s32 s7, s8;
	s8 =	smax.u32 s24, $0x1  }
0xe: {  	s26 =	sshrl.u32 s11, $0x3;
	s29 =	sor.u32 $0x800, s13;
	s12 =	sshll.u32 s28, $0x4  }
0xf: {  	s13 =	sadd.s32 $0x8000, s30;
	s24 =	simm.s32 $0x2;
	s6 =	sadd.s32 $0x34200, s6  }
0x10: {  	s9 =	sadd.s32 s4, s26;
	s10 =	sadd.s32 s5, s26;
	s11 =	sadd.s32 s4, s29  }
0x11: {  	s31 =	sadd.s32 $0x1800, s12;
	s12 =	sadd.s32 s5, s29;
	s26 =	simm.s32 $0x0  }
0x12: {  	[dreg:$0x3] =	wrdreg s6;
	s14 =	sadd.s32 s31, s4;
	s1 =	sadd.s32 s31, s5  }
.LBB2_1:
0x13: {  	s0 =	rddreg [dreg:$0x3]  }
0x14: {  	[tilespmem:s2], [sflag:$0x1] =	stream.linear.gather [hbm4b:s0+s2], $0x3100, $0x38;
	[tilespmem:$0x16200] =	vst v63  }
0x15: {  	_ = 	snop  }
0x16: {  	[tilespmem:s16], [sflag:$0x1] =	stream.linear.gather [hbm4b:s7+s2], $0x3100, $0x38;
	[tilespmem:$0x16200] =	vst v63  }
0x17: {  	_ =	swait.ge [sflag:s17], $0x3100  }
0x18: {  	[sflag:s17] =	ssyncset.done $0x0  }
0x19: {  	[sflag:s17] =	ssyncadd.s32 $0xFFFFCF00  }
0x1a: {  	_ =	swait.ge [sflag:s17], $0x3100  }
0x1b: {  	[sflag:s17] =	ssyncset.done $0x0  }
0x1c: {  	[sflag:s17] =	ssyncadd.s32 $0xFFFFCF00  }
0x1d: {  	[tilespmem:s19], [sflag:$0x1] =	stream.indirect.gather [hbm4b:s3+s18], $0x80, s2, s18, $0xb8;
	[tilespmem:$0x16200] =	vst v63  }
0x1e: {  	_ = 	snop  }
0x1f: {  	[tilespmem:s20], [sflag:$0x1] =	stream.indirect.gather [hbm4b:s3+s18], $0x80, s16, s18, $0xb8;
	[tilespmem:$0x16200] =	vst v63  }
0x20: {  	_ =	swait.ge [sflag:s17], $0x4000  }
0x21: {  	[sflag:s17] =	ssyncset.done $0x0  }
0x22: {  	[sflag:s17] =	ssyncadd.s32 $0xFFFFC000  }
0x23: {  	_ =	swait.ge [sflag:s17], $0x4000  }
0x24: {  	[sflag:s17] =	ssyncset.done $0x0  }
0x25: {  	[sflag:s17] =	ssyncadd.s32 $0xFFFFC000  }
0x26: {  	[hbm4b:s9+s2] =	stream.linear.scatter [tilespmem:s19], [sflag:$0x2], $0x4000, $0x38;
	[tilespmem:$0x16200] =	vst v63  }
0x27: {  	_ = 	snop  }
0x28: {  	[hbm4b:s10+s2] =	stream.linear.scatter [tilespmem:s20], [sflag:$0x2], $0x4000, $0x38;
	[tilespmem:$0x16200] =	vst v63  }
0x29: {  	_ = 	snop  }
0x2a: {  	[tilespmem:s21], [sflag:$0x1] =	stream.indirect.gather [hbm4b:s3+s18], $0x80, s18, s18, $0xb8;
	[tilespmem:$0x16200] =	vst v63  }
0x2b: {  	s15 =	simm.s32 $0x3180  }
0x2c: {  	[tilespmem:s23], [sflag:$0x1] =	stream.indirect.gather [hbm4b:s3+s18], $0x80, s15, s18, $0xb8;
	[tilespmem:$0x16200] =	vst v63  }
0x2d: {  	_ =	swait.ge [sflag:s17], $0x4000  }
0x2e: {  	[sflag:s17] =	ssyncset.done $0x0  }
0x2f: {  	[sflag:s17] =	ssyncadd.s32 $0xFFFFC000  }
0x30: {  	_ =	swait.ge [sflag:s17], $0x4000  }
0x31: {  	[sflag:s17] =	ssyncset.done $0x0  }
0x32: {  	[sflag:s17] =	ssyncadd.s32 $0xFFFFC000  }
0x33: {  	[hbm4b:s11+s2] =	stream.linear.scatter [tilespmem:s21], [sflag:$0x3], $0x4000, $0x38;
	[tilespmem:$0x16200] =	vst v63  }
0x34: {  	_ = 	snop  }
0x35: {  	[hbm4b:s12+s2] =	stream.linear.scatter [tilespmem:s23], [sflag:$0x3], $0x4000, $0x38;
	[tilespmem:$0x16200] =	vst v63  }
0x36: {  	_ =	swait.ge [sflag:s24], $0x4000  }
0x37: {  	[sflag:s24] =	ssyncset.done $0x0  }
0x38: {  	[sflag:s24] =	ssyncadd.s32 $0xFFFFC000  }
0x39: {  	_ =	swait.ge [sflag:s24], $0x4000  }
0x3a: {  	[sflag:s24] =	ssyncset.done $0x0  }
0x3b: {  	s15 =	simm.s32 $0x100;
	[sflag:s24] =	ssyncadd.s32 $0xFFFFC000  }
0x3c: {  	[tilespmem:s19], [sflag:$0x1] =	stream.indirect.gather [hbm4b:s3+s18], $0x80, s15, s18, $0xb8;
	[tilespmem:$0x16200] =	vst v63  }
0x3d: {  	s22 =	simm.s32 $0x3200  }
0x3e: {  	[tilespmem:s20], [sflag:$0x1] =	stream.indirect.gather [hbm4b:s3+s18], $0x80, s22, s18, $0xb8;
	[tilespmem:$0x16200] =	vst v63  }
0x3f: {  	_ =	swait.ge [sflag:s17], $0x4000  }
0x40: {  	[sflag:s17] =	ssyncset.done $0x0  }
0x41: {  	[sflag:s17] =	ssyncadd.s32 $0xFFFFC000  }
0x42: {  	_ =	swait.ge [sflag:s17], $0x4000  }
0x43: {  	s0 =	sshrl.u32 s13, $0x3;
	[sflag:s17] =	ssyncset.done $0x0  }
0x44: {  	s28 =	sadd.s32 s4, s0;
	[sflag:s17] =	ssyncadd.s32 $0xFFFFC000  }
0x45: {  	[hbm4b:s28+s2] =	stream.linear.scatter [tilespmem:s19], [sflag:$0x2], $0x4000, $0x38;
	[tilespmem:$0x16200] =	vst v63  }
0x46: {  	s15 =	sadd.s32 s5, s0  }
0x47: {  	[hbm4b:s15+s2] =	stream.linear.scatter [tilespmem:s20], [sflag:$0x2], $0x4000, $0x38;
	[tilespmem:$0x16200] =	vst v63  }
0x48: {  	_ =	swait.ge [sflag:s25], $0x4000  }
0x49: {  	[sflag:s25] =	ssyncset.done $0x0  }
0x4a: {  	[sflag:s25] =	ssyncadd.s32 $0xFFFFC000  }
0x4b: {  	_ =	swait.ge [sflag:s25], $0x4000  }
0x4c: {  	[sflag:s25] =	ssyncset.done $0x0  }
0x4d: {  	s6 =	simm.s32 $0x180;
	[sflag:s25] =	ssyncadd.s32 $0xFFFFC000  }
0x4e: {  	[tilespmem:s21], [sflag:$0x1] =	stream.indirect.gather [hbm4b:s3+s18], $0x80, s6, s18, $0xb8;
	[tilespmem:$0x16200] =	vst v63  }
0x4f: {  	s22 =	simm.s32 $0x3280  }
0x50: {  	[tilespmem:s23], [sflag:$0x1] =	stream.indirect.gather [hbm4b:s3+s18], $0x80, s22, s18, $0xb8;
	[tilespmem:$0x16200] =	vst v63  }
0x51: {  	_ =	swait.ge [sflag:s17], $0x4000  }
0x52: {  	[sflag:s17] =	ssyncset.done $0x0  }
0x53: {  	[sflag:s17] =	ssyncadd.s32 $0xFFFFC000  }
0x54: {  	s29 =	sadd.s32 $0x8000, s13;
	_ =	swait.ge [sflag:s17], $0x4000  }
0x55: {  	s30 =	sadd.s32 $0x1000, s14;
	s31 =	sadd.s32 $0x1000, s1;
	[sflag:s17] =	ssyncset.done $0x0  }
0x56: {  	s28 =	simm.s32 $0x400;
	s15 =	smov.u32 s1;
	[sflag:s17] =	ssyncadd.s32 $0xFFFFC000  }
0x57: {  	[hbm4b:s14+s2] =	stream.linear.scatter [tilespmem:s21], [sflag:$0x3], $0x4000, $0x38;
	[tilespmem:$0x16200] =	vst v63  }
.LBB2_2:
0x58: {  	[hbm4b:s15+s2] =	stream.linear.scatter [tilespmem:s23], [sflag:$0x3], $0x4000, $0x38;
	[tilespmem:$0x16200] =	vst v63  }
0x59: {  	s0 =	smov.u32 s28;
	s15 =	smov.u32 s31  }
0x5a: {  	p0 =	sne.s32 s28, $0xBC00;
	s28 =	sadd.s32 $0x400, s28;
	_ =	swait.ge [sflag:s24], $0x4000  }
0x5b: {  	[sflag:s24] =	ssyncset.done $0x0  }
0x5c: {  	[sflag:s24] =	ssyncadd.s32 $0xFFFFC000  }
0x5d: {  	_ =	swait.ge [sflag:s24], $0x4000  }
0x5e: {  	s0 =	sshra.s32 s0, $0x2;
	[sflag:s24] =	ssyncset.done $0x0  }
0x5f: {  	s22 =	sadd.s32 $0x100, s0;
	[sflag:s24] =	ssyncadd.s32 $0xFFFFC000  }
0x60: {  	[tilespmem:s19], [sflag:$0x1] =	stream.indirect.gather [hbm4b:s3+s18], $0x80, s22, s18, $0xb8;
	[tilespmem:$0x16200] =	vst v63  }
0x61: {  	s22 =	sadd.s32 $0x3200, s0  }
0x62: {  	[tilespmem:s20], [sflag:$0x1] =	stream.indirect.gather [hbm4b:s3+s18], $0x80, s22, s18, $0xb8;
	[tilespmem:$0x16200] =	vst v63  }
0x63: {  	_ =	swait.ge [sflag:s17], $0x4000  }
0x64: {  	[sflag:s17] =	ssyncset.done $0x0  }
0x65: {  	[sflag:s17] =	ssyncadd.s32 $0xFFFFC000  }
0x66: {  	_ =	swait.ge [sflag:s17], $0x4000  }
0x67: {  	s22 =	sshrl.u32 s29, $0x3;
	[sflag:s17] =	ssyncset.done $0x0  }
0x68: {  	s6 =	sadd.s32 s4, s22;
	[sflag:s17] =	ssyncadd.s32 $0xFFFFC000  }
0x69: {  	[hbm4b:s6+s2] =	stream.linear.scatter [tilespmem:s19], [sflag:$0x2], $0x4000, $0x38;
	[tilespmem:$0x16200] =	vst v63  }
0x6a: {  	s6 =	sadd.s32 s5, s22  }
0x6b: {  	[hbm4b:s6+s2] =	stream.linear.scatter [tilespmem:s20], [sflag:$0x2], $0x4000, $0x38;
	[tilespmem:$0x16200] =	vst v63  }
0x6c: {  	_ =	swait.ge [sflag:s25], $0x4000  }
0x6d: {  	[sflag:s25] =	ssyncset.done $0x0  }
0x6e: {  	[sflag:s25] =	ssyncadd.s32 $0xFFFFC000  }
0x6f: {  	_ =	swait.ge [sflag:s25], $0x4000  }
0x70: {  	[sflag:s25] =	ssyncset.done $0x0  }
0x71: {  	s6 =	sadd.s32 $0x180, s0;
	[sflag:s25] =	ssyncadd.s32 $0xFFFFC000  }
0x72: {  	[tilespmem:s21], [sflag:$0x1] =	stream.indirect.gather [hbm4b:s3+s18], $0x80, s6, s18, $0xb8;
	[tilespmem:$0x16200] =	vst v63  }
0x73: {  	s0 =	sadd.s32 $0x3280, s0  }
0x74: {  	[tilespmem:s23], [sflag:$0x1] =	stream.indirect.gather [hbm4b:s3+s18], $0x80, s0, s18, $0xb8;
	[tilespmem:$0x16200] =	vst v63  }
0x75: {  	_ =	swait.ge [sflag:s17], $0x4000  }
0x76: {  	[sflag:s17] =	ssyncset.done $0x0  }
0x77: {  	[sflag:s17] =	ssyncadd.s32 $0xFFFFC000  }
.Ltmp0:
0x78: {  	_ =	swait.ge [sflag:s17], $0x4000;
	(pc) =	sbr.rel @p0 .LBB2_2-.Ltmp0, $4  }
0x79: {  	[sflag:s17] =	ssyncset.done $0x0  }
0x7a: {  	[sflag:s17] =	ssyncadd.s32 $0xFFFFC000  }
0x7b: {  	[hbm4b:s30+s2] =	stream.linear.scatter [tilespmem:s21], [sflag:$0x3], $0x4000, $0x38;
	[tilespmem:$0x16200] =	vst v63  }
0x7c: {  	s31 =	sadd.s32 $0x1000, s31;
	s29 =	sadd.s32 $0x8000, s29;
	s30 =	sadd.s32 $0x1000, s30  }
0x7d: {  	[hbm4b:s15+s2] =	stream.linear.scatter [tilespmem:s23], [sflag:$0x3], $0x4000, $0x38;
	[tilespmem:$0x16200] =	vst v63  }
0x7e: {  	_ =	swait.ge [sflag:s24], $0x4000  }
0x7f: {  	[sflag:s24] =	ssyncset.done $0x0  }
0x80: {  	[sflag:s24] =	ssyncadd.s32 $0xFFFFC000  }
0x81: {  	_ =	swait.ge [sflag:s24], $0x4000  }
0x82: {  	[sflag:s24] =	ssyncset.done $0x0  }
0x83: {  	s26 =	sadd.s32 $0x1, s26;
	[sflag:s24] =	ssyncadd.s32 $0xFFFFC000  }
0x84: {  	p0 =	sne.s32 s26, s8;
	_ =	swait.ge [sflag:s25], $0x4000  }
.Ltmp1:
0x85: {  	[sflag:s25] =	ssyncset.done $0x0;
	(pc) =	sbr.rel @p0 .LBB2_1-.Ltmp1, $4  }
0x86: {  	[sflag:s25] =	ssyncadd.s32 $0xFFFFC000  }
0x87: {  	_ =	swait.ge [sflag:s25], $0x4000  }
0x88: {  	[sflag:s25] =	ssyncset.done $0x0  }
0x89: {  	[sflag:s25] =	ssyncadd.s32 $0xFFFFC000  }
0x8a: {  	_ =	sfence.sel $0x180000  }
0x8b: {  	[bflag:$0x0] =	sbarrier.arrive $0xFFFF  }
0x8c: {  	_ =	strace $0x9000004A  }
0x8d: {  	s0 =	stileid.u32;
	[bflag:$0x2] =	sbarrier.arrive $0xFFFF  }
0x8e: {  	p0 =	sne.s32 s0, $0x0;
	s0 =	rddreg [dreg:$0x2]  }
0x8f: {  	s0 =	sadd.s32 @!p0 $0x100000, s0  }
0x90: {  	[sflag:s0] =	ssyncadd.tile.s32 @!p0 $0x1;
	_ =	shalt  }
.Lfunc_end2:
_tile_overlayer_lowered:
.L_overlay_start_2:
0x91: {  	(tag) =	ssettag $0x2  }
0x92: {  	s0 =	rddreg [dreg:$0x0];
	s2 =	stileid.u32  }
0x93: {  	s1 =	rddreg [dreg:$0x1];
	p0 =	sne.s32 s2, $0x0  }
0x94: {  	s3 =	rddreg [dreg:$0x2];
	[bflag:$0x3] =	sbarrier.arrive $0xFFFF;
	s2 =	simm.s32 @!p0 $0x1C04  }
0x95: {  	[timem:s3], [sflag:s2] =	dma.local @!p0 [hbm:s0], s1  }
0x96: {  	s0 =	simm.s32 @!p0 $0x4  }
0x97: {  	_ =	swait.ge @!p0 [sflag:s0], s1  }
0x98: {  	s1 =	ssub.s32 @!p0 $0x0, s1;
	[sflag:s0] =	ssyncset.done @!p0 $0x0  }
0x99: {  	[sflag:s0] =	ssyncadd.s32 @!p0 s1  }
0x9a: {  	[bflag:$0x3] =	sbarrier.arrive $0xFFFF  }
0x9b: {  	_ =	shalt  }

</sc_bundles>
